<compile_context>
chip_gen: v7x
topology: tpu7x:2x2x1
jax: 0.10.2.dev20260603
libtpu: 0.0.44.dev20260713+nightly
codegen_flags: <defaults>
</compile_context>

<pallas_src>
import functools

import jax
import jax.numpy as jnp
from jax import lax
from jax.experimental import pallas as pl
from jax.experimental.pallas import tpu as pltpu
from jax.experimental.pallas import tpu_sc as plsc

N = 10000
D = 128
E = 320000
HID = 128

NC = 2
NS = 16
NW = NC * NS
EPW = E // NW
C = 125
K = EPW // C
KH = K // 2
RPT = N // NS
ZR = RPT // C

_mesh = plsc.VectorSubcoreMesh(core_axis_name="c", subcore_axis_name="s")



DW = 128


@functools.partial(
    pl.kernel,
    out_type=jax.ShapeDtypeStruct((NC, NS, RPT, DW), jnp.float32),
    mesh=_mesh,
    scratch_types=[
        pltpu.VMEM((K, C), jnp.int32),
        pltpu.VMEM((C, DW), jnp.float32),
        pltpu.VMEM((C, DW), jnp.float32),
        pltpu.VMEM_SHARED((N, DW), jnp.float32),
    ],
)
def _sc_degree(dst_hbm, zo_hbm, out_hbm, idx_v, zero_v, ones_v, acc_sh):
    cid = lax.axis_index("c")
    sid = lax.axis_index("s")
    wid = sid * NC + cid

    pltpu.sync_copy(dst_hbm.at[wid], idx_v)
    pltpu.sync_copy(zo_hbm.at[0], zero_v)
    pltpu.sync_copy(zo_hbm.at[1], ones_v)
    for r in range(ZR):
        pltpu.sync_copy(zero_v, acc_sh.at[pl.ds(sid * RPT + r * C, C)])
    plsc.subcore_barrier()

    def _scat(sem):
        def fire(j):
            pltpu.async_copy(ones_v, acc_sh.at[idx_v.at[j]], sem, add=True)

        def wait_one():
            pltpu.make_async_copy(ones_v, acc_sh.at[idx_v.at[0]], sem).wait()

        for j in range(4):
            fire(j)

        def body(j, carry):
            wait_one()
            fire(j + 4)
            return carry

        lax.fori_loop(0, K - 4, body, 0)
        for _ in range(4):
            wait_one()

    pl.run_scoped(_scat, sem=pltpu.SemaphoreType.DMA(()))
    plsc.subcore_barrier()

    pltpu.sync_copy(acc_sh.at[pl.ds(sid * RPT, RPT)], out_hbm.at[cid, sid])


@functools.partial(
    pl.kernel,
    out_type=jax.ShapeDtypeStruct((NC, NS, RPT, HID), jnp.float32),
    mesh=_mesh,
    scratch_types=[
        pltpu.VMEM((KH, C), jnp.int32),
        pltpu.VMEM((KH, C), jnp.int32),
        pltpu.VMEM((C, HID), jnp.float32),
        pltpu.VMEM((C, HID), jnp.float32),
        pltpu.VMEM_SHARED((N, HID), jnp.float32),
    ],
)
def _sc_segsum(u_hbm, src_hbm, dst_hbm, out_hbm, src_v, dst_v, b0, b1, acc_sh):
    cid = lax.axis_index("c")
    sid = lax.axis_index("s")
    wid = sid * NC + cid

    def gstart(j, buf, sem):
        return pltpu.async_copy(u_hbm.at[src_v.at[j]], buf, sem)

    def gwait(j, buf, sem):
        pltpu.make_async_copy(u_hbm.at[src_v.at[j]], buf, sem).wait()

    def sstart(j, buf, sem):
        return pltpu.async_copy(buf, acc_sh.at[dst_v.at[j]], sem, add=True)

    def swait(j, buf, sem):
        pltpu.make_async_copy(buf, acc_sh.at[dst_v.at[j]], sem).wait()

    z16 = jnp.zeros((16,), jnp.float32)

    def zfill(i, carry):
        for t in range(HID // 16):
            b0[i, pl.ds(t * 16, 16)] = z16
        return carry

    lax.fori_loop(0, C, zfill, 0)
    for r in range(ZR):
        pltpu.sync_copy(b0, acc_sh.at[pl.ds(sid * RPT + r * C, C)])
    plsc.subcore_barrier()

    def _run(g0, g1, s0, s1):
        for h in range(2):
            pltpu.sync_copy(src_hbm.at[wid, pl.ds(h * KH, KH)], src_v)
            pltpu.sync_copy(dst_hbm.at[wid, pl.ds(h * KH, KH)], dst_v)

            gstart(0, b0, g0).wait()
            sstart(0, b0, s0)
            gstart(1, b1, g1)

            def body(jj, carry):
                j = 2 * jj
                gwait(j + 1, b1, g1)
                sb = sstart(j + 1, b1, s1)
                swait(j, b0, s0)
                gstart(j + 2, b0, g0).wait()
                sstart(j + 2, b0, s0)
                sb.wait()
                gstart(j + 3, b1, g1)
                return carry

            lax.fori_loop(0, KH // 2 - 1, body, 0)
            gwait(KH - 1, b1, g1)
            sb = sstart(KH - 1, b1, s1)
            swait(KH - 2, b0, s0)
            sb.wait()

    pl.run_scoped(_run, g0=pltpu.SemaphoreType.DMA(()),
                  g1=pltpu.SemaphoreType.DMA(()),
                  s0=pltpu.SemaphoreType.DMA(()),
                  s1=pltpu.SemaphoreType.DMA(()))

    plsc.subcore_barrier()
    pltpu.sync_copy(acc_sh.at[pl.ds(sid * RPT, RPT)], out_hbm.at[cid, sid])



def _k1_body(x_ref, w_ref, degp_ref, u_ref, dinv_ref):
    deg = degp_ref[0, :, 0] + degp_ref[1, :, 0] + 1.0
    dinv = lax.rsqrt(deg)
    xw = jnp.dot(x_ref[...], w_ref[...], preferred_element_type=jnp.float32)
    u_ref[...] = xw * dinv[:, None]
    dinv_ref[...] = dinv[:, None]


def _k2_body(s_ref, u_ref, dinv_ref, b_ref, w_ref, o_ref):
    s = s_ref[0] + s_ref[1] + u_ref[...]
    h = jnp.maximum(s * dinv_ref[...] + b_ref[...], 0.0)
    o_ref[...] = jnp.dot(h, w_ref[...],
                         preferred_element_type=jnp.float32) * dinv_ref[...]


def _k3_body(s_ref, u_ref, dinv_ref, b_ref, wc_ref, bc_ref, o_ref):
    h2 = (s_ref[0] + s_ref[1] + u_ref[...]) * dinv_ref[...] + b_ref[...]
    o_ref[...] = jnp.dot(h2, wc_ref[...],
                         preferred_element_type=jnp.float32) + bc_ref[...]


_k1 = pl.pallas_call(
    _k1_body,
    out_shape=(jax.ShapeDtypeStruct((N, HID), jnp.float32),
               jax.ShapeDtypeStruct((N, 1), jnp.float32)),
)

_k2 = pl.pallas_call(
    _k2_body,
    out_shape=jax.ShapeDtypeStruct((N, HID), jnp.float32),
)

_k3 = pl.pallas_call(
    _k3_body,
    out_shape=jax.ShapeDtypeStruct((N, HID), jnp.float32),
)



def kernel(x, edge_index, W1, b1, W2, b2, Wa, ba, Wr, br):
    src3 = edge_index[0].reshape(NW, K, C)
    dst3 = edge_index[1].reshape(NW, K, C)

    zo = jnp.stack([jnp.zeros((C, DW), jnp.float32),
                    jnp.ones((C, DW), jnp.float32)])
    degp = _sc_degree(dst3, zo).reshape(NC, N, DW)
    u1, dinv = _k1(x, W1, degp)
    s1 = _sc_segsum(u1, src3, dst3).reshape(NC, N, HID)
    u2 = _k2(s1, u1, dinv, b1.reshape(1, HID), W2)
    s2 = _sc_segsum(u2, src3, dst3).reshape(NC, N, HID)
    Wc = jnp.concatenate([Wa, Wr], axis=1)
    bc = jnp.concatenate([ba, br]).reshape(1, HID)
    return _k3(s2, u2, dinv, b2.reshape(1, HID), Wc, bc)

# --- scband reference (transcript-rebuilt; emitter-appended) ---
"""Pipeline reference for scband-attract-repel-10857677324543 (READ-ONLY COPY).

The authoritative reference and input builder live on the scoring server;
editing this copy changes nothing except your own understanding.
"""

import jax, jax.numpy as jnp
import numpy as np

N = 10000
D = 128
E = 320000
HID = 128
A_DIM = 64
R_DIM = 64


def setup_inputs(seed: int = 0) -> dict:
    key = jax.random.key(seed)
    ks = jax.random.split(key, 12)
    x = jax.random.normal(ks[0], (N, D), dtype=jnp.float32)
    edge_index = jax.random.randint(ks[1], (2, E), 0, N, dtype=jnp.int32)
    s = 1.0 / np.sqrt(D)
    W1 = jax.random.normal(ks[2], (D, HID), dtype=jnp.float32) * s
    b1 = jnp.zeros((HID,), dtype=jnp.float32)
    W2 = jax.random.normal(ks[3], (HID, HID), dtype=jnp.float32) * s
    b2 = jnp.zeros((HID,), dtype=jnp.float32)
    Wa = jax.random.normal(ks[4], (HID, A_DIM), dtype=jnp.float32) * s
    ba = jnp.zeros((A_DIM,), dtype=jnp.float32)
    Wr = jax.random.normal(ks[5], (HID, R_DIM), dtype=jnp.float32) * s
    br = jnp.zeros((R_DIM,), dtype=jnp.float32)
    return {"x": x, "edge_index": edge_index, "W1": W1, "b1": b1, "W2": W2, "b2": b2, "Wa": Wa, "ba": ba, "Wr": Wr, "br": br}


def reference(x, edge_index, W1, b1, W2, b2, Wa, ba, Wr, br):
    n = x.shape[0]
    # GCN normalization with added self-loops (PyG GCNConv default)
    sl = jnp.arange(n, dtype=edge_index.dtype)
    src = jnp.concatenate([edge_index[0], sl])
    dst = jnp.concatenate([edge_index[1], sl])
    deg = jnp.zeros((n,), x.dtype).at[dst].add(1.0)
    dinv = jnp.where(deg > 0, jax.lax.rsqrt(deg), 0.0)
    norm = (dinv[src] * dinv[dst])[:, None]

    def conv(h, W, b):
        hw = h @ W
        msg = hw[src] * norm
        agg = jnp.zeros((n, W.shape[1]), h.dtype).at[dst].add(msg)
        return agg + b

    h = jax.nn.relu(conv(x, W1, b1))
    h = conv(h, W2, b2)  # last layer of PyG basic GCN has no activation
    attract = h @ Wa + ba
    repel = h @ Wr + br
    # edge_index kwarg (prediction edges) is None in this call path, so
    # forward returns concatenated attract/repel node embeddings
    return jnp.concatenate([attract, repel], axis=1)

if __name__ == "__main__":
    import jax
    _d = setup_inputs()
    print(jax.jit(kernel)(*tuple(_d.values())))

</pallas_src>

<mosaic_0001>
#map = affine_map<(d0, d1) -> (0, 0)>
#map1 = affine_map<(d0, d1) -> (0, 0, 0)>
#map2 = affine_map<(d0, d1) -> (0, 0, 0, 0)>
module attributes {stable_mosaic.version = 14 : i64} {
  func.func @_sc_segsum(%arg0: i32, %arg1: i32, %arg2: memref<10000x128xf32, #tpu.memory_space<hbm>>, %arg3: memref<32x80x125xi32, #tpu.memory_space<hbm>>, %arg4: memref<32x80x125xi32, #tpu.memory_space<hbm>>, %arg5: memref<2x16x625x128xf32, #tpu.memory_space<hbm>>, %arg6: memref<40x125xi32, #tpu.memory_space<vmem>>, %arg7: memref<40x125xi32, #tpu.memory_space<vmem>>, %arg8: memref<125x128xf32, #tpu.memory_space<vmem>>, %arg9: memref<125x128xf32, #tpu.memory_space<vmem>>, %arg10: memref<10000x128xf32, #tpu.memory_space<vmem_shared>>) attributes {dimension_semantics = [#tpu.dimension_semantics<core_parallel>, #tpu.dimension_semantics<subcore_parallel>], iteration_bounds = array<i64: 2, 16>, scalar_prefetch = 0 : i64, scratch_operands = 5 : i64, tpu.core_type = #tpu.core_type<sc_vector_subcore>, window_params = [{transform_indices = #map}, {transform_indices = #map1}, {transform_indices = #map1}, {transform_indices = #map2}]} {
    %mul3A = arith.constant 2 : i32
    %mul3A_0 = arith.muli %arg1, %mul3A : i32
    %add3A = arith.addi %mul3A_0, %arg0 : i32
    %broadcast_in_dim3A = arith.constant 0.000000e+00 : f32
    %broadcast_in_dim3A_1 = vector.broadcast %broadcast_in_dim3A : f32 to vector<16xf32>
    %scan3A = arith.constant 0 : i32
    %scan3A_2 = arith.constant 0 : i32
    %scan3A_3 = arith.constant 125 : i32
    %scan3A_4 = arith.addi %scan3A_2, %scan3A_3 : i32
    %scan3A_5 = arith.constant 1 : i32
    scf.for %scan3A_30 = %scan3A_2 to %scan3A_4 step %scan3A_5  : i32 {
      %swap3A = arith.index_cast %scan3A_30 : i32 to index
      %swap3A_31 = arith.constant 0 : index
      %swap3A_32 = tpu.vector_load %arg8[%swap3A, %swap3A_31] {strides = array<i32>} : memref<125x128xf32, #tpu.memory_space<vmem>>, vector<1x16xf32>,
      %swap3A_33 = vector.shape_cast %swap3A_32 : vector<1x16xf32> to vector<16xf32>
      %swap3A_34 = vector.shape_cast %broadcast_in_dim3A_1 : vector<16xf32> to vector<1x16xf32>
      tpu.vector_store %arg8[%swap3A, %swap3A_31], %swap3A_34 {strides = array<i32>} : memref<125x128xf32, #tpu.memory_space<vmem>>, vector<1x16xf32>,
      %swap3A_35 = arith.index_cast %scan3A_30 : i32 to index
      %swap3A_36 = arith.constant 16 : index
      %swap3A_37 = tpu.vector_load %arg8[%swap3A_35, %swap3A_36] {strides = array<i32>} : memref<125x128xf32, #tpu.memory_space<vmem>>, vector<1x16xf32>,
      %swap3A_38 = vector.shape_cast %swap3A_37 : vector<1x16xf32> to vector<16xf32>
      %swap3A_39 = vector.shape_cast %broadcast_in_dim3A_1 : vector<16xf32> to vector<1x16xf32>
      tpu.vector_store %arg8[%swap3A_35, %swap3A_36], %swap3A_39 {strides = array<i32>} : memref<125x128xf32, #tpu.memory_space<vmem>>, vector<1x16xf32>,
      %swap3A_40 = arith.index_cast %scan3A_30 : i32 to index
      %swap3A_41 = arith.constant 32 : index
      %swap3A_42 = tpu.vector_load %arg8[%swap3A_40, %swap3A_41] {strides = array<i32>} : memref<125x128xf32, #tpu.memory_space<vmem>>, vector<1x16xf32>,
      %swap3A_43 = vector.shape_cast %swap3A_42 : vector<1x16xf32> to vector<16xf32>
      %swap3A_44 = vector.shape_cast %broadcast_in_dim3A_1 : vector<16xf32> to vector<1x16xf32>
      tpu.vector_store %arg8[%swap3A_40, %swap3A_41], %swap3A_44 {strides = array<i32>} : memref<125x128xf32, #tpu.memory_space<vmem>>, vector<1x16xf32>,
      %swap3A_45 = arith.index_cast %scan3A_30 : i32 to index
      %swap3A_46 = arith.constant 48 : index
      %swap3A_47 = tpu.vector_load %arg8[%swap3A_45, %swap3A_46] {strides = array<i32>} : memref<125x128xf32, #tpu.memory_space<vmem>>, vector<1x16xf32>,
      %swap3A_48 = vector.shape_cast %swap3A_47 : vector<1x16xf32> to vector<16xf32>
      %swap3A_49 = vector.shape_cast %broadcast_in_dim3A_1 : vector<16xf32> to vector<1x16xf32>
      tpu.vector_store %arg8[%swap3A_45, %swap3A_46], %swap3A_49 {strides = array<i32>} : memref<125x128xf32, #tpu.memory_space<vmem>>, vector<1x16xf32>,
      %swap3A_50 = arith.index_cast %scan3A_30 : i32 to index
      %swap3A_51 = arith.constant 64 : index
      %swap3A_52 = tpu.vector_load %arg8[%swap3A_50, %swap3A_51] {strides = array<i32>} : memref<125x128xf32, #tpu.memory_space<vmem>>, vector<1x16xf32>,
      %swap3A_53 = vector.shape_cast %swap3A_52 : vector<1x16xf32> to vector<16xf32>
      %swap3A_54 = vector.shape_cast %broadcast_in_dim3A_1 : vector<16xf32> to vector<1x16xf32>
      tpu.vector_store %arg8[%swap3A_50, %swap3A_51], %swap3A_54 {strides = array<i32>} : memref<125x128xf32, #tpu.memory_space<vmem>>, vector<1x16xf32>,
      %swap3A_55 = arith.index_cast %scan3A_30 : i32 to index
      %swap3A_56 = arith.constant 80 : index
      %swap3A_57 = tpu.vector_load %arg8[%swap3A_55, %swap3A_56] {strides = array<i32>} : memref<125x128xf32, #tpu.memory_space<vmem>>, vector<1x16xf32>,
      %swap3A_58 = vector.shape_cast %swap3A_57 : vector<1x16xf32> to vector<16xf32>
      %swap3A_59 = vector.shape_cast %broadcast_in_dim3A_1 : vector<16xf32> to vector<1x16xf32>
      tpu.vector_store %arg8[%swap3A_55, %swap3A_56], %swap3A_59 {strides = array<i32>} : memref<125x128xf32, #tpu.memory_space<vmem>>, vector<1x16xf32>,
      %swap3A_60 = arith.index_cast %scan3A_30 : i32 to index
      %swap3A_61 = arith.constant 96 : index
      %swap3A_62 = tpu.vector_load %arg8[%swap3A_60, %swap3A_61] {strides = array<i32>} : memref<125x128xf32, #tpu.memory_space<vmem>>, vector<1x16xf32>,
      %swap3A_63 = vector.shape_cast %swap3A_62 : vector<1x16xf32> to vector<16xf32>
      %swap3A_64 = vector.shape_cast %broadcast_in_dim3A_1 : vector<16xf32> to vector<1x16xf32>
      tpu.vector_store %arg8[%swap3A_60, %swap3A_61], %swap3A_64 {strides = array<i32>} : memref<125x128xf32, #tpu.memory_space<vmem>>, vector<1x16xf32>,
      %swap3A_65 = arith.index_cast %scan3A_30 : i32 to index
      %swap3A_66 = arith.constant 112 : index
      %swap3A_67 = tpu.vector_load %arg8[%swap3A_65, %swap3A_66] {strides = array<i32>} : memref<125x128xf32, #tpu.memory_space<vmem>>, vector<1x16xf32>,
      %swap3A_68 = vector.shape_cast %swap3A_67 : vector<1x16xf32> to vector<16xf32>
      %swap3A_69 = vector.shape_cast %broadcast_in_dim3A_1 : vector<16xf32> to vector<1x16xf32>
      tpu.vector_store %arg8[%swap3A_65, %swap3A_66], %swap3A_69 {strides = array<i32>} : memref<125x128xf32, #tpu.memory_space<vmem>>, vector<1x16xf32>,
    }
    %scan3A_6 = arith.constant 125 : i32
    %mul3A_7 = arith.constant 625 : i32
    %mul3A_8 = arith.muli %arg1, %mul3A_7 : i32
    %add3A_9 = arith.constant 0 : i32
    %add3A_10 = arith.addi %mul3A_8, %add3A_9 : i32
    "tpu.region"() ({
      %run_scoped3A = tpu.sem_alloc : memref<!tpu.dma_semaphore, #tpu.memory_space<semaphore_mem>>
      %dma_start3A = arith.constant 0 : i32
      %dma_start3A_30 = tpu.memref_slice %arg10[%add3A_10, %dma_start3A] : memref<10000x128xf32, #tpu.memory_space<vmem_shared>> -> memref<125x128xf32, #tpu.memory_space<vmem_shared>>
      %dma_start3A_31 = arith.constant 0 : i32
      %dma_start3A_32 = tpu.memref_slice %arg10[%add3A_10, %dma_start3A_31] : memref<10000x128xf32, #tpu.memory_space<vmem_shared>> -> memref<125x128xf32, #tpu.memory_space<vmem_shared>>
      tpu.enqueue_dma source(%arg8 : memref<125x128xf32, #tpu.memory_space<vmem>>) target(%dma_start3A_32 : memref<125x128xf32, #tpu.memory_space<vmem_shared>>) target_semaphore(%run_scoped3A : memref<!tpu.dma_semaphore, #tpu.memory_space<semaphore_mem>>)
      %dma_wait3A = arith.constant 0 : i32
      %dma_wait3A_33 = tpu.memref_slice %arg10[%add3A_10, %dma_wait3A] : memref<10000x128xf32, #tpu.memory_space<vmem_shared>> -> memref<125x128xf32, #tpu.memory_space<vmem_shared>>
      %dma_wait3A_34 = arith.constant 0 : i32
      %dma_wait3A_35 = tpu.memref_slice %arg10[%add3A_10, %dma_wait3A_34] : memref<10000x128xf32, #tpu.memory_space<vmem_shared>> -> memref<125x128xf32, #tpu.memory_space<vmem_shared>>
      tpu.wait_dma2 semaphore(%run_scoped3A : memref<!tpu.dma_semaphore, #tpu.memory_space<semaphore_mem>>) src(%arg8 : memref<125x128xf32, #tpu.memory_space<vmem>>) dst(%dma_wait3A_35 : memref<125x128xf32, #tpu.memory_space<vmem_shared>>)
      tpu.yield
    }) : () -> ()
    %mul3A_11 = arith.constant 625 : i32
    %mul3A_12 = arith.muli %arg1, %mul3A_11 : i32
    %add3A_13 = arith.constant 125 : i32
    %add3A_14 = arith.addi %mul3A_12, %add3A_13 : i32
    "tpu.region"() ({
      %run_scoped3A = tpu.sem_alloc : memref<!tpu.dma_semaphore, #tpu.memory_space<semaphore_mem>>
      %dma_start3A = arith.constant 0 : i32
      %dma_start3A_30 = tpu.memref_slice %arg10[%add3A_14, %dma_start3A] : memref<10000x128xf32, #tpu.memory_space<vmem_shared>> -> memref<125x128xf32, #tpu.memory_space<vmem_shared>>
      %dma_start3A_31 = arith.constant 0 : i32
      %dma_start3A_32 = tpu.memref_slice %arg10[%add3A_14, %dma_start3A_31] : memref<10000x128xf32, #tpu.memory_space<vmem_shared>> -> memref<125x128xf32, #tpu.memory_space<vmem_shared>>
      tpu.enqueue_dma source(%arg8 : memref<125x128xf32, #tpu.memory_space<vmem>>) target(%dma_start3A_32 : memref<125x128xf32, #tpu.memory_space<vmem_shared>>) target_semaphore(%run_scoped3A : memref<!tpu.dma_semaphore, #tpu.memory_space<semaphore_mem>>)
      %dma_wait3A = arith.constant 0 : i32
      %dma_wait3A_33 = tpu.memref_slice %arg10[%add3A_14, %dma_wait3A] : memref<10000x128xf32, #tpu.memory_space<vmem_shared>> -> memref<125x128xf32, #tpu.memory_space<vmem_shared>>
      %dma_wait3A_34 = arith.constant 0 : i32
      %dma_wait3A_35 = tpu.memref_slice %arg10[%add3A_14, %dma_wait3A_34] : memref<10000x128xf32, #tpu.memory_space<vmem_shared>> -> memref<125x128xf32, #tpu.memory_space<vmem_shared>>
      tpu.wait_dma2 semaphore(%run_scoped3A : memref<!tpu.dma_semaphore, #tpu.memory_space<semaphore_mem>>) src(%arg8 : memref<125x128xf32, #tpu.memory_space<vmem>>) dst(%dma_wait3A_35 : memref<125x128xf32, #tpu.memory_space<vmem_shared>>)
      tpu.yield
    }) : () -> ()
    %mul3A_15 = arith.constant 625 : i32
    %mul3A_16 = arith.muli %arg1, %mul3A_15 : i32
    %add3A_17 = arith.constant 250 : i32
    %add3A_18 = arith.addi %mul3A_16, %add3A_17 : i32
    "tpu.region"() ({
      %run_scoped3A = tpu.sem_alloc : memref<!tpu.dma_semaphore, #tpu.memory_space<semaphore_mem>>
      %dma_start3A = arith.constant 0 : i32
      %dma_start3A_30 = tpu.memref_slice %arg10[%add3A_18, %dma_start3A] : memref<10000x128xf32, #tpu.memory_space<vmem_shared>> -> memref<125x128xf32, #tpu.memory_space<vmem_shared>>
      %dma_start3A_31 = arith.constant 0 : i32
      %dma_start3A_32 = tpu.memref_slice %arg10[%add3A_18, %dma_start3A_31] : memref<10000x128xf32, #tpu.memory_space<vmem_shared>> -> memref<125x128xf32, #tpu.memory_space<vmem_shared>>
      tpu.enqueue_dma source(%arg8 : memref<125x128xf32, #tpu.memory_space<vmem>>) target(%dma_start3A_32 : memref<125x128xf32, #tpu.memory_space<vmem_shared>>) target_semaphore(%run_scoped3A : memref<!tpu.dma_semaphore, #tpu.memory_space<semaphore_mem>>)
      %dma_wait3A = arith.constant 0 : i32
      %dma_wait3A_33 = tpu.memref_slice %arg10[%add3A_18, %dma_wait3A] : memref<10000x128xf32, #tpu.memory_space<vmem_shared>> -> memref<125x128xf32, #tpu.memory_space<vmem_shared>>
      %dma_wait3A_34 = arith.constant 0 : i32
      %dma_wait3A_35 = tpu.memref_slice %arg10[%add3A_18, %dma_wait3A_34] : memref<10000x128xf32, #tpu.memory_space<vmem_shared>> -> memref<125x128xf32, #tpu.memory_space<vmem_shared>>
      tpu.wait_dma2 semaphore(%run_scoped3A : memref<!tpu.dma_semaphore, #tpu.memory_space<semaphore_mem>>) src(%arg8 : memref<125x128xf32, #tpu.memory_space<vmem>>) dst(%dma_wait3A_35 : memref<125x128xf32, #tpu.memory_space<vmem_shared>>)
      tpu.yield
    }) : () -> ()
    %mul3A_19 = arith.constant 625 : i32
    %mul3A_20 = arith.muli %arg1, %mul3A_19 : i32
    %add3A_21 = arith.constant 375 : i32
    %add3A_22 = arith.addi %mul3A_20, %add3A_21 : i32
    "tpu.region"() ({
      %run_scoped3A = tpu.sem_alloc : memref<!tpu.dma_semaphore, #tpu.memory_space<semaphore_mem>>
      %dma_start3A = arith.constant 0 : i32
      %dma_start3A_30 = tpu.memref_slice %arg10[%add3A_22, %dma_start3A] : memref<10000x128xf32, #tpu.memory_space<vmem_shared>> -> memref<125x128xf32, #tpu.memory_space<vmem_shared>>
      %dma_start3A_31 = arith.constant 0 : i32
      %dma_start3A_32 = tpu.memref_slice %arg10[%add3A_22, %dma_start3A_31] : memref<10000x128xf32, #tpu.memory_space<vmem_shared>> -> memref<125x128xf32, #tpu.memory_space<vmem_shared>>
      tpu.enqueue_dma source(%arg8 : memref<125x128xf32, #tpu.memory_space<vmem>>) target(%dma_start3A_32 : memref<125x128xf32, #tpu.memory_space<vmem_shared>>) target_semaphore(%run_scoped3A : memref<!tpu.dma_semaphore, #tpu.memory_space<semaphore_mem>>)
      %dma_wait3A = arith.constant 0 : i32
      %dma_wait3A_33 = tpu.memref_slice %arg10[%add3A_22, %dma_wait3A] : memref<10000x128xf32, #tpu.memory_space<vmem_shared>> -> memref<125x128xf32, #tpu.memory_space<vmem_shared>>
      %dma_wait3A_34 = arith.constant 0 : i32
      %dma_wait3A_35 = tpu.memref_slice %arg10[%add3A_22, %dma_wait3A_34] : memref<10000x128xf32, #tpu.memory_space<vmem_shared>> -> memref<125x128xf32, #tpu.memory_space<vmem_shared>>
      tpu.wait_dma2 semaphore(%run_scoped3A : memref<!tpu.dma_semaphore, #tpu.memory_space<semaphore_mem>>) src(%arg8 : memref<125x128xf32, #tpu.memory_space<vmem>>) dst(%dma_wait3A_35 : memref<125x128xf32, #tpu.memory_space<vmem_shared>>)
      tpu.yield
    }) : () -> ()
    %mul3A_23 = arith.constant 625 : i32
    %mul3A_24 = arith.muli %arg1, %mul3A_23 : i32
    %add3A_25 = arith.constant 500 : i32
    %add3A_26 = arith.addi %mul3A_24, %add3A_25 : i32
    "tpu.region"() ({
      %run_scoped3A = tpu.sem_alloc : memref<!tpu.dma_semaphore, #tpu.memory_space<semaphore_mem>>
      %dma_start3A = arith.constant 0 : i32
      %dma_start3A_30 = tpu.memref_slice %arg10[%add3A_26, %dma_start3A] : memref<10000x128xf32, #tpu.memory_space<vmem_shared>> -> memref<125x128xf32, #tpu.memory_space<vmem_shared>>
      %dma_start3A_31 = arith.constant 0 : i32
      %dma_start3A_32 = tpu.memref_slice %arg10[%add3A_26, %dma_start3A_31] : memref<10000x128xf32, #tpu.memory_space<vmem_shared>> -> memref<125x128xf32, #tpu.memory_space<vmem_shared>>
      tpu.enqueue_dma source(%arg8 : memref<125x128xf32, #tpu.memory_space<vmem>>) target(%dma_start3A_32 : memref<125x128xf32, #tpu.memory_space<vmem_shared>>) target_semaphore(%run_scoped3A : memref<!tpu.dma_semaphore, #tpu.memory_space<semaphore_mem>>)
      %dma_wait3A = arith.constant 0 : i32
      %dma_wait3A_33 = tpu.memref_slice %arg10[%add3A_26, %dma_wait3A] : memref<10000x128xf32, #tpu.memory_space<vmem_shared>> -> memref<125x128xf32, #tpu.memory_space<vmem_shared>>
      %dma_wait3A_34 = arith.constant 0 : i32
      %dma_wait3A_35 = tpu.memref_slice %arg10[%add3A_26, %dma_wait3A_34] : memref<10000x128xf32, #tpu.memory_space<vmem_shared>> -> memref<125x128xf32, #tpu.memory_space<vmem_shared>>
      tpu.wait_dma2 semaphore(%run_scoped3A : memref<!tpu.dma_semaphore, #tpu.memory_space<semaphore_mem>>) src(%arg8 : memref<125x128xf32, #tpu.memory_space<vmem>>) dst(%dma_wait3A_35 : memref<125x128xf32, #tpu.memory_space<vmem_shared>>)
      tpu.yield
    }) : () -> ()
    %barrier3A = arith.constant 0 : index
    tpu.barrier barrier_id(%barrier3A)
    "tpu.region"() ({
      %run_scoped3A = tpu.sem_alloc : memref<!tpu.dma_semaphore, #tpu.memory_space<semaphore_mem>>
      %run_scoped3A_30 = tpu.sem_alloc : memref<!tpu.dma_semaphore, #tpu.memory_space<semaphore_mem>>
      %run_scoped3A_31 = tpu.sem_alloc : memref<!tpu.dma_semaphore, #tpu.memory_space<semaphore_mem>>
      %run_scoped3A_32 = tpu.sem_alloc : memref<!tpu.dma_semaphore, #tpu.memory_space<semaphore_mem>>
      "tpu.region"() ({
        %run_scoped3A_155 = tpu.sem_alloc : memref<!tpu.dma_semaphore, #tpu.memory_space<semaphore_mem>>
        %dma_start3A_156 = arith.constant 0 : i32
        %dma_start3A_157 = arith.constant 0 : i32
        %dma_start3A_158 = tpu.memref_slice %arg3[%add3A, %dma_start3A_156, %dma_start3A_157] : memref<32x80x125xi32, #tpu.memory_space<hbm>> -> memref<1x40x125xi32, #tpu.memory_space<hbm>>
        %dma_start3A_159 = tpu.memref_squeeze %dma_start3A_158 : memref<1x40x125xi32, #tpu.memory_space<hbm>> -> memref<40x125xi32, #tpu.memory_space<hbm>>
        %dma_start3A_160 = arith.constant 0 : i32
        %dma_start3A_161 = arith.constant 0 : i32
        %dma_start3A_162 = tpu.memref_slice %arg3[%add3A, %dma_start3A_160, %dma_start3A_161] : memref<32x80x125xi32, #tpu.memory_space<hbm>> -> memref<1x40x125xi32, #tpu.memory_space<hbm>>
        %dma_start3A_163 = tpu.memref_squeeze %dma_start3A_162 : memref<1x40x125xi32, #tpu.memory_space<hbm>> -> memref<40x125xi32, #tpu.memory_space<hbm>>
        tpu.enqueue_dma source(%dma_start3A_163 : memref<40x125xi32, #tpu.memory_space<hbm>>) target(%arg6 : memref<40x125xi32, #tpu.memory_space<vmem>>) target_semaphore(%run_scoped3A_155 : memref<!tpu.dma_semaphore, #tpu.memory_space<semaphore_mem>>)
        %dma_wait3A_164 = arith.constant 0 : i32
        %dma_wait3A_165 = arith.constant 0 : i32
        %dma_wait3A_166 = tpu.memref_slice %arg3[%add3A, %dma_wait3A_164, %dma_wait3A_165] : memref<32x80x125xi32, #tpu.memory_space<hbm>> -> memref<1x40x125xi32, #tpu.memory_space<hbm>>
        %dma_wait3A_167 = tpu.memref_squeeze %dma_wait3A_166 : memref<1x40x125xi32, #tpu.memory_space<hbm>> -> memref<40x125xi32, #tpu.memory_space<hbm>>
        %dma_wait3A_168 = arith.constant 0 : i32
        %dma_wait3A_169 = arith.constant 0 : i32
        %dma_wait3A_170 = tpu.memref_slice %arg3[%add3A, %dma_wait3A_168, %dma_wait3A_169] : memref<32x80x125xi32, #tpu.memory_space<hbm>> -> memref<1x40x125xi32, #tpu.memory_space<hbm>>
        %dma_wait3A_171 = tpu.memref_squeeze %dma_wait3A_170 : memref<1x40x125xi32, #tpu.memory_space<hbm>> -> memref<40x125xi32, #tpu.memory_space<hbm>>
        tpu.wait_dma2 semaphore(%run_scoped3A_155 : memref<!tpu.dma_semaphore, #tpu.memory_space<semaphore_mem>>) src(%dma_wait3A_171 : memref<40x125xi32, #tpu.memory_space<hbm>>) dst(%arg6 : memref<40x125xi32, #tpu.memory_space<vmem>>)
        tpu.yield
      }) : () -> ()
      "tpu.region"() ({
        %run_scoped3A_155 = tpu.sem_alloc : memref<!tpu.dma_semaphore, #tpu.memory_space<semaphore_mem>>
        %dma_start3A_156 = arith.constant 0 : i32
        %dma_start3A_157 = arith.constant 0 : i32
        %dma_start3A_158 = tpu.memref_slice %arg4[%add3A, %dma_start3A_156, %dma_start3A_157] : memref<32x80x125xi32, #tpu.memory_space<hbm>> -> memref<1x40x125xi32, #tpu.memory_space<hbm>>
        %dma_start3A_159 = tpu.memref_squeeze %dma_start3A_158 : memref<1x40x125xi32, #tpu.memory_space<hbm>> -> memref<40x125xi32, #tpu.memory_space<hbm>>
        %dma_start3A_160 = arith.constant 0 : i32
        %dma_start3A_161 = arith.constant 0 : i32
        %dma_start3A_162 = tpu.memref_slice %arg4[%add3A, %dma_start3A_160, %dma_start3A_161] : memref<32x80x125xi32, #tpu.memory_space<hbm>> -> memref<1x40x125xi32, #tpu.memory_space<hbm>>
        %dma_start3A_163 = tpu.memref_squeeze %dma_start3A_162 : memref<1x40x125xi32, #tpu.memory_space<hbm>> -> memref<40x125xi32, #tpu.memory_space<hbm>>
        tpu.enqueue_dma source(%dma_start3A_163 : memref<40x125xi32, #tpu.memory_space<hbm>>) target(%arg7 : memref<40x125xi32, #tpu.memory_space<vmem>>) target_semaphore(%run_scoped3A_155 : memref<!tpu.dma_semaphore, #tpu.memory_space<semaphore_mem>>)
        %dma_wait3A_164 = arith.constant 0 : i32
        %dma_wait3A_165 = arith.constant 0 : i32
        %dma_wait3A_166 = tpu.memref_slice %arg4[%add3A, %dma_wait3A_164, %dma_wait3A_165] : memref<32x80x125xi32, #tpu.memory_space<hbm>> -> memref<1x40x125xi32, #tpu.memory_space<hbm>>
        %dma_wait3A_167 = tpu.memref_squeeze %dma_wait3A_166 : memref<1x40x125xi32, #tpu.memory_space<hbm>> -> memref<40x125xi32, #tpu.memory_space<hbm>>
        %dma_wait3A_168 = arith.constant 0 : i32
        %dma_wait3A_169 = arith.constant 0 : i32
        %dma_wait3A_170 = tpu.memref_slice %arg4[%add3A, %dma_wait3A_168, %dma_wait3A_169] : memref<32x80x125xi32, #tpu.memory_space<hbm>> -> memref<1x40x125xi32, #tpu.memory_space<hbm>>
        %dma_wait3A_171 = tpu.memref_squeeze %dma_wait3A_170 : memref<1x40x125xi32, #tpu.memory_space<hbm>> -> memref<40x125xi32, #tpu.memory_space<hbm>>
        tpu.wait_dma2 semaphore(%run_scoped3A_155 : memref<!tpu.dma_semaphore, #tpu.memory_space<semaphore_mem>>) src(%dma_wait3A_171 : memref<40x125xi32, #tpu.memory_space<hbm>>) dst(%arg7 : memref<40x125xi32, #tpu.memory_space<vmem>>)
        tpu.yield
      }) : () -> ()
      %dma_start3A = arith.constant 0 : i32
      %dma_start3A_33 = arith.constant 0 : i32
      %dma_start3A_34 = tpu.memref_slice %arg6[%dma_start3A, %dma_start3A_33] : memref<40x125xi32, #tpu.memory_space<vmem>> -> memref<1x125xi32, #tpu.memory_space<vmem>>
      %dma_start3A_35 = tpu.memref_squeeze %dma_start3A_34 : memref<1x125xi32, #tpu.memory_space<vmem>> -> memref<125xi32, #tpu.memory_space<vmem>>
      %dma_start3A_36 = arith.constant 0 : i32
      %dma_start3A_37 = arith.constant 0 : i32
      %dma_start3A_38 = tpu.memref_slice %arg2[%dma_start3A_36, %dma_start3A_37] : memref<10000x128xf32, #tpu.memory_space<hbm>> -> memref<10000x128xf32, #tpu.memory_space<hbm>>
      tpu.enqueue_indirect_dma source(%dma_start3A_38 : memref<10000x128xf32, #tpu.memory_space<hbm>>) target(%arg8 : memref<125x128xf32, #tpu.memory_space<vmem>>) offsets(%dma_start3A_35 : memref<125xi32, #tpu.memory_space<vmem>>) semaphore(%run_scoped3A : memref<!tpu.dma_semaphore, #tpu.memory_space<semaphore_mem>>)
      %dma_wait3A = arith.constant 0 : i32
      %dma_wait3A_39 = arith.constant 0 : i32
      %dma_wait3A_40 = tpu.memref_slice %arg6[%dma_wait3A, %dma_wait3A_39] : memref<40x125xi32, #tpu.memory_space<vmem>> -> memref<1x125xi32, #tpu.memory_space<vmem>>
      %dma_wait3A_41 = tpu.memref_squeeze %dma_wait3A_40 : memref<1x125xi32, #tpu.memory_space<vmem>> -> memref<125xi32, #tpu.memory_space<vmem>>
      %dma_wait3A_42 = arith.constant 0 : i32
      %dma_wait3A_43 = arith.constant 0 : i32
      %dma_wait3A_44 = tpu.memref_slice %arg2[%dma_wait3A_42, %dma_wait3A_43] : memref<10000x128xf32, #tpu.memory_space<hbm>> -> memref<10000x128xf32, #tpu.memory_space<hbm>>
      tpu.wait_indirect_dma semaphore(%run_scoped3A : memref<!tpu.dma_semaphore, #tpu.memory_space<semaphore_mem>>) src(%dma_wait3A_44 : memref<10000x128xf32, #tpu.memory_space<hbm>>) dst(%arg8 : memref<125x128xf32, #tpu.memory_space<vmem>>)
      %dma_start3A_45 = arith.constant 0 : i32
      %dma_start3A_46 = arith.constant 0 : i32
      %dma_start3A_47 = tpu.memref_slice %arg7[%dma_start3A_45, %dma_start3A_46] : memref<40x125xi32, #tpu.memory_space<vmem>> -> memref<1x125xi32, #tpu.memory_space<vmem>>
      %dma_start3A_48 = tpu.memref_squeeze %dma_start3A_47 : memref<1x125xi32, #tpu.memory_space<vmem>> -> memref<125xi32, #tpu.memory_space<vmem>>
      %dma_start3A_49 = arith.constant 0 : i32
      %dma_start3A_50 = arith.constant 0 : i32
      %dma_start3A_51 = tpu.memref_slice %arg10[%dma_start3A_49, %dma_start3A_50] : memref<10000x128xf32, #tpu.memory_space<vmem_shared>> -> memref<10000x128xf32, #tpu.memory_space<vmem_shared>>
      tpu.enqueue_indirect_dma source(%arg8 : memref<125x128xf32, #tpu.memory_space<vmem>>) target(%dma_start3A_51 : memref<10000x128xf32, #tpu.memory_space<vmem_shared>>) offsets(%dma_start3A_48 : memref<125xi32, #tpu.memory_space<vmem>>) semaphore(%run_scoped3A_31 : memref<!tpu.dma_semaphore, #tpu.memory_space<semaphore_mem>>) {add = true}
      %dma_start3A_52 = arith.constant 1 : i32
      %dma_start3A_53 = arith.constant 0 : i32
      %dma_start3A_54 = tpu.memref_slice %arg6[%dma_start3A_52, %dma_start3A_53] : memref<40x125xi32, #tpu.memory_space<vmem>> -> memref<1x125xi32, #tpu.memory_space<vmem>>
      %dma_start3A_55 = tpu.memref_squeeze %dma_start3A_54 : memref<1x125xi32, #tpu.memory_space<vmem>> -> memref<125xi32, #tpu.memory_space<vmem>>
      %dma_start3A_56 = arith.constant 0 : i32
      %dma_start3A_57 = arith.constant 0 : i32
      %dma_start3A_58 = tpu.memref_slice %arg2[%dma_start3A_56, %dma_start3A_57] : memref<10000x128xf32, #tpu.memory_space<hbm>> -> memref<10000x128xf32, #tpu.memory_space<hbm>>
      tpu.enqueue_indirect_dma source(%dma_start3A_58 : memref<10000x128xf32, #tpu.memory_space<hbm>>) target(%arg9 : memref<125x128xf32, #tpu.memory_space<vmem>>) offsets(%dma_start3A_55 : memref<125xi32, #tpu.memory_space<vmem>>) semaphore(%run_scoped3A_30 : memref<!tpu.dma_semaphore, #tpu.memory_space<semaphore_mem>>)
      %scan3A_59 = arith.constant 0 : i32
      %scan3A_60 = arith.constant 0 : i32
      %scan3A_61 = arith.constant 19 : i32
      %scan3A_62 = arith.addi %scan3A_60, %scan3A_61 : i32
      %scan3A_63 = arith.constant 1 : i32
      scf.for %scan3A_155 = %scan3A_60 to %scan3A_62 step %scan3A_63  : i32 {
        %mul3A_156 = arith.constant 2 : i32
        %mul3A_157 = arith.muli %mul3A_156, %scan3A_155 : i32
        %add3A_158 = arith.constant 1 : i32
        %add3A_159 = arith.addi %mul3A_157, %add3A_158 : i32
        %dma_wait3A_160 = arith.constant 0 : i32
        %dma_wait3A_161 = tpu.memref_slice %arg6[%add3A_159, %dma_wait3A_160] : memref<40x125xi32, #tpu.memory_space<vmem>> -> memref<1x125xi32, #tpu.memory_space<vmem>>
        %dma_wait3A_162 = tpu.memref_squeeze %dma_wait3A_161 : memref<1x125xi32, #tpu.memory_space<vmem>> -> memref<125xi32, #tpu.memory_space<vmem>>
        %dma_wait3A_163 = arith.constant 0 : i32
        %dma_wait3A_164 = arith.constant 0 : i32
        %dma_wait3A_165 = tpu.memref_slice %arg2[%dma_wait3A_163, %dma_wait3A_164] : memref<10000x128xf32, #tpu.memory_space<hbm>> -> memref<10000x128xf32, #tpu.memory_space<hbm>>
        tpu.wait_indirect_dma semaphore(%run_scoped3A_30 : memref<!tpu.dma_semaphore, #tpu.memory_space<semaphore_mem>>) src(%dma_wait3A_165 : memref<10000x128xf32, #tpu.memory_space<hbm>>) dst(%arg9 : memref<125x128xf32, #tpu.memory_space<vmem>>)
        %add3A_166 = arith.constant 1 : i32
        %add3A_167 = arith.addi %mul3A_157, %add3A_166 : i32
        %dma_start3A_168 = arith.constant 0 : i32
        %dma_start3A_169 = tpu.memref_slice %arg7[%add3A_167, %dma_start3A_168] : memref<40x125xi32, #tpu.memory_space<vmem>> -> memref<1x125xi32, #tpu.memory_space<vmem>>
        %dma_start3A_170 = tpu.memref_squeeze %dma_start3A_169 : memref<1x125xi32, #tpu.memory_space<vmem>> -> memref<125xi32, #tpu.memory_space<vmem>>
        %dma_start3A_171 = arith.constant 0 : i32
        %dma_start3A_172 = arith.constant 0 : i32
        %dma_start3A_173 = tpu.memref_slice %arg10[%dma_start3A_171, %dma_start3A_172] : memref<10000x128xf32, #tpu.memory_space<vmem_shared>> -> memref<10000x128xf32, #tpu.memory_space<vmem_shared>>
        tpu.enqueue_indirect_dma source(%arg9 : memref<125x128xf32, #tpu.memory_space<vmem>>) target(%dma_start3A_173 : memref<10000x128xf32, #tpu.memory_space<vmem_shared>>) offsets(%dma_start3A_170 : memref<125xi32, #tpu.memory_space<vmem>>) semaphore(%run_scoped3A_32 : memref<!tpu.dma_semaphore, #tpu.memory_space<semaphore_mem>>) {add = true}
        %dma_wait3A_174 = arith.constant 0 : i32
        %dma_wait3A_175 = tpu.memref_slice %arg7[%mul3A_157, %dma_wait3A_174] : memref<40x125xi32, #tpu.memory_space<vmem>> -> memref<1x125xi32, #tpu.memory_space<vmem>>
        %dma_wait3A_176 = tpu.memref_squeeze %dma_wait3A_175 : memref<1x125xi32, #tpu.memory_space<vmem>> -> memref<125xi32, #tpu.memory_space<vmem>>
        %dma_wait3A_177 = arith.constant 0 : i32
        %dma_wait3A_178 = arith.constant 0 : i32
        %dma_wait3A_179 = tpu.memref_slice %arg10[%dma_wait3A_177, %dma_wait3A_178] : memref<10000x128xf32, #tpu.memory_space<vmem_shared>> -> memref<10000x128xf32, #tpu.memory_space<vmem_shared>>
        tpu.wait_indirect_dma semaphore(%run_scoped3A_31 : memref<!tpu.dma_semaphore, #tpu.memory_space<semaphore_mem>>) src(%arg8 : memref<125x128xf32, #tpu.memory_space<vmem>>) dst(%dma_wait3A_179 : memref<10000x128xf32, #tpu.memory_space<vmem_shared>>)
        %add3A_180 = arith.constant 2 : i32
        %add3A_181 = arith.addi %mul3A_157, %add3A_180 : i32
        %dma_start3A_182 = arith.constant 0 : i32
        %dma_start3A_183 = tpu.memref_slice %arg6[%add3A_181, %dma_start3A_182] : memref<40x125xi32, #tpu.memory_space<vmem>> -> memref<1x125xi32, #tpu.memory_space<vmem>>
        %dma_start3A_184 = tpu.memref_squeeze %dma_start3A_183 : memref<1x125xi32, #tpu.memory_space<vmem>> -> memref<125xi32, #tpu.memory_space<vmem>>
        %dma_start3A_185 = arith.constant 0 : i32
        %dma_start3A_186 = arith.constant 0 : i32
        %dma_start3A_187 = tpu.memref_slice %arg2[%dma_start3A_185, %dma_start3A_186] : memref<10000x128xf32, #tpu.memory_space<hbm>> -> memref<10000x128xf32, #tpu.memory_space<hbm>>
        tpu.enqueue_indirect_dma source(%dma_start3A_187 : memref<10000x128xf32, #tpu.memory_space<hbm>>) target(%arg8 : memref<125x128xf32, #tpu.memory_space<vmem>>) offsets(%dma_start3A_184 : memref<125xi32, #tpu.memory_space<vmem>>) semaphore(%run_scoped3A : memref<!tpu.dma_semaphore, #tpu.memory_space<semaphore_mem>>)
        %dma_wait3A_188 = arith.constant 0 : i32
        %dma_wait3A_189 = tpu.memref_slice %arg6[%add3A_181, %dma_wait3A_188] : memref<40x125xi32, #tpu.memory_space<vmem>> -> memref<1x125xi32, #tpu.memory_space<vmem>>
        %dma_wait3A_190 = tpu.memref_squeeze %dma_wait3A_189 : memref<1x125xi32, #tpu.memory_space<vmem>> -> memref<125xi32, #tpu.memory_space<vmem>>
        %dma_wait3A_191 = arith.constant 0 : i32
        %dma_wait3A_192 = arith.constant 0 : i32
        %dma_wait3A_193 = tpu.memref_slice %arg2[%dma_wait3A_191, %dma_wait3A_192] : memref<10000x128xf32, #tpu.memory_space<hbm>> -> memref<10000x128xf32, #tpu.memory_space<hbm>>
        tpu.wait_indirect_dma semaphore(%run_scoped3A : memref<!tpu.dma_semaphore, #tpu.memory_space<semaphore_mem>>) src(%dma_wait3A_193 : memref<10000x128xf32, #tpu.memory_space<hbm>>) dst(%arg8 : memref<125x128xf32, #tpu.memory_space<vmem>>)
        %add3A_194 = arith.constant 2 : i32
        %add3A_195 = arith.addi %mul3A_157, %add3A_194 : i32
        %dma_start3A_196 = arith.constant 0 : i32
        %dma_start3A_197 = tpu.memref_slice %arg7[%add3A_195, %dma_start3A_196] : memref<40x125xi32, #tpu.memory_space<vmem>> -> memref<1x125xi32, #tpu.memory_space<vmem>>
        %dma_start3A_198 = tpu.memref_squeeze %dma_start3A_197 : memref<1x125xi32, #tpu.memory_space<vmem>> -> memref<125xi32, #tpu.memory_space<vmem>>
        %dma_start3A_199 = arith.constant 0 : i32
        %dma_start3A_200 = arith.constant 0 : i32
        %dma_start3A_201 = tpu.memref_slice %arg10[%dma_start3A_199, %dma_start3A_200] : memref<10000x128xf32, #tpu.memory_space<vmem_shared>> -> memref<10000x128xf32, #tpu.memory_space<vmem_shared>>
        tpu.enqueue_indirect_dma source(%arg8 : memref<125x128xf32, #tpu.memory_space<vmem>>) target(%dma_start3A_201 : memref<10000x128xf32, #tpu.memory_space<vmem_shared>>) offsets(%dma_start3A_198 : memref<125xi32, #tpu.memory_space<vmem>>) semaphore(%run_scoped3A_31 : memref<!tpu.dma_semaphore, #tpu.memory_space<semaphore_mem>>) {add = true}
        %dma_wait3A_202 = arith.constant 0 : i32
        %dma_wait3A_203 = tpu.memref_slice %arg7[%add3A_167, %dma_wait3A_202] : memref<40x125xi32, #tpu.memory_space<vmem>> -> memref<1x125xi32, #tpu.memory_space<vmem>>
        %dma_wait3A_204 = tpu.memref_squeeze %dma_wait3A_203 : memref<1x125xi32, #tpu.memory_space<vmem>> -> memref<125xi32, #tpu.memory_space<vmem>>
        %dma_wait3A_205 = arith.constant 0 : i32
        %dma_wait3A_206 = arith.constant 0 : i32
        %dma_wait3A_207 = tpu.memref_slice %arg10[%dma_wait3A_205, %dma_wait3A_206] : memref<10000x128xf32, #tpu.memory_space<vmem_shared>> -> memref<10000x128xf32, #tpu.memory_space<vmem_shared>>
        tpu.wait_indirect_dma semaphore(%run_scoped3A_32 : memref<!tpu.dma_semaphore, #tpu.memory_space<semaphore_mem>>) src(%arg9 : memref<125x128xf32, #tpu.memory_space<vmem>>) dst(%dma_wait3A_207 : memref<10000x128xf32, #tpu.memory_space<vmem_shared>>)
        %add3A_208 = arith.constant 3 : i32
        %add3A_209 = arith.addi %mul3A_157, %add3A_208 : i32
        %dma_start3A_210 = arith.constant 0 : i32
        %dma_start3A_211 = tpu.memref_slice %arg6[%add3A_209, %dma_start3A_210] : memref<40x125xi32, #tpu.memory_space<vmem>> -> memref<1x125xi32, #tpu.memory_space<vmem>>
        %dma_start3A_212 = tpu.memref_squeeze %dma_start3A_211 : memref<1x125xi32, #tpu.memory_space<vmem>> -> memref<125xi32, #tpu.memory_space<vmem>>
        %dma_start3A_213 = arith.constant 0 : i32
        %dma_start3A_214 = arith.constant 0 : i32
        %dma_start3A_215 = tpu.memref_slice %arg2[%dma_start3A_213, %dma_start3A_214] : memref<10000x128xf32, #tpu.memory_space<hbm>> -> memref<10000x128xf32, #tpu.memory_space<hbm>>
        tpu.enqueue_indirect_dma source(%dma_start3A_215 : memref<10000x128xf32, #tpu.memory_space<hbm>>) target(%arg9 : memref<125x128xf32, #tpu.memory_space<vmem>>) offsets(%dma_start3A_212 : memref<125xi32, #tpu.memory_space<vmem>>) semaphore(%run_scoped3A_30 : memref<!tpu.dma_semaphore, #tpu.memory_space<semaphore_mem>>)
      }
      %scan3A_64 = arith.constant 19 : i32
      %dma_wait3A_65 = arith.constant 39 : i32
      %dma_wait3A_66 = arith.constant 0 : i32
      %dma_wait3A_67 = tpu.memref_slice %arg6[%dma_wait3A_65, %dma_wait3A_66] : memref<40x125xi32, #tpu.memory_space<vmem>> -> memref<1x125xi32, #tpu.memory_space<vmem>>
      %dma_wait3A_68 = tpu.memref_squeeze %dma_wait3A_67 : memref<1x125xi32, #tpu.memory_space<vmem>> -> memref<125xi32, #tpu.memory_space<vmem>>
      %dma_wait3A_69 = arith.constant 0 : i32
      %dma_wait3A_70 = arith.constant 0 : i32
      %dma_wait3A_71 = tpu.memref_slice %arg2[%dma_wait3A_69, %dma_wait3A_70] : memref<10000x128xf32, #tpu.memory_space<hbm>> -> memref<10000x128xf32, #tpu.memory_space<hbm>>
      tpu.wait_indirect_dma semaphore(%run_scoped3A_30 : memref<!tpu.dma_semaphore, #tpu.memory_space<semaphore_mem>>) src(%dma_wait3A_71 : memref<10000x128xf32, #tpu.memory_space<hbm>>) dst(%arg9 : memref<125x128xf32, #tpu.memory_space<vmem>>)
      %dma_start3A_72 = arith.constant 39 : i32
      %dma_start3A_73 = arith.constant 0 : i32
      %dma_start3A_74 = tpu.memref_slice %arg7[%dma_start3A_72, %dma_start3A_73] : memref<40x125xi32, #tpu.memory_space<vmem>> -> memref<1x125xi32, #tpu.memory_space<vmem>>
      %dma_start3A_75 = tpu.memref_squeeze %dma_start3A_74 : memref<1x125xi32, #tpu.memory_space<vmem>> -> memref<125xi32, #tpu.memory_space<vmem>>
      %dma_start3A_76 = arith.constant 0 : i32
      %dma_start3A_77 = arith.constant 0 : i32
      %dma_start3A_78 = tpu.memref_slice %arg10[%dma_start3A_76, %dma_start3A_77] : memref<10000x128xf32, #tpu.memory_space<vmem_shared>> -> memref<10000x128xf32, #tpu.memory_space<vmem_shared>>
      tpu.enqueue_indirect_dma source(%arg9 : memref<125x128xf32, #tpu.memory_space<vmem>>) target(%dma_start3A_78 : memref<10000x128xf32, #tpu.memory_space<vmem_shared>>) offsets(%dma_start3A_75 : memref<125xi32, #tpu.memory_space<vmem>>) semaphore(%run_scoped3A_32 : memref<!tpu.dma_semaphore, #tpu.memory_space<semaphore_mem>>) {add = true}
      %dma_wait3A_79 = arith.constant 38 : i32
      %dma_wait3A_80 = arith.constant 0 : i32
      %dma_wait3A_81 = tpu.memref_slice %arg7[%dma_wait3A_79, %dma_wait3A_80] : memref<40x125xi32, #tpu.memory_space<vmem>> -> memref<1x125xi32, #tpu.memory_space<vmem>>
      %dma_wait3A_82 = tpu.memref_squeeze %dma_wait3A_81 : memref<1x125xi32, #tpu.memory_space<vmem>> -> memref<125xi32, #tpu.memory_space<vmem>>
      %dma_wait3A_83 = arith.constant 0 : i32
      %dma_wait3A_84 = arith.constant 0 : i32
      %dma_wait3A_85 = tpu.memref_slice %arg10[%dma_wait3A_83, %dma_wait3A_84] : memref<10000x128xf32, #tpu.memory_space<vmem_shared>> -> memref<10000x128xf32, #tpu.memory_space<vmem_shared>>
      tpu.wait_indirect_dma semaphore(%run_scoped3A_31 : memref<!tpu.dma_semaphore, #tpu.memory_space<semaphore_mem>>) src(%arg8 : memref<125x128xf32, #tpu.memory_space<vmem>>) dst(%dma_wait3A_85 : memref<10000x128xf32, #tpu.memory_space<vmem_shared>>)
      %dma_wait3A_86 = arith.constant 39 : i32
      %dma_wait3A_87 = arith.constant 0 : i32
      %dma_wait3A_88 = tpu.memref_slice %arg7[%dma_wait3A_86, %dma_wait3A_87] : memref<40x125xi32, #tpu.memory_space<vmem>> -> memref<1x125xi32, #tpu.memory_space<vmem>>
      %dma_wait3A_89 = tpu.memref_squeeze %dma_wait3A_88 : memref<1x125xi32, #tpu.memory_space<vmem>> -> memref<125xi32, #tpu.memory_space<vmem>>
      %dma_wait3A_90 = arith.constant 0 : i32
      %dma_wait3A_91 = arith.constant 0 : i32
      %dma_wait3A_92 = tpu.memref_slice %arg10[%dma_wait3A_90, %dma_wait3A_91] : memref<10000x128xf32, #tpu.memory_space<vmem_shared>> -> memref<10000x128xf32, #tpu.memory_space<vmem_shared>>
      tpu.wait_indirect_dma semaphore(%run_scoped3A_32 : memref<!tpu.dma_semaphore, #tpu.memory_space<semaphore_mem>>) src(%arg9 : memref<125x128xf32, #tpu.memory_space<vmem>>) dst(%dma_wait3A_92 : memref<10000x128xf32, #tpu.memory_space<vmem_shared>>)
      "tpu.region"() ({
        %run_scoped3A_155 = tpu.sem_alloc : memref<!tpu.dma_semaphore, #tpu.memory_space<semaphore_mem>>
        %dma_start3A_156 = arith.constant 40 : i32
        %dma_start3A_157 = arith.constant 0 : i32
        %dma_start3A_158 = tpu.memref_slice %arg3[%add3A, %dma_start3A_156, %dma_start3A_157] : memref<32x80x125xi32, #tpu.memory_space<hbm>> -> memref<1x40x125xi32, #tpu.memory_space<hbm>>
        %dma_start3A_159 = tpu.memref_squeeze %dma_start3A_158 : memref<1x40x125xi32, #tpu.memory_space<hbm>> -> memref<40x125xi32, #tpu.memory_space<hbm>>
        %dma_start3A_160 = arith.constant 40 : i32
        %dma_start3A_161 = arith.constant 0 : i32
        %dma_start3A_162 = tpu.memref_slice %arg3[%add3A, %dma_start3A_160, %dma_start3A_161] : memref<32x80x125xi32, #tpu.memory_space<hbm>> -> memref<1x40x125xi32, #tpu.memory_space<hbm>>
        %dma_start3A_163 = tpu.memref_squeeze %dma_start3A_162 : memref<1x40x125xi32, #tpu.memory_space<hbm>> -> memref<40x125xi32, #tpu.memory_space<hbm>>
        tpu.enqueue_dma source(%dma_start3A_163 : memref<40x125xi32, #tpu.memory_space<hbm>>) target(%arg6 : memref<40x125xi32, #tpu.memory_space<vmem>>) target_semaphore(%run_scoped3A_155 : memref<!tpu.dma_semaphore, #tpu.memory_space<semaphore_mem>>)
        %dma_wait3A_164 = arith.constant 40 : i32
        %dma_wait3A_165 = arith.constant 0 : i32
        %dma_wait3A_166 = tpu.memref_slice %arg3[%add3A, %dma_wait3A_164, %dma_wait3A_165] : memref<32x80x125xi32, #tpu.memory_space<hbm>> -> memref<1x40x125xi32, #tpu.memory_space<hbm>>
        %dma_wait3A_167 = tpu.memref_squeeze %dma_wait3A_166 : memref<1x40x125xi32, #tpu.memory_space<hbm>> -> memref<40x125xi32, #tpu.memory_space<hbm>>
        %dma_wait3A_168 = arith.constant 40 : i32
        %dma_wait3A_169 = arith.constant 0 : i32
        %dma_wait3A_170 = tpu.memref_slice %arg3[%add3A, %dma_wait3A_168, %dma_wait3A_169] : memref<32x80x125xi32, #tpu.memory_space<hbm>> -> memref<1x40x125xi32, #tpu.memory_space<hbm>>
        %dma_wait3A_171 = tpu.memref_squeeze %dma_wait3A_170 : memref<1x40x125xi32, #tpu.memory_space<hbm>> -> memref<40x125xi32, #tpu.memory_space<hbm>>
        tpu.wait_dma2 semaphore(%run_scoped3A_155 : memref<!tpu.dma_semaphore, #tpu.memory_space<semaphore_mem>>) src(%dma_wait3A_171 : memref<40x125xi32, #tpu.memory_space<hbm>>) dst(%arg6 : memref<40x125xi32, #tpu.memory_space<vmem>>)
        tpu.yield
      }) : () -> ()
      "tpu.region"() ({
        %run_scoped3A_155 = tpu.sem_alloc : memref<!tpu.dma_semaphore, #tpu.memory_space<semaphore_mem>>
        %dma_start3A_156 = arith.constant 40 : i32
        %dma_start3A_157 = arith.constant 0 : i32
        %dma_start3A_158 = tpu.memref_slice %arg4[%add3A, %dma_start3A_156, %dma_start3A_157] : memref<32x80x125xi32, #tpu.memory_space<hbm>> -> memref<1x40x125xi32, #tpu.memory_space<hbm>>
        %dma_start3A_159 = tpu.memref_squeeze %dma_start3A_158 : memref<1x40x125xi32, #tpu.memory_space<hbm>> -> memref<40x125xi32, #tpu.memory_space<hbm>>
        %dma_start3A_160 = arith.constant 40 : i32
        %dma_start3A_161 = arith.constant 0 : i32
        %dma_start3A_162 = tpu.memref_slice %arg4[%add3A, %dma_start3A_160, %dma_start3A_161] : memref<32x80x125xi32, #tpu.memory_space<hbm>> -> memref<1x40x125xi32, #tpu.memory_space<hbm>>
        %dma_start3A_163 = tpu.memref_squeeze %dma_start3A_162 : memref<1x40x125xi32, #tpu.memory_space<hbm>> -> memref<40x125xi32, #tpu.memory_space<hbm>>
        tpu.enqueue_dma source(%dma_start3A_163 : memref<40x125xi32, #tpu.memory_space<hbm>>) target(%arg7 : memref<40x125xi32, #tpu.memory_space<vmem>>) target_semaphore(%run_scoped3A_155 : memref<!tpu.dma_semaphore, #tpu.memory_space<semaphore_mem>>)
        %dma_wait3A_164 = arith.constant 40 : i32
        %dma_wait3A_165 = arith.constant 0 : i32
        %dma_wait3A_166 = tpu.memref_slice %arg4[%add3A, %dma_wait3A_164, %dma_wait3A_165] : memref<32x80x125xi32, #tpu.memory_space<hbm>> -> memref<1x40x125xi32, #tpu.memory_space<hbm>>
        %dma_wait3A_167 = tpu.memref_squeeze %dma_wait3A_166 : memref<1x40x125xi32, #tpu.memory_space<hbm>> -> memref<40x125xi32, #tpu.memory_space<hbm>>
        %dma_wait3A_168 = arith.constant 40 : i32
        %dma_wait3A_169 = arith.constant 0 : i32
        %dma_wait3A_170 = tpu.memref_slice %arg4[%add3A, %dma_wait3A_168, %dma_wait3A_169] : memref<32x80x125xi32, #tpu.memory_space<hbm>> -> memref<1x40x125xi32, #tpu.memory_space<hbm>>
        %dma_wait3A_171 = tpu.memref_squeeze %dma_wait3A_170 : memref<1x40x125xi32, #tpu.memory_space<hbm>> -> memref<40x125xi32, #tpu.memory_space<hbm>>
        tpu.wait_dma2 semaphore(%run_scoped3A_155 : memref<!tpu.dma_semaphore, #tpu.memory_space<semaphore_mem>>) src(%dma_wait3A_171 : memref<40x125xi32, #tpu.memory_space<hbm>>) dst(%arg7 : memref<40x125xi32, #tpu.memory_space<vmem>>)
        tpu.yield
      }) : () -> ()
      %dma_start3A_93 = arith.constant 0 : i32
      %dma_start3A_94 = arith.constant 0 : i32
      %dma_start3A_95 = tpu.memref_slice %arg6[%dma_start3A_93, %dma_start3A_94] : memref<40x125xi32, #tpu.memory_space<vmem>> -> memref<1x125xi32, #tpu.memory_space<vmem>>
      %dma_start3A_96 = tpu.memref_squeeze %dma_start3A_95 : memref<1x125xi32, #tpu.memory_space<vmem>> -> memref<125xi32, #tpu.memory_space<vmem>>
      %dma_start3A_97 = arith.constant 0 : i32
      %dma_start3A_98 = arith.constant 0 : i32
      %dma_start3A_99 = tpu.memref_slice %arg2[%dma_start3A_97, %dma_start3A_98] : memref<10000x128xf32, #tpu.memory_space<hbm>> -> memref<10000x128xf32, #tpu.memory_space<hbm>>
      tpu.enqueue_indirect_dma source(%dma_start3A_99 : memref<10000x128xf32, #tpu.memory_space<hbm>>) target(%arg8 : memref<125x128xf32, #tpu.memory_space<vmem>>) offsets(%dma_start3A_96 : memref<125xi32, #tpu.memory_space<vmem>>) semaphore(%run_scoped3A : memref<!tpu.dma_semaphore, #tpu.memory_space<semaphore_mem>>)
      %dma_wait3A_100 = arith.constant 0 : i32
      %dma_wait3A_101 = arith.constant 0 : i32
      %dma_wait3A_102 = tpu.memref_slice %arg6[%dma_wait3A_100, %dma_wait3A_101] : memref<40x125xi32, #tpu.memory_space<vmem>> -> memref<1x125xi32, #tpu.memory_space<vmem>>
      %dma_wait3A_103 = tpu.memref_squeeze %dma_wait3A_102 : memref<1x125xi32, #tpu.memory_space<vmem>> -> memref<125xi32, #tpu.memory_space<vmem>>
      %dma_wait3A_104 = arith.constant 0 : i32
      %dma_wait3A_105 = arith.constant 0 : i32
      %dma_wait3A_106 = tpu.memref_slice %arg2[%dma_wait3A_104, %dma_wait3A_105] : memref<10000x128xf32, #tpu.memory_space<hbm>> -> memref<10000x128xf32, #tpu.memory_space<hbm>>
      tpu.wait_indirect_dma semaphore(%run_scoped3A : memref<!tpu.dma_semaphore, #tpu.memory_space<semaphore_mem>>) src(%dma_wait3A_106 : memref<10000x128xf32, #tpu.memory_space<hbm>>) dst(%arg8 : memref<125x128xf32, #tpu.memory_space<vmem>>)
      %dma_start3A_107 = arith.constant 0 : i32
      %dma_start3A_108 = arith.constant 0 : i32
      %dma_start3A_109 = tpu.memref_slice %arg7[%dma_start3A_107, %dma_start3A_108] : memref<40x125xi32, #tpu.memory_space<vmem>> -> memref<1x125xi32, #tpu.memory_space<vmem>>
      %dma_start3A_110 = tpu.memref_squeeze %dma_start3A_109 : memref<1x125xi32, #tpu.memory_space<vmem>> -> memref<125xi32, #tpu.memory_space<vmem>>
      %dma_start3A_111 = arith.constant 0 : i32
      %dma_start3A_112 = arith.constant 0 : i32
      %dma_start3A_113 = tpu.memref_slice %arg10[%dma_start3A_111, %dma_start3A_112] : memref<10000x128xf32, #tpu.memory_space<vmem_shared>> -> memref<10000x128xf32, #tpu.memory_space<vmem_shared>>
      tpu.enqueue_indirect_dma source(%arg8 : memref<125x128xf32, #tpu.memory_space<vmem>>) target(%dma_start3A_113 : memref<10000x128xf32, #tpu.memory_space<vmem_shared>>) offsets(%dma_start3A_110 : memref<125xi32, #tpu.memory_space<vmem>>) semaphore(%run_scoped3A_31 : memref<!tpu.dma_semaphore, #tpu.memory_space<semaphore_mem>>) {add = true}
      %dma_start3A_114 = arith.constant 1 : i32
      %dma_start3A_115 = arith.constant 0 : i32
      %dma_start3A_116 = tpu.memref_slice %arg6[%dma_start3A_114, %dma_start3A_115] : memref<40x125xi32, #tpu.memory_space<vmem>> -> memref<1x125xi32, #tpu.memory_space<vmem>>
      %dma_start3A_117 = tpu.memref_squeeze %dma_start3A_116 : memref<1x125xi32, #tpu.memory_space<vmem>> -> memref<125xi32, #tpu.memory_space<vmem>>
      %dma_start3A_118 = arith.constant 0 : i32
      %dma_start3A_119 = arith.constant 0 : i32
      %dma_start3A_120 = tpu.memref_slice %arg2[%dma_start3A_118, %dma_start3A_119] : memref<10000x128xf32, #tpu.memory_space<hbm>> -> memref<10000x128xf32, #tpu.memory_space<hbm>>
      tpu.enqueue_indirect_dma source(%dma_start3A_120 : memref<10000x128xf32, #tpu.memory_space<hbm>>) target(%arg9 : memref<125x128xf32, #tpu.memory_space<vmem>>) offsets(%dma_start3A_117 : memref<125xi32, #tpu.memory_space<vmem>>) semaphore(%run_scoped3A_30 : memref<!tpu.dma_semaphore, #tpu.memory_space<semaphore_mem>>)
      %scan3A_121 = arith.constant 0 : i32
      %scan3A_122 = arith.constant 0 : i32
      %scan3A_123 = arith.constant 19 : i32
      %scan3A_124 = arith.addi %scan3A_122, %scan3A_123 : i32
      %scan3A_125 = arith.constant 1 : i32
      scf.for %scan3A_155 = %scan3A_122 to %scan3A_124 step %scan3A_125  : i32 {
        %mul3A_156 = arith.constant 2 : i32
        %mul3A_157 = arith.muli %mul3A_156, %scan3A_155 : i32
        %add3A_158 = arith.constant 1 : i32
        %add3A_159 = arith.addi %mul3A_157, %add3A_158 : i32
        %dma_wait3A_160 = arith.constant 0 : i32
        %dma_wait3A_161 = tpu.memref_slice %arg6[%add3A_159, %dma_wait3A_160] : memref<40x125xi32, #tpu.memory_space<vmem>> -> memref<1x125xi32, #tpu.memory_space<vmem>>
        %dma_wait3A_162 = tpu.memref_squeeze %dma_wait3A_161 : memref<1x125xi32, #tpu.memory_space<vmem>> -> memref<125xi32, #tpu.memory_space<vmem>>
        %dma_wait3A_163 = arith.constant 0 : i32
        %dma_wait3A_164 = arith.constant 0 : i32
        %dma_wait3A_165 = tpu.memref_slice %arg2[%dma_wait3A_163, %dma_wait3A_164] : memref<10000x128xf32, #tpu.memory_space<hbm>> -> memref<10000x128xf32, #tpu.memory_space<hbm>>
        tpu.wait_indirect_dma semaphore(%run_scoped3A_30 : memref<!tpu.dma_semaphore, #tpu.memory_space<semaphore_mem>>) src(%dma_wait3A_165 : memref<10000x128xf32, #tpu.memory_space<hbm>>) dst(%arg9 : memref<125x128xf32, #tpu.memory_space<vmem>>)
        %add3A_166 = arith.constant 1 : i32
        %add3A_167 = arith.addi %mul3A_157, %add3A_166 : i32
        %dma_start3A_168 = arith.constant 0 : i32
        %dma_start3A_169 = tpu.memref_slice %arg7[%add3A_167, %dma_start3A_168] : memref<40x125xi32, #tpu.memory_space<vmem>> -> memref<1x125xi32, #tpu.memory_space<vmem>>
        %dma_start3A_170 = tpu.memref_squeeze %dma_start3A_169 : memref<1x125xi32, #tpu.memory_space<vmem>> -> memref<125xi32, #tpu.memory_space<vmem>>
        %dma_start3A_171 = arith.constant 0 : i32
        %dma_start3A_172 = arith.constant 0 : i32
        %dma_start3A_173 = tpu.memref_slice %arg10[%dma_start3A_171, %dma_start3A_172] : memref<10000x128xf32, #tpu.memory_space<vmem_shared>> -> memref<10000x128xf32, #tpu.memory_space<vmem_shared>>
        tpu.enqueue_indirect_dma source(%arg9 : memref<125x128xf32, #tpu.memory_space<vmem>>) target(%dma_start3A_173 : memref<10000x128xf32, #tpu.memory_space<vmem_shared>>) offsets(%dma_start3A_170 : memref<125xi32, #tpu.memory_space<vmem>>) semaphore(%run_scoped3A_32 : memref<!tpu.dma_semaphore, #tpu.memory_space<semaphore_mem>>) {add = true}
        %dma_wait3A_174 = arith.constant 0 : i32
        %dma_wait3A_175 = tpu.memref_slice %arg7[%mul3A_157, %dma_wait3A_174] : memref<40x125xi32, #tpu.memory_space<vmem>> -> memref<1x125xi32, #tpu.memory_space<vmem>>
        %dma_wait3A_176 = tpu.memref_squeeze %dma_wait3A_175 : memref<1x125xi32, #tpu.memory_space<vmem>> -> memref<125xi32, #tpu.memory_space<vmem>>
        %dma_wait3A_177 = arith.constant 0 : i32
        %dma_wait3A_178 = arith.constant 0 : i32
        %dma_wait3A_179 = tpu.memref_slice %arg10[%dma_wait3A_177, %dma_wait3A_178] : memref<10000x128xf32, #tpu.memory_space<vmem_shared>> -> memref<10000x128xf32, #tpu.memory_space<vmem_shared>>
        tpu.wait_indirect_dma semaphore(%run_scoped3A_31 : memref<!tpu.dma_semaphore, #tpu.memory_space<semaphore_mem>>) src(%arg8 : memref<125x128xf32, #tpu.memory_space<vmem>>) dst(%dma_wait3A_179 : memref<10000x128xf32, #tpu.memory_space<vmem_shared>>)
        %add3A_180 = arith.constant 2 : i32
        %add3A_181 = arith.addi %mul3A_157, %add3A_180 : i32
        %dma_start3A_182 = arith.constant 0 : i32
        %dma_start3A_183 = tpu.memref_slice %arg6[%add3A_181, %dma_start3A_182] : memref<40x125xi32, #tpu.memory_space<vmem>> -> memref<1x125xi32, #tpu.memory_space<vmem>>
        %dma_start3A_184 = tpu.memref_squeeze %dma_start3A_183 : memref<1x125xi32, #tpu.memory_space<vmem>> -> memref<125xi32, #tpu.memory_space<vmem>>
        %dma_start3A_185 = arith.constant 0 : i32
        %dma_start3A_186 = arith.constant 0 : i32
        %dma_start3A_187 = tpu.memref_slice %arg2[%dma_start3A_185, %dma_start3A_186] : memref<10000x128xf32, #tpu.memory_space<hbm>> -> memref<10000x128xf32, #tpu.memory_space<hbm>>
        tpu.enqueue_indirect_dma source(%dma_start3A_187 : memref<10000x128xf32, #tpu.memory_space<hbm>>) target(%arg8 : memref<125x128xf32, #tpu.memory_space<vmem>>) offsets(%dma_start3A_184 : memref<125xi32, #tpu.memory_space<vmem>>) semaphore(%run_scoped3A : memref<!tpu.dma_semaphore, #tpu.memory_space<semaphore_mem>>)
        %dma_wait3A_188 = arith.constant 0 : i32
        %dma_wait3A_189 = tpu.memref_slice %arg6[%add3A_181, %dma_wait3A_188] : memref<40x125xi32, #tpu.memory_space<vmem>> -> memref<1x125xi32, #tpu.memory_space<vmem>>
        %dma_wait3A_190 = tpu.memref_squeeze %dma_wait3A_189 : memref<1x125xi32, #tpu.memory_space<vmem>> -> memref<125xi32, #tpu.memory_space<vmem>>
        %dma_wait3A_191 = arith.constant 0 : i32
        %dma_wait3A_192 = arith.constant 0 : i32
        %dma_wait3A_193 = tpu.memref_slice %arg2[%dma_wait3A_191, %dma_wait3A_192] : memref<10000x128xf32, #tpu.memory_space<hbm>> -> memref<10000x128xf32, #tpu.memory_space<hbm>>
        tpu.wait_indirect_dma semaphore(%run_scoped3A : memref<!tpu.dma_semaphore, #tpu.memory_space<semaphore_mem>>) src(%dma_wait3A_193 : memref<10000x128xf32, #tpu.memory_space<hbm>>) dst(%arg8 : memref<125x128xf32, #tpu.memory_space<vmem>>)
        %add3A_194 = arith.constant 2 : i32
        %add3A_195 = arith.addi %mul3A_157, %add3A_194 : i32
        %dma_start3A_196 = arith.constant 0 : i32
        %dma_start3A_197 = tpu.memref_slice %arg7[%add3A_195, %dma_start3A_196] : memref<40x125xi32, #tpu.memory_space<vmem>> -> memref<1x125xi32, #tpu.memory_space<vmem>>
        %dma_start3A_198 = tpu.memref_squeeze %dma_start3A_197 : memref<1x125xi32, #tpu.memory_space<vmem>> -> memref<125xi32, #tpu.memory_space<vmem>>
        %dma_start3A_199 = arith.constant 0 : i32
        %dma_start3A_200 = arith.constant 0 : i32
        %dma_start3A_201 = tpu.memref_slice %arg10[%dma_start3A_199, %dma_start3A_200] : memref<10000x128xf32, #tpu.memory_space<vmem_shared>> -> memref<10000x128xf32, #tpu.memory_space<vmem_shared>>
        tpu.enqueue_indirect_dma source(%arg8 : memref<125x128xf32, #tpu.memory_space<vmem>>) target(%dma_start3A_201 : memref<10000x128xf32, #tpu.memory_space<vmem_shared>>) offsets(%dma_start3A_198 : memref<125xi32, #tpu.memory_space<vmem>>) semaphore(%run_scoped3A_31 : memref<!tpu.dma_semaphore, #tpu.memory_space<semaphore_mem>>) {add = true}
        %dma_wait3A_202 = arith.constant 0 : i32
        %dma_wait3A_203 = tpu.memref_slice %arg7[%add3A_167, %dma_wait3A_202] : memref<40x125xi32, #tpu.memory_space<vmem>> -> memref<1x125xi32, #tpu.memory_space<vmem>>
        %dma_wait3A_204 = tpu.memref_squeeze %dma_wait3A_203 : memref<1x125xi32, #tpu.memory_space<vmem>> -> memref<125xi32, #tpu.memory_space<vmem>>
        %dma_wait3A_205 = arith.constant 0 : i32
        %dma_wait3A_206 = arith.constant 0 : i32
        %dma_wait3A_207 = tpu.memref_slice %arg10[%dma_wait3A_205, %dma_wait3A_206] : memref<10000x128xf32, #tpu.memory_space<vmem_shared>> -> memref<10000x128xf32, #tpu.memory_space<vmem_shared>>
        tpu.wait_indirect_dma semaphore(%run_scoped3A_32 : memref<!tpu.dma_semaphore, #tpu.memory_space<semaphore_mem>>) src(%arg9 : memref<125x128xf32, #tpu.memory_space<vmem>>) dst(%dma_wait3A_207 : memref<10000x128xf32, #tpu.memory_space<vmem_shared>>)
        %add3A_208 = arith.constant 3 : i32
        %add3A_209 = arith.addi %mul3A_157, %add3A_208 : i32
        %dma_start3A_210 = arith.constant 0 : i32
        %dma_start3A_211 = tpu.memref_slice %arg6[%add3A_209, %dma_start3A_210] : memref<40x125xi32, #tpu.memory_space<vmem>> -> memref<1x125xi32, #tpu.memory_space<vmem>>
        %dma_start3A_212 = tpu.memref_squeeze %dma_start3A_211 : memref<1x125xi32, #tpu.memory_space<vmem>> -> memref<125xi32, #tpu.memory_space<vmem>>
        %dma_start3A_213 = arith.constant 0 : i32
        %dma_start3A_214 = arith.constant 0 : i32
        %dma_start3A_215 = tpu.memref_slice %arg2[%dma_start3A_213, %dma_start3A_214] : memref<10000x128xf32, #tpu.memory_space<hbm>> -> memref<10000x128xf32, #tpu.memory_space<hbm>>
        tpu.enqueue_indirect_dma source(%dma_start3A_215 : memref<10000x128xf32, #tpu.memory_space<hbm>>) target(%arg9 : memref<125x128xf32, #tpu.memory_space<vmem>>) offsets(%dma_start3A_212 : memref<125xi32, #tpu.memory_space<vmem>>) semaphore(%run_scoped3A_30 : memref<!tpu.dma_semaphore, #tpu.memory_space<semaphore_mem>>)
      }
      %scan3A_126 = arith.constant 19 : i32
      %dma_wait3A_127 = arith.constant 39 : i32
      %dma_wait3A_128 = arith.constant 0 : i32
      %dma_wait3A_129 = tpu.memref_slice %arg6[%dma_wait3A_127, %dma_wait3A_128] : memref<40x125xi32, #tpu.memory_space<vmem>> -> memref<1x125xi32, #tpu.memory_space<vmem>>
      %dma_wait3A_130 = tpu.memref_squeeze %dma_wait3A_129 : memref<1x125xi32, #tpu.memory_space<vmem>> -> memref<125xi32, #tpu.memory_space<vmem>>
      %dma_wait3A_131 = arith.constant 0 : i32
      %dma_wait3A_132 = arith.constant 0 : i32
      %dma_wait3A_133 = tpu.memref_slice %arg2[%dma_wait3A_131, %dma_wait3A_132] : memref<10000x128xf32, #tpu.memory_space<hbm>> -> memref<10000x128xf32, #tpu.memory_space<hbm>>
      tpu.wait_indirect_dma semaphore(%run_scoped3A_30 : memref<!tpu.dma_semaphore, #tpu.memory_space<semaphore_mem>>) src(%dma_wait3A_133 : memref<10000x128xf32, #tpu.memory_space<hbm>>) dst(%arg9 : memref<125x128xf32, #tpu.memory_space<vmem>>)
      %dma_start3A_134 = arith.constant 39 : i32
      %dma_start3A_135 = arith.constant 0 : i32
      %dma_start3A_136 = tpu.memref_slice %arg7[%dma_start3A_134, %dma_start3A_135] : memref<40x125xi32, #tpu.memory_space<vmem>> -> memref<1x125xi32, #tpu.memory_space<vmem>>
      %dma_start3A_137 = tpu.memref_squeeze %dma_start3A_136 : memref<1x125xi32, #tpu.memory_space<vmem>> -> memref<125xi32, #tpu.memory_space<vmem>>
      %dma_start3A_138 = arith.constant 0 : i32
      %dma_start3A_139 = arith.constant 0 : i32
      %dma_start3A_140 = tpu.memref_slice %arg10[%dma_start3A_138, %dma_start3A_139] : memref<10000x128xf32, #tpu.memory_space<vmem_shared>> -> memref<10000x128xf32, #tpu.memory_space<vmem_shared>>
      tpu.enqueue_indirect_dma source(%arg9 : memref<125x128xf32, #tpu.memory_space<vmem>>) target(%dma_start3A_140 : memref<10000x128xf32, #tpu.memory_space<vmem_shared>>) offsets(%dma_start3A_137 : memref<125xi32, #tpu.memory_space<vmem>>) semaphore(%run_scoped3A_32 : memref<!tpu.dma_semaphore, #tpu.memory_space<semaphore_mem>>) {add = true}
      %dma_wait3A_141 = arith.constant 38 : i32
      %dma_wait3A_142 = arith.constant 0 : i32
      %dma_wait3A_143 = tpu.memref_slice %arg7[%dma_wait3A_141, %dma_wait3A_142] : memref<40x125xi32, #tpu.memory_space<vmem>> -> memref<1x125xi32, #tpu.memory_space<vmem>>
      %dma_wait3A_144 = tpu.memref_squeeze %dma_wait3A_143 : memref<1x125xi32, #tpu.memory_space<vmem>> -> memref<125xi32, #tpu.memory_space<vmem>>
      %dma_wait3A_145 = arith.constant 0 : i32
      %dma_wait3A_146 = arith.constant 0 : i32
      %dma_wait3A_147 = tpu.memref_slice %arg10[%dma_wait3A_145, %dma_wait3A_146] : memref<10000x128xf32, #tpu.memory_space<vmem_shared>> -> memref<10000x128xf32, #tpu.memory_space<vmem_shared>>
      tpu.wait_indirect_dma semaphore(%run_scoped3A_31 : memref<!tpu.dma_semaphore, #tpu.memory_space<semaphore_mem>>) src(%arg8 : memref<125x128xf32, #tpu.memory_space<vmem>>) dst(%dma_wait3A_147 : memref<10000x128xf32, #tpu.memory_space<vmem_shared>>)
      %dma_wait3A_148 = arith.constant 39 : i32
      %dma_wait3A_149 = arith.constant 0 : i32
      %dma_wait3A_150 = tpu.memref_slice %arg7[%dma_wait3A_148, %dma_wait3A_149] : memref<40x125xi32, #tpu.memory_space<vmem>> -> memref<1x125xi32, #tpu.memory_space<vmem>>
      %dma_wait3A_151 = tpu.memref_squeeze %dma_wait3A_150 : memref<1x125xi32, #tpu.memory_space<vmem>> -> memref<125xi32, #tpu.memory_space<vmem>>
      %dma_wait3A_152 = arith.constant 0 : i32
      %dma_wait3A_153 = arith.constant 0 : i32
      %dma_wait3A_154 = tpu.memref_slice %arg10[%dma_wait3A_152, %dma_wait3A_153] : memref<10000x128xf32, #tpu.memory_space<vmem_shared>> -> memref<10000x128xf32, #tpu.memory_space<vmem_shared>>
      tpu.wait_indirect_dma semaphore(%run_scoped3A_32 : memref<!tpu.dma_semaphore, #tpu.memory_space<semaphore_mem>>) src(%arg9 : memref<125x128xf32, #tpu.memory_space<vmem>>) dst(%dma_wait3A_154 : memref<10000x128xf32, #tpu.memory_space<vmem_shared>>)
      tpu.yield
    }) : () -> ()
    %barrier3A_27 = arith.constant 0 : index
    tpu.barrier barrier_id(%barrier3A_27)
    %mul3A_28 = arith.constant 625 : i32
    %mul3A_29 = arith.muli %arg1, %mul3A_28 : i32
    "tpu.region"() ({
      %run_scoped3A = tpu.sem_alloc : memref<!tpu.dma_semaphore, #tpu.memory_space<semaphore_mem>>
      %dma_start3A = arith.constant 0 : i32
      %dma_start3A_30 = arith.constant 0 : i32
      %dma_start3A_31 = tpu.memref_slice %arg5[%arg0, %arg1, %dma_start3A, %dma_start3A_30] : memref<2x16x625x128xf32, #tpu.memory_space<hbm>> -> memref<1x1x625x128xf32, #tpu.memory_space<hbm>>
      %dma_start3A_32 = tpu.memref_squeeze %dma_start3A_31 : memref<1x1x625x128xf32, #tpu.memory_space<hbm>> -> memref<625x128xf32, #tpu.memory_space<hbm>>
      %dma_start3A_33 = arith.constant 0 : i32
      %dma_start3A_34 = tpu.memref_slice %arg10[%mul3A_29, %dma_start3A_33] : memref<10000x128xf32, #tpu.memory_space<vmem_shared>> -> memref<625x128xf32, #tpu.memory_space<vmem_shared>>
      tpu.enqueue_dma source(%dma_start3A_34 : memref<625x128xf32, #tpu.memory_space<vmem_shared>>) target(%dma_start3A_32 : memref<625x128xf32, #tpu.memory_space<hbm>>) target_semaphore(%run_scoped3A : memref<!tpu.dma_semaphore, #tpu.memory_space<semaphore_mem>>)
      %dma_wait3A = arith.constant 0 : i32
      %dma_wait3A_35 = arith.constant 0 : i32
      %dma_wait3A_36 = tpu.memref_slice %arg5[%arg0, %arg1, %dma_wait3A, %dma_wait3A_35] : memref<2x16x625x128xf32, #tpu.memory_space<hbm>> -> memref<1x1x625x128xf32, #tpu.memory_space<hbm>>
      %dma_wait3A_37 = tpu.memref_squeeze %dma_wait3A_36 : memref<1x1x625x128xf32, #tpu.memory_space<hbm>> -> memref<625x128xf32, #tpu.memory_space<hbm>>
      %dma_wait3A_38 = arith.constant 0 : i32
      %dma_wait3A_39 = tpu.memref_slice %arg10[%mul3A_29, %dma_wait3A_38] : memref<10000x128xf32, #tpu.memory_space<vmem_shared>> -> memref<625x128xf32, #tpu.memory_space<vmem_shared>>
      tpu.wait_dma2 semaphore(%run_scoped3A : memref<!tpu.dma_semaphore, #tpu.memory_space<semaphore_mem>>) src(%dma_wait3A_39 : memref<625x128xf32, #tpu.memory_space<vmem_shared>>) dst(%dma_wait3A_37 : memref<625x128xf32, #tpu.memory_space<hbm>>)
      tpu.yield
    }) : () -> ()
    return
  }
}

#map = affine_map<(d0, d1) -> (0, 0)>
#map1 = affine_map<(d0, d1) -> (0, 0, 0)>
#map2 = affine_map<(d0, d1) -> (0, 0, 0, 0)>
module attributes {stable_mosaic.version = 14 : i64} {
  func.func @_sc_segsum(%arg0: i32, %arg1: i32, %arg2: memref<10000x128xf32, #tpu.memory_space<hbm>>, %arg3: memref<32x80x125xi32, #tpu.memory_space<hbm>>, %arg4: memref<32x80x125xi32, #tpu.memory_space<hbm>>, %arg5: memref<2x16x625x128xf32, #tpu.memory_space<hbm>>, %arg6: memref<40x125xi32, #tpu.memory_space<vmem>>, %arg7: memref<40x125xi32, #tpu.memory_space<vmem>>, %arg8: memref<125x128xf32, #tpu.memory_space<vmem>>, %arg9: memref<125x128xf32, #tpu.memory_space<vmem>>, %arg10: memref<10000x128xf32, #tpu.memory_space<vmem_shared>>) attributes {dimension_semantics = [#tpu.dimension_semantics<core_parallel>, #tpu.dimension_semantics<subcore_parallel>], iteration_bounds = array<i64: 2, 16>, scalar_prefetch = 0 : i64, scratch_operands = 5 : i64, tpu.core_type = #tpu.core_type<sc_vector_subcore>, window_params = [{transform_indices = #map}, {transform_indices = #map1}, {transform_indices = #map1}, {transform_indices = #map2}]} {
    %mul3A = arith.constant 2 : i32
    %mul3A_0 = arith.muli %arg1, %mul3A : i32
    %add3A = arith.addi %mul3A_0, %arg0 : i32
    %broadcast_in_dim3A = arith.constant 0.000000e+00 : f32
    %broadcast_in_dim3A_1 = vector.broadcast %broadcast_in_dim3A : f32 to vector<16xf32>
    %scan3A = arith.constant 0 : i32
    %scan3A_2 = arith.constant 0 : i32
    %scan3A_3 = arith.constant 125 : i32
    %scan3A_4 = arith.addi %scan3A_2, %scan3A_3 : i32
    %scan3A_5 = arith.constant 1 : i32
    scf.for %scan3A_30 = %scan3A_2 to %scan3A_4 step %scan3A_5  : i32 {
      %swap3A = arith.index_cast %scan3A_30 : i32 to index
      %swap3A_31 = arith.constant 0 : index
      %swap3A_32 = tpu.vector_load %arg8[%swap3A, %swap3A_31] {strides = array<i32>} : memref<125x128xf32, #tpu.memory_space<vmem>>, vector<1x16xf32>,
      %swap3A_33 = vector.shape_cast %swap3A_32 : vector<1x16xf32> to vector<16xf32>
      %swap3A_34 = vector.shape_cast %broadcast_in_dim3A_1 : vector<16xf32> to vector<1x16xf32>
      tpu.vector_store %arg8[%swap3A, %swap3A_31], %swap3A_34 {strides = array<i32>} : memref<125x128xf32, #tpu.memory_space<vmem>>, vector<1x16xf32>,
      %swap3A_35 = arith.index_cast %scan3A_30 : i32 to index
      %swap3A_36 = arith.constant 16 : index
      %swap3A_37 = tpu.vector_load %arg8[%swap3A_35, %swap3A_36] {strides = array<i32>} : memref<125x128xf32, #tpu.memory_space<vmem>>, vector<1x16xf32>,
      %swap3A_38 = vector.shape_cast %swap3A_37 : vector<1x16xf32> to vector<16xf32>
      %swap3A_39 = vector.shape_cast %broadcast_in_dim3A_1 : vector<16xf32> to vector<1x16xf32>
      tpu.vector_store %arg8[%swap3A_35, %swap3A_36], %swap3A_39 {strides = array<i32>} : memref<125x128xf32, #tpu.memory_space<vmem>>, vector<1x16xf32>,
      %swap3A_40 = arith.index_cast %scan3A_30 : i32 to index
      %swap3A_41 = arith.constant 32 : index
      %swap3A_42 = tpu.vector_load %arg8[%swap3A_40, %swap3A_41] {strides = array<i32>} : memref<125x128xf32, #tpu.memory_space<vmem>>, vector<1x16xf32>,
      %swap3A_43 = vector.shape_cast %swap3A_42 : vector<1x16xf32> to vector<16xf32>
      %swap3A_44 = vector.shape_cast %broadcast_in_dim3A_1 : vector<16xf32> to vector<1x16xf32>
      tpu.vector_store %arg8[%swap3A_40, %swap3A_41], %swap3A_44 {strides = array<i32>} : memref<125x128xf32, #tpu.memory_space<vmem>>, vector<1x16xf32>,
      %swap3A_45 = arith.index_cast %scan3A_30 : i32 to index
      %swap3A_46 = arith.constant 48 : index
      %swap3A_47 = tpu.vector_load %arg8[%swap3A_45, %swap3A_46] {strides = array<i32>} : memref<125x128xf32, #tpu.memory_space<vmem>>, vector<1x16xf32>,
      %swap3A_48 = vector.shape_cast %swap3A_47 : vector<1x16xf32> to vector<16xf32>
      %swap3A_49 = vector.shape_cast %broadcast_in_dim3A_1 : vector<16xf32> to vector<1x16xf32>
      tpu.vector_store %arg8[%swap3A_45, %swap3A_46], %swap3A_49 {strides = array<i32>} : memref<125x128xf32, #tpu.memory_space<vmem>>, vector<1x16xf32>,
      %swap3A_50 = arith.index_cast %scan3A_30 : i32 to index
      %swap3A_51 = arith.constant 64 : index
      %swap3A_52 = tpu.vector_load %arg8[%swap3A_50, %swap3A_51] {strides = array<i32>} : memref<125x128xf32, #tpu.memory_space<vmem>>, vector<1x16xf32>,
      %swap3A_53 = vector.shape_cast %swap3A_52 : vector<1x16xf32> to vector<16xf32>
      %swap3A_54 = vector.shape_cast %broadcast_in_dim3A_1 : vector<16xf32> to vector<1x16xf32>
      tpu.vector_store %arg8[%swap3A_50, %swap3A_51], %swap3A_54 {strides = array<i32>} : memref<125x128xf32, #tpu.memory_space<vmem>>, vector<1x16xf32>,
      %swap3A_55 = arith.index_cast %scan3A_30 : i32 to index
      %swap3A_56 = arith.constant 80 : index
      %swap3A_57 = tpu.vector_load %arg8[%swap3A_55, %swap3A_56] {strides = array<i32>} : memref<125x128xf32, #tpu.memory_space<vmem>>, vector<1x16xf32>,
      %swap3A_58 = vector.shape_cast %swap3A_57 : vector<1x16xf32> to vector<16xf32>
      %swap3A_59 = vector.shape_cast %broadcast_in_dim3A_1 : vector<16xf32> to vector<1x16xf32>
      tpu.vector_store %arg8[%swap3A_55, %swap3A_56], %swap3A_59 {strides = array<i32>} : memref<125x128xf32, #tpu.memory_space<vmem>>, vector<1x16xf32>,
      %swap3A_60 = arith.index_cast %scan3A_30 : i32 to index
      %swap3A_61 = arith.constant 96 : index
      %swap3A_62 = tpu.vector_load %arg8[%swap3A_60, %swap3A_61] {strides = array<i32>} : memref<125x128xf32, #tpu.memory_space<vmem>>, vector<1x16xf32>,
      %swap3A_63 = vector.shape_cast %swap3A_62 : vector<1x16xf32> to vector<16xf32>
      %swap3A_64 = vector.shape_cast %broadcast_in_dim3A_1 : vector<16xf32> to vector<1x16xf32>
      tpu.vector_store %arg8[%swap3A_60, %swap3A_61], %swap3A_64 {strides = array<i32>} : memref<125x128xf32, #tpu.memory_space<vmem>>, vector<1x16xf32>,
      %swap3A_65 = arith.index_cast %scan3A_30 : i32 to index
      %swap3A_66 = arith.constant 112 : index
      %swap3A_67 = tpu.vector_load %arg8[%swap3A_65, %swap3A_66] {strides = array<i32>} : memref<125x128xf32, #tpu.memory_space<vmem>>, vector<1x16xf32>,
      %swap3A_68 = vector.shape_cast %swap3A_67 : vector<1x16xf32> to vector<16xf32>
      %swap3A_69 = vector.shape_cast %broadcast_in_dim3A_1 : vector<16xf32> to vector<1x16xf32>
      tpu.vector_store %arg8[%swap3A_65, %swap3A_66], %swap3A_69 {strides = array<i32>} : memref<125x128xf32, #tpu.memory_space<vmem>>, vector<1x16xf32>,
    }
    %scan3A_6 = arith.constant 125 : i32
    %mul3A_7 = arith.constant 625 : i32
    %mul3A_8 = arith.muli %arg1, %mul3A_7 : i32
    %add3A_9 = arith.constant 0 : i32
    %add3A_10 = arith.addi %mul3A_8, %add3A_9 : i32
    "tpu.region"() ({
      %run_scoped3A = tpu.sem_alloc : memref<!tpu.dma_semaphore, #tpu.memory_space<semaphore_mem>>
      %dma_start3A = arith.constant 0 : i32
      %dma_start3A_30 = tpu.memref_slice %arg10[%add3A_10, %dma_start3A] : memref<10000x128xf32, #tpu.memory_space<vmem_shared>> -> memref<125x128xf32, #tpu.memory_space<vmem_shared>>
      %dma_start3A_31 = arith.constant 0 : i32
      %dma_start3A_32 = tpu.memref_slice %arg10[%add3A_10, %dma_start3A_31] : memref<10000x128xf32, #tpu.memory_space<vmem_shared>> -> memref<125x128xf32, #tpu.memory_space<vmem_shared>>
      tpu.enqueue_dma source(%arg8 : memref<125x128xf32, #tpu.memory_space<vmem>>) target(%dma_start3A_32 : memref<125x128xf32, #tpu.memory_space<vmem_shared>>) target_semaphore(%run_scoped3A : memref<!tpu.dma_semaphore, #tpu.memory_space<semaphore_mem>>)
      %dma_wait3A = arith.constant 0 : i32
      %dma_wait3A_33 = tpu.memref_slice %arg10[%add3A_10, %dma_wait3A] : memref<10000x128xf32, #tpu.memory_space<vmem_shared>> -> memref<125x128xf32, #tpu.memory_space<vmem_shared>>
      %dma_wait3A_34 = arith.constant 0 : i32
      %dma_wait3A_35 = tpu.memref_slice %arg10[%add3A_10, %dma_wait3A_34] : memref<10000x128xf32, #tpu.memory_space<vmem_shared>> -> memref<125x128xf32, #tpu.memory_space<vmem_shared>>
      tpu.wait_dma2 semaphore(%run_scoped3A : memref<!tpu.dma_semaphore, #tpu.memory_space<semaphore_mem>>) src(%arg8 : memref<125x128xf32, #tpu.memory_space<vmem>>) dst(%dma_wait3A_35 : memref<125x128xf32, #tpu.memory_space<vmem_shared>>)
      tpu.yield
    }) : () -> ()
    %mul3A_11 = arith.constant 625 : i32
    %mul3A_12 = arith.muli %arg1, %mul3A_11 : i32
    %add3A_13 = arith.constant 125 : i32
    %add3A_14 = arith.addi %mul3A_12, %add3A_13 : i32
    "tpu.region"() ({
      %run_scoped3A = tpu.sem_alloc : memref<!tpu.dma_semaphore, #tpu.memory_space<semaphore_mem>>
      %dma_start3A = arith.constant 0 : i32
      %dma_start3A_30 = tpu.memref_slice %arg10[%add3A_14, %dma_start3A] : memref<10000x128xf32, #tpu.memory_space<vmem_shared>> -> memref<125x128xf32, #tpu.memory_space<vmem_shared>>
      %dma_start3A_31 = arith.constant 0 : i32
      %dma_start3A_32 = tpu.memref_slice %arg10[%add3A_14, %dma_start3A_31] : memref<10000x128xf32, #tpu.memory_space<vmem_shared>> -> memref<125x128xf32, #tpu.memory_space<vmem_shared>>
      tpu.enqueue_dma source(%arg8 : memref<125x128xf32, #tpu.memory_space<vmem>>) target(%dma_start3A_32 : memref<125x128xf32, #tpu.memory_space<vmem_shared>>) target_semaphore(%run_scoped3A : memref<!tpu.dma_semaphore, #tpu.memory_space<semaphore_mem>>)
      %dma_wait3A = arith.constant 0 : i32
      %dma_wait3A_33 = tpu.memref_slice %arg10[%add3A_14, %dma_wait3A] : memref<10000x128xf32, #tpu.memory_space<vmem_shared>> -> memref<125x128xf32, #tpu.memory_space<vmem_shared>>
      %dma_wait3A_34 = arith.constant 0 : i32
      %dma_wait3A_35 = tpu.memref_slice %arg10[%add3A_14, %dma_wait3A_34] : memref<10000x128xf32, #tpu.memory_space<vmem_shared>> -> memref<125x128xf32, #tpu.memory_space<vmem_shared>>
      tpu.wait_dma2 semaphore(%run_scoped3A : memref<!tpu.dma_semaphore, #tpu.memory_space<semaphore_mem>>) src(%arg8 : memref<125x128xf32, #tpu.memory_space<vmem>>) dst(%dma_wait3A_35 : memref<125x128xf32, #tpu.memory_space<vmem_shared>>)
      tpu.yield
    }) : () -> ()
    %mul3A_15 = arith.constant 625 : i32
    %mul3A_16 = arith.muli %arg1, %mul3A_15 : i32
    %add3A_17 = arith.constant 250 : i32
    %add3A_18 = arith.addi %mul3A_16, %add3A_17 : i32
    "tpu.region"() ({
      %run_scoped3A = tpu.sem_alloc : memref<!tpu.dma_semaphore, #tpu.memory_space<semaphore_mem>>
      %dma_start3A = arith.constant 0 : i32
      %dma_start3A_30 = tpu.memref_slice %arg10[%add3A_18, %dma_start3A] : memref<10000x128xf32, #tpu.memory_space<vmem_shared>> -> memref<125x128xf32, #tpu.memory_space<vmem_shared>>
      %dma_start3A_31 = arith.constant 0 : i32
      %dma_start3A_32 = tpu.memref_slice %arg10[%add3A_18, %dma_start3A_31] : memref<10000x128xf32, #tpu.memory_space<vmem_shared>> -> memref<125x128xf32, #tpu.memory_space<vmem_shared>>
      tpu.enqueue_dma source(%arg8 : memref<125x128xf32, #tpu.memory_space<vmem>>) target(%dma_start3A_32 : memref<125x128xf32, #tpu.memory_space<vmem_shared>>) target_semaphore(%run_scoped3A : memref<!tpu.dma_semaphore, #tpu.memory_space<semaphore_mem>>)
      %dma_wait3A = arith.constant 0 : i32
      %dma_wait3A_33 = tpu.memref_slice %arg10[%add3A_18, %dma_wait3A] : memref<10000x128xf32, #tpu.memory_space<vmem_shared>> -> memref<125x128xf32, #tpu.memory_space<vmem_shared>>
      %dma_wait3A_34 = arith.constant 0 : i32
      %dma_wait3A_35 = tpu.memref_slice %arg10[%add3A_18, %dma_wait3A_34] : memref<10000x128xf32, #tpu.memory_space<vmem_shared>> -> memref<125x128xf32, #tpu.memory_space<vmem_shared>>
      tpu.wait_dma2 semaphore(%run_scoped3A : memref<!tpu.dma_semaphore, #tpu.memory_space<semaphore_mem>>) src(%arg8 : memref<125x128xf32, #tpu.memory_space<vmem>>) dst(%dma_wait3A_35 : memref<125x128xf32, #tpu.memory_space<vmem_shared>>)
      tpu.yield
    }) : () -> ()
    %mul3A_19 = arith.constant 625 : i32
    %mul3A_20 = arith.muli %arg1, %mul3A_19 : i32
    %add3A_21 = arith.constant 375 : i32
    %add3A_22 = arith.addi %mul3A_20, %add3A_21 : i32
    "tpu.region"() ({
      %run_scoped3A = tpu.sem_alloc : memref<!tpu.dma_semaphore, #tpu.memory_space<semaphore_mem>>
      %dma_start3A = arith.constant 0 : i32
      %dma_start3A_30 = tpu.memref_slice %arg10[%add3A_22, %dma_start3A] : memref<10000x128xf32, #tpu.memory_space<vmem_shared>> -> memref<125x128xf32, #tpu.memory_space<vmem_shared>>
      %dma_start3A_31 = arith.constant 0 : i32
      %dma_start3A_32 = tpu.memref_slice %arg10[%add3A_22, %dma_start3A_31] : memref<10000x128xf32, #tpu.memory_space<vmem_shared>> -> memref<125x128xf32, #tpu.memory_space<vmem_shared>>
      tpu.enqueue_dma source(%arg8 : memref<125x128xf32, #tpu.memory_space<vmem>>) target(%dma_start3A_32 : memref<125x128xf32, #tpu.memory_space<vmem_shared>>) target_semaphore(%run_scoped3A : memref<!tpu.dma_semaphore, #tpu.memory_space<semaphore_mem>>)
      %dma_wait3A = arith.constant 0 : i32
      %dma_wait3A_33 = tpu.memref_slice %arg10[%add3A_22, %dma_wait3A] : memref<10000x128xf32, #tpu.memory_space<vmem_shared>> -> memref<125x128xf32, #tpu.memory_space<vmem_shared>>
      %dma_wait3A_34 = arith.constant 0 : i32
      %dma_wait3A_35 = tpu.memref_slice %arg10[%add3A_22, %dma_wait3A_34] : memref<10000x128xf32, #tpu.memory_space<vmem_shared>> -> memref<125x128xf32, #tpu.memory_space<vmem_shared>>
      tpu.wait_dma2 semaphore(%run_scoped3A : memref<!tpu.dma_semaphore, #tpu.memory_space<semaphore_mem>>) src(%arg8 : memref<125x128xf32, #tpu.memory_space<vmem>>) dst(%dma_wait3A_35 : memref<125x128xf32, #tpu.memory_space<vmem_shared>>)
      tpu.yield
    }) : () -> ()
    %mul3A_23 = arith.constant 625 : i32
    %mul3A_24 = arith.muli %arg1, %mul3A_23 : i32
    %add3A_25 = arith.constant 500 : i32
    %add3A_26 = arith.addi %mul3A_24, %add3A_25 : i32
    "tpu.region"() ({
      %run_scoped3A = tpu.sem_alloc : memref<!tpu.dma_semaphore, #tpu.memory_space<semaphore_mem>>
      %dma_start3A = arith.constant 0 : i32
      %dma_start3A_30 = tpu.memref_slice %arg10[%add3A_26, %dma_start3A] : memref<10000x128xf32, #tpu.memory_space<vmem_shared>> -> memref<125x128xf32, #tpu.memory_space<vmem_shared>>
      %dma_start3A_31 = arith.constant 0 : i32
      %dma_start3A_32 = tpu.memref_slice %arg10[%add3A_26, %dma_start3A_31] : memref<10000x128xf32, #tpu.memory_space<vmem_shared>> -> memref<125x128xf32, #tpu.memory_space<vmem_shared>>
      tpu.enqueue_dma source(%arg8 : memref<125x128xf32, #tpu.memory_space<vmem>>) target(%dma_start3A_32 : memref<125x128xf32, #tpu.memory_space<vmem_shared>>) target_semaphore(%run_scoped3A : memref<!tpu.dma_semaphore, #tpu.memory_space<semaphore_mem>>)
      %dma_wait3A = arith.constant 0 : i32
      %dma_wait3A_33 = tpu.memref_slice %arg10[%add3A_26, %dma_wait3A] : memref<10000x128xf32, #tpu.memory_space<vmem_shared>> -> memref<125x128xf32, #tpu.memory_space<vmem_shared>>
      %dma_wait3A_34 = arith.constant 0 : i32
      %dma_wait3A_35 = tpu.memref_slice %arg10[%add3A_26, %dma_wait3A_34] : memref<10000x128xf32, #tpu.memory_space<vmem_shared>> -> memref<125x128xf32, #tpu.memory_space<vmem_shared>>
      tpu.wait_dma2 semaphore(%run_scoped3A : memref<!tpu.dma_semaphore, #tpu.memory_space<semaphore_mem>>) src(%arg8 : memref<125x128xf32, #tpu.memory_space<vmem>>) dst(%dma_wait3A_35 : memref<125x128xf32, #tpu.memory_space<vmem_shared>>)
      tpu.yield
    }) : () -> ()
    %barrier3A = arith.constant 0 : index
    tpu.barrier barrier_id(%barrier3A)
    "tpu.region"() ({
      %run_scoped3A = tpu.sem_alloc : memref<!tpu.dma_semaphore, #tpu.memory_space<semaphore_mem>>
      %run_scoped3A_30 = tpu.sem_alloc : memref<!tpu.dma_semaphore, #tpu.memory_space<semaphore_mem>>
      %run_scoped3A_31 = tpu.sem_alloc : memref<!tpu.dma_semaphore, #tpu.memory_space<semaphore_mem>>
      %run_scoped3A_32 = tpu.sem_alloc : memref<!tpu.dma_semaphore, #tpu.memory_space<semaphore_mem>>
      "tpu.region"() ({
        %run_scoped3A_155 = tpu.sem_alloc : memref<!tpu.dma_semaphore, #tpu.memory_space<semaphore_mem>>
        %dma_start3A_156 = arith.constant 0 : i32
        %dma_start3A_157 = arith.constant 0 : i32
        %dma_start3A_158 = tpu.memref_slice %arg3[%add3A, %dma_start3A_156, %dma_start3A_157] : memref<32x80x125xi32, #tpu.memory_space<hbm>> -> memref<1x40x125xi32, #tpu.memory_space<hbm>>
        %dma_start3A_159 = tpu.memref_squeeze %dma_start3A_158 : memref<1x40x125xi32, #tpu.memory_space<hbm>> -> memref<40x125xi32, #tpu.memory_space<hbm>>
        %dma_start3A_160 = arith.constant 0 : i32
        %dma_start3A_161 = arith.constant 0 : i32
        %dma_start3A_162 = tpu.memref_slice %arg3[%add3A, %dma_start3A_160, %dma_start3A_161] : memref<32x80x125xi32, #tpu.memory_space<hbm>> -> memref<1x40x125xi32, #tpu.memory_space<hbm>>
        %dma_start3A_163 = tpu.memref_squeeze %dma_start3A_162 : memref<1x40x125xi32, #tpu.memory_space<hbm>> -> memref<40x125xi32, #tpu.memory_space<hbm>>
        tpu.enqueue_dma source(%dma_start3A_163 : memref<40x125xi32, #tpu.memory_space<hbm>>) target(%arg6 : memref<40x125xi32, #tpu.memory_space<vmem>>) target_semaphore(%run_scoped3A_155 : memref<!tpu.dma_semaphore, #tpu.memory_space<semaphore_mem>>)
        %dma_wait3A_164 = arith.constant 0 : i32
        %dma_wait3A_165 = arith.constant 0 : i32
        %dma_wait3A_166 = tpu.memref_slice %arg3[%add3A, %dma_wait3A_164, %dma_wait3A_165] : memref<32x80x125xi32, #tpu.memory_space<hbm>> -> memref<1x40x125xi32, #tpu.memory_space<hbm>>
        %dma_wait3A_167 = tpu.memref_squeeze %dma_wait3A_166 : memref<1x40x125xi32, #tpu.memory_space<hbm>> -> memref<40x125xi32, #tpu.memory_space<hbm>>
        %dma_wait3A_168 = arith.constant 0 : i32
        %dma_wait3A_169 = arith.constant 0 : i32
        %dma_wait3A_170 = tpu.memref_slice %arg3[%add3A, %dma_wait3A_168, %dma_wait3A_169] : memref<32x80x125xi32, #tpu.memory_space<hbm>> -> memref<1x40x125xi32, #tpu.memory_space<hbm>>
        %dma_wait3A_171 = tpu.memref_squeeze %dma_wait3A_170 : memref<1x40x125xi32, #tpu.memory_space<hbm>> -> memref<40x125xi32, #tpu.memory_space<hbm>>
        tpu.wait_dma2 semaphore(%run_scoped3A_155 : memref<!tpu.dma_semaphore, #tpu.memory_space<semaphore_mem>>) src(%dma_wait3A_171 : memref<40x125xi32, #tpu.memory_space<hbm>>) dst(%arg6 : memref<40x125xi32, #tpu.memory_space<vmem>>)
        tpu.yield
      }) : () -> ()
      "tpu.region"() ({
        %run_scoped3A_155 = tpu.sem_alloc : memref<!tpu.dma_semaphore, #tpu.memory_space<semaphore_mem>>
        %dma_start3A_156 = arith.constant 0 : i32
        %dma_start3A_157 = arith.constant 0 : i32
        %dma_start3A_158 = tpu.memref_slice %arg4[%add3A, %dma_start3A_156, %dma_start3A_157] : memref<32x80x125xi32, #tpu.memory_space<hbm>> -> memref<1x40x125xi32, #tpu.memory_space<hbm>>
        %dma_start3A_159 = tpu.memref_squeeze %dma_start3A_158 : memref<1x40x125xi32, #tpu.memory_space<hbm>> -> memref<40x125xi32, #tpu.memory_space<hbm>>
        %dma_start3A_160 = arith.constant 0 : i32
        %dma_start3A_161 = arith.constant 0 : i32
        %dma_start3A_162 = tpu.memref_slice %arg4[%add3A, %dma_start3A_160, %dma_start3A_161] : memref<32x80x125xi32, #tpu.memory_space<hbm>> -> memref<1x40x125xi32, #tpu.memory_space<hbm>>
        %dma_start3A_163 = tpu.memref_squeeze %dma_start3A_162 : memref<1x40x125xi32, #tpu.memory_space<hbm>> -> memref<40x125xi32, #tpu.memory_space<hbm>>
        tpu.enqueue_dma source(%dma_start3A_163 : memref<40x125xi32, #tpu.memory_space<hbm>>) target(%arg7 : memref<40x125xi32, #tpu.memory_space<vmem>>) target_semaphore(%run_scoped3A_155 : memref<!tpu.dma_semaphore, #tpu.memory_space<semaphore_mem>>)
        %dma_wait3A_164 = arith.constant 0 : i32
        %dma_wait3A_165 = arith.constant 0 : i32
        %dma_wait3A_166 = tpu.memref_slice %arg4[%add3A, %dma_wait3A_164, %dma_wait3A_165] : memref<32x80x125xi32, #tpu.memory_space<hbm>> -> memref<1x40x125xi32, #tpu.memory_space<hbm>>
        %dma_wait3A_167 = tpu.memref_squeeze %dma_wait3A_166 : memref<1x40x125xi32, #tpu.memory_space<hbm>> -> memref<40x125xi32, #tpu.memory_space<hbm>>
        %dma_wait3A_168 = arith.constant 0 : i32
        %dma_wait3A_169 = arith.constant 0 : i32
        %dma_wait3A_170 = tpu.memref_slice %arg4[%add3A, %dma_wait3A_168, %dma_wait3A_169] : memref<32x80x125xi32, #tpu.memory_space<hbm>> -> memref<1x40x125xi32, #tpu.memory_space<hbm>>
        %dma_wait3A_171 = tpu.memref_squeeze %dma_wait3A_170 : memref<1x40x125xi32, #tpu.memory_space<hbm>> -> memref<40x125xi32, #tpu.memory_space<hbm>>
        tpu.wait_dma2 semaphore(%run_scoped3A_155 : memref<!tpu.dma_semaphore, #tpu.memory_space<semaphore_mem>>) src(%dma_wait3A_171 : memref<40x125xi32, #tpu.memory_space<hbm>>) dst(%arg7 : memref<40x125xi32, #tpu.memory_space<vmem>>)
        tpu.yield
      }) : () -> ()
      %dma_start3A = arith.constant 0 : i32
      %dma_start3A_33 = arith.constant 0 : i32
      %dma_start3A_34 = tpu.memref_slice %arg6[%dma_start3A, %dma_start3A_33] : memref<40x125xi32, #tpu.memory_space<vmem>> -> memref<1x125xi32, #tpu.memory_space<vmem>>
      %dma_start3A_35 = tpu.memref_squeeze %dma_start3A_34 : memref<1x125xi32, #tpu.memory_space<vmem>> -> memref<125xi32, #tpu.memory_space<vmem>>
      %dma_start3A_36 = arith.constant 0 : i32
      %dma_start3A_37 = arith.constant 0 : i32
      %dma_start3A_38 = tpu.memref_slice %arg2[%dma_start3A_36, %dma_start3A_37] : memref<10000x128xf32, #tpu.memory_space<hbm>> -> memref<10000x128xf32, #tpu.memory_space<hbm>>
      tpu.enqueue_indirect_dma source(%dma_start3A_38 : memref<10000x128xf32, #tpu.memory_space<hbm>>) target(%arg8 : memref<125x128xf32, #tpu.memory_space<vmem>>) offsets(%dma_start3A_35 : memref<125xi32, #tpu.memory_space<vmem>>) semaphore(%run_scoped3A : memref<!tpu.dma_semaphore, #tpu.memory_space<semaphore_mem>>)
      %dma_wait3A = arith.constant 0 : i32
      %dma_wait3A_39 = arith.constant 0 : i32
      %dma_wait3A_40 = tpu.memref_slice %arg6[%dma_wait3A, %dma_wait3A_39] : memref<40x125xi32, #tpu.memory_space<vmem>> -> memref<1x125xi32, #tpu.memory_space<vmem>>
      %dma_wait3A_41 = tpu.memref_squeeze %dma_wait3A_40 : memref<1x125xi32, #tpu.memory_space<vmem>> -> memref<125xi32, #tpu.memory_space<vmem>>
      %dma_wait3A_42 = arith.constant 0 : i32
      %dma_wait3A_43 = arith.constant 0 : i32
      %dma_wait3A_44 = tpu.memref_slice %arg2[%dma_wait3A_42, %dma_wait3A_43] : memref<10000x128xf32, #tpu.memory_space<hbm>> -> memref<10000x128xf32, #tpu.memory_space<hbm>>
      tpu.wait_indirect_dma semaphore(%run_scoped3A : memref<!tpu.dma_semaphore, #tpu.memory_space<semaphore_mem>>) src(%dma_wait3A_44 : memref<10000x128xf32, #tpu.memory_space<hbm>>) dst(%arg8 : memref<125x128xf32, #tpu.memory_space<vmem>>)
      %dma_start3A_45 = arith.constant 0 : i32
      %dma_start3A_46 = arith.constant 0 : i32
      %dma_start3A_47 = tpu.memref_slice %arg7[%dma_start3A_45, %dma_start3A_46] : memref<40x125xi32, #tpu.memory_space<vmem>> -> memref<1x125xi32, #tpu.memory_space<vmem>>
      %dma_start3A_48 = tpu.memref_squeeze %dma_start3A_47 : memref<1x125xi32, #tpu.memory_space<vmem>> -> memref<125xi32, #tpu.memory_space<vmem>>
      %dma_start3A_49 = arith.constant 0 : i32
      %dma_start3A_50 = arith.constant 0 : i32
      %dma_start3A_51 = tpu.memref_slice %arg10[%dma_start3A_49, %dma_start3A_50] : memref<10000x128xf32, #tpu.memory_space<vmem_shared>> -> memref<10000x128xf32, #tpu.memory_space<vmem_shared>>
      tpu.enqueue_indirect_dma source(%arg8 : memref<125x128xf32, #tpu.memory_space<vmem>>) target(%dma_start3A_51 : memref<10000x128xf32, #tpu.memory_space<vmem_shared>>) offsets(%dma_start3A_48 : memref<125xi32, #tpu.memory_space<vmem>>) semaphore(%run_scoped3A_31 : memref<!tpu.dma_semaphore, #tpu.memory_space<semaphore_mem>>) {add = true}
      %dma_start3A_52 = arith.constant 1 : i32
      %dma_start3A_53 = arith.constant 0 : i32
      %dma_start3A_54 = tpu.memref_slice %arg6[%dma_start3A_52, %dma_start3A_53] : memref<40x125xi32, #tpu.memory_space<vmem>> -> memref<1x125xi32, #tpu.memory_space<vmem>>
      %dma_start3A_55 = tpu.memref_squeeze %dma_start3A_54 : memref<1x125xi32, #tpu.memory_space<vmem>> -> memref<125xi32, #tpu.memory_space<vmem>>
      %dma_start3A_56 = arith.constant 0 : i32
      %dma_start3A_57 = arith.constant 0 : i32
      %dma_start3A_58 = tpu.memref_slice %arg2[%dma_start3A_56, %dma_start3A_57] : memref<10000x128xf32, #tpu.memory_space<hbm>> -> memref<10000x128xf32, #tpu.memory_space<hbm>>
      tpu.enqueue_indirect_dma source(%dma_start3A_58 : memref<10000x128xf32, #tpu.memory_space<hbm>>) target(%arg9 : memref<125x128xf32, #tpu.memory_space<vmem>>) offsets(%dma_start3A_55 : memref<125xi32, #tpu.memory_space<vmem>>) semaphore(%run_scoped3A_30 : memref<!tpu.dma_semaphore, #tpu.memory_space<semaphore_mem>>)
      %scan3A_59 = arith.constant 0 : i32
      %scan3A_60 = arith.constant 0 : i32
      %scan3A_61 = arith.constant 19 : i32
      %scan3A_62 = arith.addi %scan3A_60, %scan3A_61 : i32
      %scan3A_63 = arith.constant 1 : i32
      scf.for %scan3A_155 = %scan3A_60 to %scan3A_62 step %scan3A_63  : i32 {
        %mul3A_156 = arith.constant 2 : i32
        %mul3A_157 = arith.muli %mul3A_156, %scan3A_155 : i32
        %add3A_158 = arith.constant 1 : i32
        %add3A_159 = arith.addi %mul3A_157, %add3A_158 : i32
        %dma_wait3A_160 = arith.constant 0 : i32
        %dma_wait3A_161 = tpu.memref_slice %arg6[%add3A_159, %dma_wait3A_160] : memref<40x125xi32, #tpu.memory_space<vmem>> -> memref<1x125xi32, #tpu.memory_space<vmem>>
        %dma_wait3A_162 = tpu.memref_squeeze %dma_wait3A_161 : memref<1x125xi32, #tpu.memory_space<vmem>> -> memref<125xi32, #tpu.memory_space<vmem>>
        %dma_wait3A_163 = arith.constant 0 : i32
        %dma_wait3A_164 = arith.constant 0 : i32
        %dma_wait3A_165 = tpu.memref_slice %arg2[%dma_wait3A_163, %dma_wait3A_164] : memref<10000x128xf32, #tpu.memory_space<hbm>> -> memref<10000x128xf32, #tpu.memory_space<hbm>>
        tpu.wait_indirect_dma semaphore(%run_scoped3A_30 : memref<!tpu.dma_semaphore, #tpu.memory_space<semaphore_mem>>) src(%dma_wait3A_165 : memref<10000x128xf32, #tpu.memory_space<hbm>>) dst(%arg9 : memref<125x128xf32, #tpu.memory_space<vmem>>)
        %add3A_166 = arith.constant 1 : i32
        %add3A_167 = arith.addi %mul3A_157, %add3A_166 : i32
        %dma_start3A_168 = arith.constant 0 : i32
        %dma_start3A_169 = tpu.memref_slice %arg7[%add3A_167, %dma_start3A_168] : memref<40x125xi32, #tpu.memory_space<vmem>> -> memref<1x125xi32, #tpu.memory_space<vmem>>
        %dma_start3A_170 = tpu.memref_squeeze %dma_start3A_169 : memref<1x125xi32, #tpu.memory_space<vmem>> -> memref<125xi32, #tpu.memory_space<vmem>>
        %dma_start3A_171 = arith.constant 0 : i32
        %dma_start3A_172 = arith.constant 0 : i32
        %dma_start3A_173 = tpu.memref_slice %arg10[%dma_start3A_171, %dma_start3A_172] : memref<10000x128xf32, #tpu.memory_space<vmem_shared>> -> memref<10000x128xf32, #tpu.memory_space<vmem_shared>>
        tpu.enqueue_indirect_dma source(%arg9 : memref<125x128xf32, #tpu.memory_space<vmem>>) target(%dma_start3A_173 : memref<10000x128xf32, #tpu.memory_space<vmem_shared>>) offsets(%dma_start3A_170 : memref<125xi32, #tpu.memory_space<vmem>>) semaphore(%run_scoped3A_32 : memref<!tpu.dma_semaphore, #tpu.memory_space<semaphore_mem>>) {add = true}
        %dma_wait3A_174 = arith.constant 0 : i32
        %dma_wait3A_175 = tpu.memref_slice %arg7[%mul3A_157, %dma_wait3A_174] : memref<40x125xi32, #tpu.memory_space<vmem>> -> memref<1x125xi32, #tpu.memory_space<vmem>>
        %dma_wait3A_176 = tpu.memref_squeeze %dma_wait3A_175 : memref<1x125xi32, #tpu.memory_space<vmem>> -> memref<125xi32, #tpu.memory_space<vmem>>
        %dma_wait3A_177 = arith.constant 0 : i32
        %dma_wait3A_178 = arith.constant 0 : i32
        %dma_wait3A_179 = tpu.memref_slice %arg10[%dma_wait3A_177, %dma_wait3A_178] : memref<10000x128xf32, #tpu.memory_space<vmem_shared>> -> memref<10000x128xf32, #tpu.memory_space<vmem_shared>>
        tpu.wait_indirect_dma semaphore(%run_scoped3A_31 : memref<!tpu.dma_semaphore, #tpu.memory_space<semaphore_mem>>) src(%arg8 : memref<125x128xf32, #tpu.memory_space<vmem>>) dst(%dma_wait3A_179 : memref<10000x128xf32, #tpu.memory_space<vmem_shared>>)
        %add3A_180 = arith.constant 2 : i32
        %add3A_181 = arith.addi %mul3A_157, %add3A_180 : i32
        %dma_start3A_182 = arith.constant 0 : i32
        %dma_start3A_183 = tpu.memref_slice %arg6[%add3A_181, %dma_start3A_182] : memref<40x125xi32, #tpu.memory_space<vmem>> -> memref<1x125xi32, #tpu.memory_space<vmem>>
        %dma_start3A_184 = tpu.memref_squeeze %dma_start3A_183 : memref<1x125xi32, #tpu.memory_space<vmem>> -> memref<125xi32, #tpu.memory_space<vmem>>
        %dma_start3A_185 = arith.constant 0 : i32
        %dma_start3A_186 = arith.constant 0 : i32
        %dma_start3A_187 = tpu.memref_slice %arg2[%dma_start3A_185, %dma_start3A_186] : memref<10000x128xf32, #tpu.memory_space<hbm>> -> memref<10000x128xf32, #tpu.memory_space<hbm>>
        tpu.enqueue_indirect_dma source(%dma_start3A_187 : memref<10000x128xf32, #tpu.memory_space<hbm>>) target(%arg8 : memref<125x128xf32, #tpu.memory_space<vmem>>) offsets(%dma_start3A_184 : memref<125xi32, #tpu.memory_space<vmem>>) semaphore(%run_scoped3A : memref<!tpu.dma_semaphore, #tpu.memory_space<semaphore_mem>>)
        %dma_wait3A_188 = arith.constant 0 : i32
        %dma_wait3A_189 = tpu.memref_slice %arg6[%add3A_181, %dma_wait3A_188] : memref<40x125xi32, #tpu.memory_space<vmem>> -> memref<1x125xi32, #tpu.memory_space<vmem>>
        %dma_wait3A_190 = tpu.memref_squeeze %dma_wait3A_189 : memref<1x125xi32, #tpu.memory_space<vmem>> -> memref<125xi32, #tpu.memory_space<vmem>>
        %dma_wait3A_191 = arith.constant 0 : i32
        %dma_wait3A_192 = arith.constant 0 : i32
        %dma_wait3A_193 = tpu.memref_slice %arg2[%dma_wait3A_191, %dma_wait3A_192] : memref<10000x128xf32, #tpu.memory_space<hbm>> -> memref<10000x128xf32, #tpu.memory_space<hbm>>
        tpu.wait_indirect_dma semaphore(%run_scoped3A : memref<!tpu.dma_semaphore, #tpu.memory_space<semaphore_mem>>) src(%dma_wait3A_193 : memref<10000x128xf32, #tpu.memory_space<hbm>>) dst(%arg8 : memref<125x128xf32, #tpu.memory_space<vmem>>)
        %add3A_194 = arith.constant 2 : i32
        %add3A_195 = arith.addi %mul3A_157, %add3A_194 : i32
        %dma_start3A_196 = arith.constant 0 : i32
        %dma_start3A_197 = tpu.memref_slice %arg7[%add3A_195, %dma_start3A_196] : memref<40x125xi32, #tpu.memory_space<vmem>> -> memref<1x125xi32, #tpu.memory_space<vmem>>
        %dma_start3A_198 = tpu.memref_squeeze %dma_start3A_197 : memref<1x125xi32, #tpu.memory_space<vmem>> -> memref<125xi32, #tpu.memory_space<vmem>>
        %dma_start3A_199 = arith.constant 0 : i32
        %dma_start3A_200 = arith.constant 0 : i32
        %dma_start3A_201 = tpu.memref_slice %arg10[%dma_start3A_199, %dma_start3A_200] : memref<10000x128xf32, #tpu.memory_space<vmem_shared>> -> memref<10000x128xf32, #tpu.memory_space<vmem_shared>>
        tpu.enqueue_indirect_dma source(%arg8 : memref<125x128xf32, #tpu.memory_space<vmem>>) target(%dma_start3A_201 : memref<10000x128xf32, #tpu.memory_space<vmem_shared>>) offsets(%dma_start3A_198 : memref<125xi32, #tpu.memory_space<vmem>>) semaphore(%run_scoped3A_31 : memref<!tpu.dma_semaphore, #tpu.memory_space<semaphore_mem>>) {add = true}
        %dma_wait3A_202 = arith.constant 0 : i32
        %dma_wait3A_203 = tpu.memref_slice %arg7[%add3A_167, %dma_wait3A_202] : memref<40x125xi32, #tpu.memory_space<vmem>> -> memref<1x125xi32, #tpu.memory_space<vmem>>
        %dma_wait3A_204 = tpu.memref_squeeze %dma_wait3A_203 : memref<1x125xi32, #tpu.memory_space<vmem>> -> memref<125xi32, #tpu.memory_space<vmem>>
        %dma_wait3A_205 = arith.constant 0 : i32
        %dma_wait3A_206 = arith.constant 0 : i32
        %dma_wait3A_207 = tpu.memref_slice %arg10[%dma_wait3A_205, %dma_wait3A_206] : memref<10000x128xf32, #tpu.memory_space<vmem_shared>> -> memref<10000x128xf32, #tpu.memory_space<vmem_shared>>
        tpu.wait_indirect_dma semaphore(%run_scoped3A_32 : memref<!tpu.dma_semaphore, #tpu.memory_space<semaphore_mem>>) src(%arg9 : memref<125x128xf32, #tpu.memory_space<vmem>>) dst(%dma_wait3A_207 : memref<10000x128xf32, #tpu.memory_space<vmem_shared>>)
        %add3A_208 = arith.constant 3 : i32
        %add3A_209 = arith.addi %mul3A_157, %add3A_208 : i32
        %dma_start3A_210 = arith.constant 0 : i32
        %dma_start3A_211 = tpu.memref_slice %arg6[%add3A_209, %dma_start3A_210] : memref<40x125xi32, #tpu.memory_space<vmem>> -> memref<1x125xi32, #tpu.memory_space<vmem>>
        %dma_start3A_212 = tpu.memref_squeeze %dma_start3A_211 : memref<1x125xi32, #tpu.memory_space<vmem>> -> memref<125xi32, #tpu.memory_space<vmem>>
        %dma_start3A_213 = arith.constant 0 : i32
        %dma_start3A_214 = arith.constant 0 : i32
        %dma_start3A_215 = tpu.memref_slice %arg2[%dma_start3A_213, %dma_start3A_214] : memref<10000x128xf32, #tpu.memory_space<hbm>> -> memref<10000x128xf32, #tpu.memory_space<hbm>>
        tpu.enqueue_indirect_dma source(%dma_start3A_215 : memref<10000x128xf32, #tpu.memory_space<hbm>>) target(%arg9 : memref<125x128xf32, #tpu.memory_space<vmem>>) offsets(%dma_start3A_212 : memref<125xi32, #tpu.memory_space<vmem>>) semaphore(%run_scoped3A_30 : memref<!tpu.dma_semaphore, #tpu.memory_space<semaphore_mem>>)
      }
      %scan3A_64 = arith.constant 19 : i32
      %dma_wait3A_65 = arith.constant 39 : i32
      %dma_wait3A_66 = arith.constant 0 : i32
      %dma_wait3A_67 = tpu.memref_slice %arg6[%dma_wait3A_65, %dma_wait3A_66] : memref<40x125xi32, #tpu.memory_space<vmem>> -> memref<1x125xi32, #tpu.memory_space<vmem>>
      %dma_wait3A_68 = tpu.memref_squeeze %dma_wait3A_67 : memref<1x125xi32, #tpu.memory_space<vmem>> -> memref<125xi32, #tpu.memory_space<vmem>>
      %dma_wait3A_69 = arith.constant 0 : i32
      %dma_wait3A_70 = arith.constant 0 : i32
      %dma_wait3A_71 = tpu.memref_slice %arg2[%dma_wait3A_69, %dma_wait3A_70] : memref<10000x128xf32, #tpu.memory_space<hbm>> -> memref<10000x128xf32, #tpu.memory_space<hbm>>
      tpu.wait_indirect_dma semaphore(%run_scoped3A_30 : memref<!tpu.dma_semaphore, #tpu.memory_space<semaphore_mem>>) src(%dma_wait3A_71 : memref<10000x128xf32, #tpu.memory_space<hbm>>) dst(%arg9 : memref<125x128xf32, #tpu.memory_space<vmem>>)
      %dma_start3A_72 = arith.constant 39 : i32
      %dma_start3A_73 = arith.constant 0 : i32
      %dma_start3A_74 = tpu.memref_slice %arg7[%dma_start3A_72, %dma_start3A_73] : memref<40x125xi32, #tpu.memory_space<vmem>> -> memref<1x125xi32, #tpu.memory_space<vmem>>
      %dma_start3A_75 = tpu.memref_squeeze %dma_start3A_74 : memref<1x125xi32, #tpu.memory_space<vmem>> -> memref<125xi32, #tpu.memory_space<vmem>>
      %dma_start3A_76 = arith.constant 0 : i32
      %dma_start3A_77 = arith.constant 0 : i32
      %dma_start3A_78 = tpu.memref_slice %arg10[%dma_start3A_76, %dma_start3A_77] : memref<10000x128xf32, #tpu.memory_space<vmem_shared>> -> memref<10000x128xf32, #tpu.memory_space<vmem_shared>>
      tpu.enqueue_indirect_dma source(%arg9 : memref<125x128xf32, #tpu.memory_space<vmem>>) target(%dma_start3A_78 : memref<10000x128xf32, #tpu.memory_space<vmem_shared>>) offsets(%dma_start3A_75 : memref<125xi32, #tpu.memory_space<vmem>>) semaphore(%run_scoped3A_32 : memref<!tpu.dma_semaphore, #tpu.memory_space<semaphore_mem>>) {add = true}
      %dma_wait3A_79 = arith.constant 38 : i32
      %dma_wait3A_80 = arith.constant 0 : i32
      %dma_wait3A_81 = tpu.memref_slice %arg7[%dma_wait3A_79, %dma_wait3A_80] : memref<40x125xi32, #tpu.memory_space<vmem>> -> memref<1x125xi32, #tpu.memory_space<vmem>>
      %dma_wait3A_82 = tpu.memref_squeeze %dma_wait3A_81 : memref<1x125xi32, #tpu.memory_space<vmem>> -> memref<125xi32, #tpu.memory_space<vmem>>
      %dma_wait3A_83 = arith.constant 0 : i32
      %dma_wait3A_84 = arith.constant 0 : i32
      %dma_wait3A_85 = tpu.memref_slice %arg10[%dma_wait3A_83, %dma_wait3A_84] : memref<10000x128xf32, #tpu.memory_space<vmem_shared>> -> memref<10000x128xf32, #tpu.memory_space<vmem_shared>>
      tpu.wait_indirect_dma semaphore(%run_scoped3A_31 : memref<!tpu.dma_semaphore, #tpu.memory_space<semaphore_mem>>) src(%arg8 : memref<125x128xf32, #tpu.memory_space<vmem>>) dst(%dma_wait3A_85 : memref<10000x128xf32, #tpu.memory_space<vmem_shared>>)
      %dma_wait3A_86 = arith.constant 39 : i32
      %dma_wait3A_87 = arith.constant 0 : i32
      %dma_wait3A_88 = tpu.memref_slice %arg7[%dma_wait3A_86, %dma_wait3A_87] : memref<40x125xi32, #tpu.memory_space<vmem>> -> memref<1x125xi32, #tpu.memory_space<vmem>>
      %dma_wait3A_89 = tpu.memref_squeeze %dma_wait3A_88 : memref<1x125xi32, #tpu.memory_space<vmem>> -> memref<125xi32, #tpu.memory_space<vmem>>
      %dma_wait3A_90 = arith.constant 0 : i32
      %dma_wait3A_91 = arith.constant 0 : i32
      %dma_wait3A_92 = tpu.memref_slice %arg10[%dma_wait3A_90, %dma_wait3A_91] : memref<10000x128xf32, #tpu.memory_space<vmem_shared>> -> memref<10000x128xf32, #tpu.memory_space<vmem_shared>>
      tpu.wait_indirect_dma semaphore(%run_scoped3A_32 : memref<!tpu.dma_semaphore, #tpu.memory_space<semaphore_mem>>) src(%arg9 : memref<125x128xf32, #tpu.memory_space<vmem>>) dst(%dma_wait3A_92 : memref<10000x128xf32, #tpu.memory_space<vmem_shared>>)
      "tpu.region"() ({
        %run_scoped3A_155 = tpu.sem_alloc : memref<!tpu.dma_semaphore, #tpu.memory_space<semaphore_mem>>
        %dma_start3A_156 = arith.constant 40 : i32
        %dma_start3A_157 = arith.constant 0 : i32
        %dma_start3A_158 = tpu.memref_slice %arg3[%add3A, %dma_start3A_156, %dma_start3A_157] : memref<32x80x125xi32, #tpu.memory_space<hbm>> -> memref<1x40x125xi32, #tpu.memory_space<hbm>>
        %dma_start3A_159 = tpu.memref_squeeze %dma_start3A_158 : memref<1x40x125xi32, #tpu.memory_space<hbm>> -> memref<40x125xi32, #tpu.memory_space<hbm>>
        %dma_start3A_160 = arith.constant 40 : i32
        %dma_start3A_161 = arith.constant 0 : i32
        %dma_start3A_162 = tpu.memref_slice %arg3[%add3A, %dma_start3A_160, %dma_start3A_161] : memref<32x80x125xi32, #tpu.memory_space<hbm>> -> memref<1x40x125xi32, #tpu.memory_space<hbm>>
        %dma_start3A_163 = tpu.memref_squeeze %dma_start3A_162 : memref<1x40x125xi32, #tpu.memory_space<hbm>> -> memref<40x125xi32, #tpu.memory_space<hbm>>
        tpu.enqueue_dma source(%dma_start3A_163 : memref<40x125xi32, #tpu.memory_space<hbm>>) target(%arg6 : memref<40x125xi32, #tpu.memory_space<vmem>>) target_semaphore(%run_scoped3A_155 : memref<!tpu.dma_semaphore, #tpu.memory_space<semaphore_mem>>)
        %dma_wait3A_164 = arith.constant 40 : i32
        %dma_wait3A_165 = arith.constant 0 : i32
        %dma_wait3A_166 = tpu.memref_slice %arg3[%add3A, %dma_wait3A_164, %dma_wait3A_165] : memref<32x80x125xi32, #tpu.memory_space<hbm>> -> memref<1x40x125xi32, #tpu.memory_space<hbm>>
        %dma_wait3A_167 = tpu.memref_squeeze %dma_wait3A_166 : memref<1x40x125xi32, #tpu.memory_space<hbm>> -> memref<40x125xi32, #tpu.memory_space<hbm>>
        %dma_wait3A_168 = arith.constant 40 : i32
        %dma_wait3A_169 = arith.constant 0 : i32
        %dma_wait3A_170 = tpu.memref_slice %arg3[%add3A, %dma_wait3A_168, %dma_wait3A_169] : memref<32x80x125xi32, #tpu.memory_space<hbm>> -> memref<1x40x125xi32, #tpu.memory_space<hbm>>
        %dma_wait3A_171 = tpu.memref_squeeze %dma_wait3A_170 : memref<1x40x125xi32, #tpu.memory_space<hbm>> -> memref<40x125xi32, #tpu.memory_space<hbm>>
        tpu.wait_dma2 semaphore(%run_scoped3A_155 : memref<!tpu.dma_semaphore, #tpu.memory_space<semaphore_mem>>) src(%dma_wait3A_171 : memref<40x125xi32, #tpu.memory_space<hbm>>) dst(%arg6 : memref<40x125xi32, #tpu.memory_space<vmem>>)
        tpu.yield
      }) : () -> ()
      "tpu.region"() ({
        %run_scoped3A_155 = tpu.sem_alloc : memref<!tpu.dma_semaphore, #tpu.memory_space<semaphore_mem>>
        %dma_start3A_156 = arith.constant 40 : i32
        %dma_start3A_157 = arith.constant 0 : i32
        %dma_start3A_158 = tpu.memref_slice %arg4[%add3A, %dma_start3A_156, %dma_start3A_157] : memref<32x80x125xi32, #tpu.memory_space<hbm>> -> memref<1x40x125xi32, #tpu.memory_space<hbm>>
        %dma_start3A_159 = tpu.memref_squeeze %dma_start3A_158 : memref<1x40x125xi32, #tpu.memory_space<hbm>> -> memref<40x125xi32, #tpu.memory_space<hbm>>
        %dma_start3A_160 = arith.constant 40 : i32
        %dma_start3A_161 = arith.constant 0 : i32
        %dma_start3A_162 = tpu.memref_slice %arg4[%add3A, %dma_start3A_160, %dma_start3A_161] : memref<32x80x125xi32, #tpu.memory_space<hbm>> -> memref<1x40x125xi32, #tpu.memory_space<hbm>>
        %dma_start3A_163 = tpu.memref_squeeze %dma_start3A_162 : memref<1x40x125xi32, #tpu.memory_space<hbm>> -> memref<40x125xi32, #tpu.memory_space<hbm>>
        tpu.enqueue_dma source(%dma_start3A_163 : memref<40x125xi32, #tpu.memory_space<hbm>>) target(%arg7 : memref<40x125xi32, #tpu.memory_space<vmem>>) target_semaphore(%run_scoped3A_155 : memref<!tpu.dma_semaphore, #tpu.memory_space<semaphore_mem>>)
        %dma_wait3A_164 = arith.constant 40 : i32
        %dma_wait3A_165 = arith.constant 0 : i32
        %dma_wait3A_166 = tpu.memref_slice %arg4[%add3A, %dma_wait3A_164, %dma_wait3A_165] : memref<32x80x125xi32, #tpu.memory_space<hbm>> -> memref<1x40x125xi32, #tpu.memory_space<hbm>>
        %dma_wait3A_167 = tpu.memref_squeeze %dma_wait3A_166 : memref<1x40x125xi32, #tpu.memory_space<hbm>> -> memref<40x125xi32, #tpu.memory_space<hbm>>
        %dma_wait3A_168 = arith.constant 40 : i32
        %dma_wait3A_169 = arith.constant 0 : i32
        %dma_wait3A_170 = tpu.memref_slice %arg4[%add3A, %dma_wait3A_168, %dma_wait3A_169] : memref<32x80x125xi32, #tpu.memory_space<hbm>> -> memref<1x40x125xi32, #tpu.memory_space<hbm>>
        %dma_wait3A_171 = tpu.memref_squeeze %dma_wait3A_170 : memref<1x40x125xi32, #tpu.memory_space<hbm>> -> memref<40x125xi32, #tpu.memory_space<hbm>>
        tpu.wait_dma2 semaphore(%run_scoped3A_155 : memref<!tpu.dma_semaphore, #tpu.memory_space<semaphore_mem>>) src(%dma_wait3A_171 : memref<40x125xi32, #tpu.memory_space<hbm>>) dst(%arg7 : memref<40x125xi32, #tpu.memory_space<vmem>>)
        tpu.yield
      }) : () -> ()
      %dma_start3A_93 = arith.constant 0 : i32
      %dma_start3A_94 = arith.constant 0 : i32
      %dma_start3A_95 = tpu.memref_slice %arg6[%dma_start3A_93, %dma_start3A_94] : memref<40x125xi32, #tpu.memory_space<vmem>> -> memref<1x125xi32, #tpu.memory_space<vmem>>
      %dma_start3A_96 = tpu.memref_squeeze %dma_start3A_95 : memref<1x125xi32, #tpu.memory_space<vmem>> -> memref<125xi32, #tpu.memory_space<vmem>>
      %dma_start3A_97 = arith.constant 0 : i32
      %dma_start3A_98 = arith.constant 0 : i32
      %dma_start3A_99 = tpu.memref_slice %arg2[%dma_start3A_97, %dma_start3A_98] : memref<10000x128xf32, #tpu.memory_space<hbm>> -> memref<10000x128xf32, #tpu.memory_space<hbm>>
      tpu.enqueue_indirect_dma source(%dma_start3A_99 : memref<10000x128xf32, #tpu.memory_space<hbm>>) target(%arg8 : memref<125x128xf32, #tpu.memory_space<vmem>>) offsets(%dma_start3A_96 : memref<125xi32, #tpu.memory_space<vmem>>) semaphore(%run_scoped3A : memref<!tpu.dma_semaphore, #tpu.memory_space<semaphore_mem>>)
      %dma_wait3A_100 = arith.constant 0 : i32
      %dma_wait3A_101 = arith.constant 0 : i32
      %dma_wait3A_102 = tpu.memref_slice %arg6[%dma_wait3A_100, %dma_wait3A_101] : memref<40x125xi32, #tpu.memory_space<vmem>> -> memref<1x125xi32, #tpu.memory_space<vmem>>
      %dma_wait3A_103 = tpu.memref_squeeze %dma_wait3A_102 : memref<1x125xi32, #tpu.memory_space<vmem>> -> memref<125xi32, #tpu.memory_space<vmem>>
      %dma_wait3A_104 = arith.constant 0 : i32
      %dma_wait3A_105 = arith.constant 0 : i32
      %dma_wait3A_106 = tpu.memref_slice %arg2[%dma_wait3A_104, %dma_wait3A_105] : memref<10000x128xf32, #tpu.memory_space<hbm>> -> memref<10000x128xf32, #tpu.memory_space<hbm>>
      tpu.wait_indirect_dma semaphore(%run_scoped3A : memref<!tpu.dma_semaphore, #tpu.memory_space<semaphore_mem>>) src(%dma_wait3A_106 : memref<10000x128xf32, #tpu.memory_space<hbm>>) dst(%arg8 : memref<125x128xf32, #tpu.memory_space<vmem>>)
      %dma_start3A_107 = arith.constant 0 : i32
      %dma_start3A_108 = arith.constant 0 : i32
      %dma_start3A_109 = tpu.memref_slice %arg7[%dma_start3A_107, %dma_start3A_108] : memref<40x125xi32, #tpu.memory_space<vmem>> -> memref<1x125xi32, #tpu.memory_space<vmem>>
      %dma_start3A_110 = tpu.memref_squeeze %dma_start3A_109 : memref<1x125xi32, #tpu.memory_space<vmem>> -> memref<125xi32, #tpu.memory_space<vmem>>
      %dma_start3A_111 = arith.constant 0 : i32
      %dma_start3A_112 = arith.constant 0 : i32
      %dma_start3A_113 = tpu.memref_slice %arg10[%dma_start3A_111, %dma_start3A_112] : memref<10000x128xf32, #tpu.memory_space<vmem_shared>> -> memref<10000x128xf32, #tpu.memory_space<vmem_shared>>
      tpu.enqueue_indirect_dma source(%arg8 : memref<125x128xf32, #tpu.memory_space<vmem>>) target(%dma_start3A_113 : memref<10000x128xf32, #tpu.memory_space<vmem_shared>>) offsets(%dma_start3A_110 : memref<125xi32, #tpu.memory_space<vmem>>) semaphore(%run_scoped3A_31 : memref<!tpu.dma_semaphore, #tpu.memory_space<semaphore_mem>>) {add = true}
      %dma_start3A_114 = arith.constant 1 : i32
      %dma_start3A_115 = arith.constant 0 : i32
      %dma_start3A_116 = tpu.memref_slice %arg6[%dma_start3A_114, %dma_start3A_115] : memref<40x125xi32, #tpu.memory_space<vmem>> -> memref<1x125xi32, #tpu.memory_space<vmem>>
      %dma_start3A_117 = tpu.memref_squeeze %dma_start3A_116 : memref<1x125xi32, #tpu.memory_space<vmem>> -> memref<125xi32, #tpu.memory_space<vmem>>
      %dma_start3A_118 = arith.constant 0 : i32
      %dma_start3A_119 = arith.constant 0 : i32
      %dma_start3A_120 = tpu.memref_slice %arg2[%dma_start3A_118, %dma_start3A_119] : memref<10000x128xf32, #tpu.memory_space<hbm>> -> memref<10000x128xf32, #tpu.memory_space<hbm>>
      tpu.enqueue_indirect_dma source(%dma_start3A_120 : memref<10000x128xf32, #tpu.memory_space<hbm>>) target(%arg9 : memref<125x128xf32, #tpu.memory_space<vmem>>) offsets(%dma_start3A_117 : memref<125xi32, #tpu.memory_space<vmem>>) semaphore(%run_scoped3A_30 : memref<!tpu.dma_semaphore, #tpu.memory_space<semaphore_mem>>)
      %scan3A_121 = arith.constant 0 : i32
      %scan3A_122 = arith.constant 0 : i32
      %scan3A_123 = arith.constant 19 : i32
      %scan3A_124 = arith.addi %scan3A_122, %scan3A_123 : i32
      %scan3A_125 = arith.constant 1 : i32
      scf.for %scan3A_155 = %scan3A_122 to %scan3A_124 step %scan3A_125  : i32 {
        %mul3A_156 = arith.constant 2 : i32
        %mul3A_157 = arith.muli %mul3A_156, %scan3A_155 : i32
        %add3A_158 = arith.constant 1 : i32
        %add3A_159 = arith.addi %mul3A_157, %add3A_158 : i32
        %dma_wait3A_160 = arith.constant 0 : i32
        %dma_wait3A_161 = tpu.memref_slice %arg6[%add3A_159, %dma_wait3A_160] : memref<40x125xi32, #tpu.memory_space<vmem>> -> memref<1x125xi32, #tpu.memory_space<vmem>>
        %dma_wait3A_162 = tpu.memref_squeeze %dma_wait3A_161 : memref<1x125xi32, #tpu.memory_space<vmem>> -> memref<125xi32, #tpu.memory_space<vmem>>
        %dma_wait3A_163 = arith.constant 0 : i32
        %dma_wait3A_164 = arith.constant 0 : i32
        %dma_wait3A_165 = tpu.memref_slice %arg2[%dma_wait3A_163, %dma_wait3A_164] : memref<10000x128xf32, #tpu.memory_space<hbm>> -> memref<10000x128xf32, #tpu.memory_space<hbm>>
        tpu.wait_indirect_dma semaphore(%run_scoped3A_30 : memref<!tpu.dma_semaphore, #tpu.memory_space<semaphore_mem>>) src(%dma_wait3A_165 : memref<10000x128xf32, #tpu.memory_space<hbm>>) dst(%arg9 : memref<125x128xf32, #tpu.memory_space<vmem>>)
        %add3A_166 = arith.constant 1 : i32
        %add3A_167 = arith.addi %mul3A_157, %add3A_166 : i32
        %dma_start3A_168 = arith.constant 0 : i32
        %dma_start3A_169 = tpu.memref_slice %arg7[%add3A_167, %dma_start3A_168] : memref<40x125xi32, #tpu.memory_space<vmem>> -> memref<1x125xi32, #tpu.memory_space<vmem>>
        %dma_start3A_170 = tpu.memref_squeeze %dma_start3A_169 : memref<1x125xi32, #tpu.memory_space<vmem>> -> memref<125xi32, #tpu.memory_space<vmem>>
        %dma_start3A_171 = arith.constant 0 : i32
        %dma_start3A_172 = arith.constant 0 : i32
        %dma_start3A_173 = tpu.memref_slice %arg10[%dma_start3A_171, %dma_start3A_172] : memref<10000x128xf32, #tpu.memory_space<vmem_shared>> -> memref<10000x128xf32, #tpu.memory_space<vmem_shared>>
        tpu.enqueue_indirect_dma source(%arg9 : memref<125x128xf32, #tpu.memory_space<vmem>>) target(%dma_start3A_173 : memref<10000x128xf32, #tpu.memory_space<vmem_shared>>) offsets(%dma_start3A_170 : memref<125xi32, #tpu.memory_space<vmem>>) semaphore(%run_scoped3A_32 : memref<!tpu.dma_semaphore, #tpu.memory_space<semaphore_mem>>) {add = true}
        %dma_wait3A_174 = arith.constant 0 : i32
        %dma_wait3A_175 = tpu.memref_slice %arg7[%mul3A_157, %dma_wait3A_174] : memref<40x125xi32, #tpu.memory_space<vmem>> -> memref<1x125xi32, #tpu.memory_space<vmem>>
        %dma_wait3A_176 = tpu.memref_squeeze %dma_wait3A_175 : memref<1x125xi32, #tpu.memory_space<vmem>> -> memref<125xi32, #tpu.memory_space<vmem>>
        %dma_wait3A_177 = arith.constant 0 : i32
        %dma_wait3A_178 = arith.constant 0 : i32
        %dma_wait3A_179 = tpu.memref_slice %arg10[%dma_wait3A_177, %dma_wait3A_178] : memref<10000x128xf32, #tpu.memory_space<vmem_shared>> -> memref<10000x128xf32, #tpu.memory_space<vmem_shared>>
        tpu.wait_indirect_dma semaphore(%run_scoped3A_31 : memref<!tpu.dma_semaphore, #tpu.memory_space<semaphore_mem>>) src(%arg8 : memref<125x128xf32, #tpu.memory_space<vmem>>) dst(%dma_wait3A_179 : memref<10000x128xf32, #tpu.memory_space<vmem_shared>>)
        %add3A_180 = arith.constant 2 : i32
        %add3A_181 = arith.addi %mul3A_157, %add3A_180 : i32
        %dma_start3A_182 = arith.constant 0 : i32
        %dma_start3A_183 = tpu.memref_slice %arg6[%add3A_181, %dma_start3A_182] : memref<40x125xi32, #tpu.memory_space<vmem>> -> memref<1x125xi32, #tpu.memory_space<vmem>>
        %dma_start3A_184 = tpu.memref_squeeze %dma_start3A_183 : memref<1x125xi32, #tpu.memory_space<vmem>> -> memref<125xi32, #tpu.memory_space<vmem>>
        %dma_start3A_185 = arith.constant 0 : i32
        %dma_start3A_186 = arith.constant 0 : i32
        %dma_start3A_187 = tpu.memref_slice %arg2[%dma_start3A_185, %dma_start3A_186] : memref<10000x128xf32, #tpu.memory_space<hbm>> -> memref<10000x128xf32, #tpu.memory_space<hbm>>
        tpu.enqueue_indirect_dma source(%dma_start3A_187 : memref<10000x128xf32, #tpu.memory_space<hbm>>) target(%arg8 : memref<125x128xf32, #tpu.memory_space<vmem>>) offsets(%dma_start3A_184 : memref<125xi32, #tpu.memory_space<vmem>>) semaphore(%run_scoped3A : memref<!tpu.dma_semaphore, #tpu.memory_space<semaphore_mem>>)
        %dma_wait3A_188 = arith.constant 0 : i32
        %dma_wait3A_189 = tpu.memref_slice %arg6[%add3A_181, %dma_wait3A_188] : memref<40x125xi32, #tpu.memory_space<vmem>> -> memref<1x125xi32, #tpu.memory_space<vmem>>
        %dma_wait3A_190 = tpu.memref_squeeze %dma_wait3A_189 : memref<1x125xi32, #tpu.memory_space<vmem>> -> memref<125xi32, #tpu.memory_space<vmem>>
        %dma_wait3A_191 = arith.constant 0 : i32
        %dma_wait3A_192 = arith.constant 0 : i32
        %dma_wait3A_193 = tpu.memref_slice %arg2[%dma_wait3A_191, %dma_wait3A_192] : memref<10000x128xf32, #tpu.memory_space<hbm>> -> memref<10000x128xf32, #tpu.memory_space<hbm>>
        tpu.wait_indirect_dma semaphore(%run_scoped3A : memref<!tpu.dma_semaphore, #tpu.memory_space<semaphore_mem>>) src(%dma_wait3A_193 : memref<10000x128xf32, #tpu.memory_space<hbm>>) dst(%arg8 : memref<125x128xf32, #tpu.memory_space<vmem>>)
        %add3A_194 = arith.constant 2 : i32
        %add3A_195 = arith.addi %mul3A_157, %add3A_194 : i32
        %dma_start3A_196 = arith.constant 0 : i32
        %dma_start3A_197 = tpu.memref_slice %arg7[%add3A_195, %dma_start3A_196] : memref<40x125xi32, #tpu.memory_space<vmem>> -> memref<1x125xi32, #tpu.memory_space<vmem>>
        %dma_start3A_198 = tpu.memref_squeeze %dma_start3A_197 : memref<1x125xi32, #tpu.memory_space<vmem>> -> memref<125xi32, #tpu.memory_space<vmem>>
        %dma_start3A_199 = arith.constant 0 : i32
        %dma_start3A_200 = arith.constant 0 : i32
        %dma_start3A_201 = tpu.memref_slice %arg10[%dma_start3A_199, %dma_start3A_200] : memref<10000x128xf32, #tpu.memory_space<vmem_shared>> -> memref<10000x128xf32, #tpu.memory_space<vmem_shared>>
        tpu.enqueue_indirect_dma source(%arg8 : memref<125x128xf32, #tpu.memory_space<vmem>>) target(%dma_start3A_201 : memref<10000x128xf32, #tpu.memory_space<vmem_shared>>) offsets(%dma_start3A_198 : memref<125xi32, #tpu.memory_space<vmem>>) semaphore(%run_scoped3A_31 : memref<!tpu.dma_semaphore, #tpu.memory_space<semaphore_mem>>) {add = true}
        %dma_wait3A_202 = arith.constant 0 : i32
        %dma_wait3A_203 = tpu.memref_slice %arg7[%add3A_167, %dma_wait3A_202] : memref<40x125xi32, #tpu.memory_space<vmem>> -> memref<1x125xi32, #tpu.memory_space<vmem>>
        %dma_wait3A_204 = tpu.memref_squeeze %dma_wait3A_203 : memref<1x125xi32, #tpu.memory_space<vmem>> -> memref<125xi32, #tpu.memory_space<vmem>>
        %dma_wait3A_205 = arith.constant 0 : i32
        %dma_wait3A_206 = arith.constant 0 : i32
        %dma_wait3A_207 = tpu.memref_slice %arg10[%dma_wait3A_205, %dma_wait3A_206] : memref<10000x128xf32, #tpu.memory_space<vmem_shared>> -> memref<10000x128xf32, #tpu.memory_space<vmem_shared>>
        tpu.wait_indirect_dma semaphore(%run_scoped3A_32 : memref<!tpu.dma_semaphore, #tpu.memory_space<semaphore_mem>>) src(%arg9 : memref<125x128xf32, #tpu.memory_space<vmem>>) dst(%dma_wait3A_207 : memref<10000x128xf32, #tpu.memory_space<vmem_shared>>)
        %add3A_208 = arith.constant 3 : i32
        %add3A_209 = arith.addi %mul3A_157, %add3A_208 : i32
        %dma_start3A_210 = arith.constant 0 : i32
        %dma_start3A_211 = tpu.memref_slice %arg6[%add3A_209, %dma_start3A_210] : memref<40x125xi32, #tpu.memory_space<vmem>> -> memref<1x125xi32, #tpu.memory_space<vmem>>
        %dma_start3A_212 = tpu.memref_squeeze %dma_start3A_211 : memref<1x125xi32, #tpu.memory_space<vmem>> -> memref<125xi32, #tpu.memory_space<vmem>>
        %dma_start3A_213 = arith.constant 0 : i32
        %dma_start3A_214 = arith.constant 0 : i32
        %dma_start3A_215 = tpu.memref_slice %arg2[%dma_start3A_213, %dma_start3A_214] : memref<10000x128xf32, #tpu.memory_space<hbm>> -> memref<10000x128xf32, #tpu.memory_space<hbm>>
        tpu.enqueue_indirect_dma source(%dma_start3A_215 : memref<10000x128xf32, #tpu.memory_space<hbm>>) target(%arg9 : memref<125x128xf32, #tpu.memory_space<vmem>>) offsets(%dma_start3A_212 : memref<125xi32, #tpu.memory_space<vmem>>) semaphore(%run_scoped3A_30 : memref<!tpu.dma_semaphore, #tpu.memory_space<semaphore_mem>>)
      }
      %scan3A_126 = arith.constant 19 : i32
      %dma_wait3A_127 = arith.constant 39 : i32
      %dma_wait3A_128 = arith.constant 0 : i32
      %dma_wait3A_129 = tpu.memref_slice %arg6[%dma_wait3A_127, %dma_wait3A_128] : memref<40x125xi32, #tpu.memory_space<vmem>> -> memref<1x125xi32, #tpu.memory_space<vmem>>
      %dma_wait3A_130 = tpu.memref_squeeze %dma_wait3A_129 : memref<1x125xi32, #tpu.memory_space<vmem>> -> memref<125xi32, #tpu.memory_space<vmem>>
      %dma_wait3A_131 = arith.constant 0 : i32
      %dma_wait3A_132 = arith.constant 0 : i32
      %dma_wait3A_133 = tpu.memref_slice %arg2[%dma_wait3A_131, %dma_wait3A_132] : memref<10000x128xf32, #tpu.memory_space<hbm>> -> memref<10000x128xf32, #tpu.memory_space<hbm>>
      tpu.wait_indirect_dma semaphore(%run_scoped3A_30 : memref<!tpu.dma_semaphore, #tpu.memory_space<semaphore_mem>>) src(%dma_wait3A_133 : memref<10000x128xf32, #tpu.memory_space<hbm>>) dst(%arg9 : memref<125x128xf32, #tpu.memory_space<vmem>>)
      %dma_start3A_134 = arith.constant 39 : i32
      %dma_start3A_135 = arith.constant 0 : i32
      %dma_start3A_136 = tpu.memref_slice %arg7[%dma_start3A_134, %dma_start3A_135] : memref<40x125xi32, #tpu.memory_space<vmem>> -> memref<1x125xi32, #tpu.memory_space<vmem>>
      %dma_start3A_137 = tpu.memref_squeeze %dma_start3A_136 : memref<1x125xi32, #tpu.memory_space<vmem>> -> memref<125xi32, #tpu.memory_space<vmem>>
      %dma_start3A_138 = arith.constant 0 : i32
      %dma_start3A_139 = arith.constant 0 : i32
      %dma_start3A_140 = tpu.memref_slice %arg10[%dma_start3A_138, %dma_start3A_139] : memref<10000x128xf32, #tpu.memory_space<vmem_shared>> -> memref<10000x128xf32, #tpu.memory_space<vmem_shared>>
      tpu.enqueue_indirect_dma source(%arg9 : memref<125x128xf32, #tpu.memory_space<vmem>>) target(%dma_start3A_140 : memref<10000x128xf32, #tpu.memory_space<vmem_shared>>) offsets(%dma_start3A_137 : memref<125xi32, #tpu.memory_space<vmem>>) semaphore(%run_scoped3A_32 : memref<!tpu.dma_semaphore, #tpu.memory_space<semaphore_mem>>) {add = true}
      %dma_wait3A_141 = arith.constant 38 : i32
      %dma_wait3A_142 = arith.constant 0 : i32
      %dma_wait3A_143 = tpu.memref_slice %arg7[%dma_wait3A_141, %dma_wait3A_142] : memref<40x125xi32, #tpu.memory_space<vmem>> -> memref<1x125xi32, #tpu.memory_space<vmem>>
      %dma_wait3A_144 = tpu.memref_squeeze %dma_wait3A_143 : memref<1x125xi32, #tpu.memory_space<vmem>> -> memref<125xi32, #tpu.memory_space<vmem>>
      %dma_wait3A_145 = arith.constant 0 : i32
      %dma_wait3A_146 = arith.constant 0 : i32
      %dma_wait3A_147 = tpu.memref_slice %arg10[%dma_wait3A_145, %dma_wait3A_146] : memref<10000x128xf32, #tpu.memory_space<vmem_shared>> -> memref<10000x128xf32, #tpu.memory_space<vmem_shared>>
      tpu.wait_indirect_dma semaphore(%run_scoped3A_31 : memref<!tpu.dma_semaphore, #tpu.memory_space<semaphore_mem>>) src(%arg8 : memref<125x128xf32, #tpu.memory_space<vmem>>) dst(%dma_wait3A_147 : memref<10000x128xf32, #tpu.memory_space<vmem_shared>>)
      %dma_wait3A_148 = arith.constant 39 : i32
      %dma_wait3A_149 = arith.constant 0 : i32
      %dma_wait3A_150 = tpu.memref_slice %arg7[%dma_wait3A_148, %dma_wait3A_149] : memref<40x125xi32, #tpu.memory_space<vmem>> -> memref<1x125xi32, #tpu.memory_space<vmem>>
      %dma_wait3A_151 = tpu.memref_squeeze %dma_wait3A_150 : memref<1x125xi32, #tpu.memory_space<vmem>> -> memref<125xi32, #tpu.memory_space<vmem>>
      %dma_wait3A_152 = arith.constant 0 : i32
      %dma_wait3A_153 = arith.constant 0 : i32
      %dma_wait3A_154 = tpu.memref_slice %arg10[%dma_wait3A_152, %dma_wait3A_153] : memref<10000x128xf32, #tpu.memory_space<vmem_shared>> -> memref<10000x128xf32, #tpu.memory_space<vmem_shared>>
      tpu.wait_indirect_dma semaphore(%run_scoped3A_32 : memref<!tpu.dma_semaphore, #tpu.memory_space<semaphore_mem>>) src(%arg9 : memref<125x128xf32, #tpu.memory_space<vmem>>) dst(%dma_wait3A_154 : memref<10000x128xf32, #tpu.memory_space<vmem_shared>>)
      tpu.yield
    }) : () -> ()
    %barrier3A_27 = arith.constant 0 : index
    tpu.barrier barrier_id(%barrier3A_27)
    %mul3A_28 = arith.constant 625 : i32
    %mul3A_29 = arith.muli %arg1, %mul3A_28 : i32
    "tpu.region"() ({
      %run_scoped3A = tpu.sem_alloc : memref<!tpu.dma_semaphore, #tpu.memory_space<semaphore_mem>>
      %dma_start3A = arith.constant 0 : i32
      %dma_start3A_30 = arith.constant 0 : i32
      %dma_start3A_31 = tpu.memref_slice %arg5[%arg0, %arg1, %dma_start3A, %dma_start3A_30] : memref<2x16x625x128xf32, #tpu.memory_space<hbm>> -> memref<1x1x625x128xf32, #tpu.memory_space<hbm>>
      %dma_start3A_32 = tpu.memref_squeeze %dma_start3A_31 : memref<1x1x625x128xf32, #tpu.memory_space<hbm>> -> memref<625x128xf32, #tpu.memory_space<hbm>>
      %dma_start3A_33 = arith.constant 0 : i32
      %dma_start3A_34 = tpu.memref_slice %arg10[%mul3A_29, %dma_start3A_33] : memref<10000x128xf32, #tpu.memory_space<vmem_shared>> -> memref<625x128xf32, #tpu.memory_space<vmem_shared>>
      tpu.enqueue_dma source(%dma_start3A_34 : memref<625x128xf32, #tpu.memory_space<vmem_shared>>) target(%dma_start3A_32 : memref<625x128xf32, #tpu.memory_space<hbm>>) target_semaphore(%run_scoped3A : memref<!tpu.dma_semaphore, #tpu.memory_space<semaphore_mem>>)
      %dma_wait3A = arith.constant 0 : i32
      %dma_wait3A_35 = arith.constant 0 : i32
      %dma_wait3A_36 = tpu.memref_slice %arg5[%arg0, %arg1, %dma_wait3A, %dma_wait3A_35] : memref<2x16x625x128xf32, #tpu.memory_space<hbm>> -> memref<1x1x625x128xf32, #tpu.memory_space<hbm>>
      %dma_wait3A_37 = tpu.memref_squeeze %dma_wait3A_36 : memref<1x1x625x128xf32, #tpu.memory_space<hbm>> -> memref<625x128xf32, #tpu.memory_space<hbm>>
      %dma_wait3A_38 = arith.constant 0 : i32
      %dma_wait3A_39 = tpu.memref_slice %arg10[%mul3A_29, %dma_wait3A_38] : memref<10000x128xf32, #tpu.memory_space<vmem_shared>> -> memref<625x128xf32, #tpu.memory_space<vmem_shared>>
      tpu.wait_dma2 semaphore(%run_scoped3A : memref<!tpu.dma_semaphore, #tpu.memory_space<semaphore_mem>>) src(%dma_wait3A_39 : memref<625x128xf32, #tpu.memory_space<vmem_shared>>) dst(%dma_wait3A_37 : memref<625x128xf32, #tpu.memory_space<hbm>>)
      tpu.yield
    }) : () -> ()
    return
  }
}

#map = affine_map<(d0, d1) -> (0, 0, 0)>
#map1 = affine_map<(d0, d1) -> (0, 0, 0, 0)>
module attributes {stable_mosaic.version = 14 : i64} {
  func.func @_sc_degree(%arg0: i32, %arg1: i32, %arg2: memref<32x80x125xi32, #tpu.memory_space<hbm>>, %arg3: memref<2x125x128xf32, #tpu.memory_space<hbm>>, %arg4: memref<2x16x625x128xf32, #tpu.memory_space<hbm>>, %arg5: memref<80x125xi32, #tpu.memory_space<vmem>>, %arg6: memref<125x128xf32, #tpu.memory_space<vmem>>, %arg7: memref<125x128xf32, #tpu.memory_space<vmem>>, %arg8: memref<10000x128xf32, #tpu.memory_space<vmem_shared>>) attributes {dimension_semantics = [#tpu.dimension_semantics<core_parallel>, #tpu.dimension_semantics<subcore_parallel>], iteration_bounds = array<i64: 2, 16>, scalar_prefetch = 0 : i64, scratch_operands = 4 : i64, tpu.core_type = #tpu.core_type<sc_vector_subcore>, window_params = [{transform_indices = #map}, {transform_indices = #map}, {transform_indices = #map1}]} {
    %mul3A = arith.constant 2 : i32
    %mul3A_0 = arith.muli %arg1, %mul3A : i32
    %add3A = arith.addi %mul3A_0, %arg0 : i32
    "tpu.region"() ({
      %run_scoped3A_25 = tpu.sem_alloc : memref<!tpu.dma_semaphore, #tpu.memory_space<semaphore_mem>>
      %dma_start3A = arith.constant 0 : i32
      %dma_start3A_26 = arith.constant 0 : i32
      %dma_start3A_27 = tpu.memref_slice %arg2[%add3A, %dma_start3A, %dma_start3A_26] : memref<32x80x125xi32, #tpu.memory_space<hbm>> -> memref<1x80x125xi32, #tpu.memory_space<hbm>>
      %dma_start3A_28 = tpu.memref_squeeze %dma_start3A_27 : memref<1x80x125xi32, #tpu.memory_space<hbm>> -> memref<80x125xi32, #tpu.memory_space<hbm>>
      %dma_start3A_29 = arith.constant 0 : i32
      %dma_start3A_30 = arith.constant 0 : i32
      %dma_start3A_31 = tpu.memref_slice %arg2[%add3A, %dma_start3A_29, %dma_start3A_30] : memref<32x80x125xi32, #tpu.memory_space<hbm>> -> memref<1x80x125xi32, #tpu.memory_space<hbm>>
      %dma_start3A_32 = tpu.memref_squeeze %dma_start3A_31 : memref<1x80x125xi32, #tpu.memory_space<hbm>> -> memref<80x125xi32, #tpu.memory_space<hbm>>
      tpu.enqueue_dma source(%dma_start3A_32 : memref<80x125xi32, #tpu.memory_space<hbm>>) target(%arg5 : memref<80x125xi32, #tpu.memory_space<vmem>>) target_semaphore(%run_scoped3A_25 : memref<!tpu.dma_semaphore, #tpu.memory_space<semaphore_mem>>)
      %dma_wait3A = arith.constant 0 : i32
      %dma_wait3A_33 = arith.constant 0 : i32
      %dma_wait3A_34 = tpu.memref_slice %arg2[%add3A, %dma_wait3A, %dma_wait3A_33] : memref<32x80x125xi32, #tpu.memory_space<hbm>> -> memref<1x80x125xi32, #tpu.memory_space<hbm>>
      %dma_wait3A_35 = tpu.memref_squeeze %dma_wait3A_34 : memref<1x80x125xi32, #tpu.memory_space<hbm>> -> memref<80x125xi32, #tpu.memory_space<hbm>>
      %dma_wait3A_36 = arith.constant 0 : i32
      %dma_wait3A_37 = arith.constant 0 : i32
      %dma_wait3A_38 = tpu.memref_slice %arg2[%add3A, %dma_wait3A_36, %dma_wait3A_37] : memref<32x80x125xi32, #tpu.memory_space<hbm>> -> memref<1x80x125xi32, #tpu.memory_space<hbm>>
      %dma_wait3A_39 = tpu.memref_squeeze %dma_wait3A_38 : memref<1x80x125xi32, #tpu.memory_space<hbm>> -> memref<80x125xi32, #tpu.memory_space<hbm>>
      tpu.wait_dma2 semaphore(%run_scoped3A_25 : memref<!tpu.dma_semaphore, #tpu.memory_space<semaphore_mem>>) src(%dma_wait3A_39 : memref<80x125xi32, #tpu.memory_space<hbm>>) dst(%arg5 : memref<80x125xi32, #tpu.memory_space<vmem>>)
      tpu.yield
    }) : () -> ()
    %run_scoped3A = arith.constant 0 : i32
    "tpu.region"() ({
      %run_scoped3A_25 = tpu.sem_alloc : memref<!tpu.dma_semaphore, #tpu.memory_space<semaphore_mem>>
      %dma_start3A = arith.constant 0 : i32
      %dma_start3A_26 = arith.constant 0 : i32
      %dma_start3A_27 = tpu.memref_slice %arg3[%run_scoped3A, %dma_start3A, %dma_start3A_26] : memref<2x125x128xf32, #tpu.memory_space<hbm>> -> memref<1x125x128xf32, #tpu.memory_space<hbm>>
      %dma_start3A_28 = tpu.memref_squeeze %dma_start3A_27 : memref<1x125x128xf32, #tpu.memory_space<hbm>> -> memref<125x128xf32, #tpu.memory_space<hbm>>
      %dma_start3A_29 = arith.constant 0 : i32
      %dma_start3A_30 = arith.constant 0 : i32
      %dma_start3A_31 = tpu.memref_slice %arg3[%run_scoped3A, %dma_start3A_29, %dma_start3A_30] : memref<2x125x128xf32, #tpu.memory_space<hbm>> -> memref<1x125x128xf32, #tpu.memory_space<hbm>>
      %dma_start3A_32 = tpu.memref_squeeze %dma_start3A_31 : memref<1x125x128xf32, #tpu.memory_space<hbm>> -> memref<125x128xf32, #tpu.memory_space<hbm>>
      tpu.enqueue_dma source(%dma_start3A_32 : memref<125x128xf32, #tpu.memory_space<hbm>>) target(%arg6 : memref<125x128xf32, #tpu.memory_space<vmem>>) target_semaphore(%run_scoped3A_25 : memref<!tpu.dma_semaphore, #tpu.memory_space<semaphore_mem>>)
      %dma_wait3A = arith.constant 0 : i32
      %dma_wait3A_33 = arith.constant 0 : i32
      %dma_wait3A_34 = tpu.memref_slice %arg3[%run_scoped3A, %dma_wait3A, %dma_wait3A_33] : memref<2x125x128xf32, #tpu.memory_space<hbm>> -> memref<1x125x128xf32, #tpu.memory_space<hbm>>
      %dma_wait3A_35 = tpu.memref_squeeze %dma_wait3A_34 : memref<1x125x128xf32, #tpu.memory_space<hbm>> -> memref<125x128xf32, #tpu.memory_space<hbm>>
      %dma_wait3A_36 = arith.constant 0 : i32
      %dma_wait3A_37 = arith.constant 0 : i32
      %dma_wait3A_38 = tpu.memref_slice %arg3[%run_scoped3A, %dma_wait3A_36, %dma_wait3A_37] : memref<2x125x128xf32, #tpu.memory_space<hbm>> -> memref<1x125x128xf32, #tpu.memory_space<hbm>>
      %dma_wait3A_39 = tpu.memref_squeeze %dma_wait3A_38 : memref<1x125x128xf32, #tpu.memory_space<hbm>> -> memref<125x128xf32, #tpu.memory_space<hbm>>
      tpu.wait_dma2 semaphore(%run_scoped3A_25 : memref<!tpu.dma_semaphore, #tpu.memory_space<semaphore_mem>>) src(%dma_wait3A_39 : memref<125x128xf32, #tpu.memory_space<hbm>>) dst(%arg6 : memref<125x128xf32, #tpu.memory_space<vmem>>)
      tpu.yield
    }) : () -> ()
    %run_scoped3A_1 = arith.constant 1 : i32
    "tpu.region"() ({
      %run_scoped3A_25 = tpu.sem_alloc : memref<!tpu.dma_semaphore, #tpu.memory_space<semaphore_mem>>
      %dma_start3A = arith.constant 0 : i32
      %dma_start3A_26 = arith.constant 0 : i32
      %dma_start3A_27 = tpu.memref_slice %arg3[%run_scoped3A_1, %dma_start3A, %dma_start3A_26] : memref<2x125x128xf32, #tpu.memory_space<hbm>> -> memref<1x125x128xf32, #tpu.memory_space<hbm>>
      %dma_start3A_28 = tpu.memref_squeeze %dma_start3A_27 : memref<1x125x128xf32, #tpu.memory_space<hbm>> -> memref<125x128xf32, #tpu.memory_space<hbm>>
      %dma_start3A_29 = arith.constant 0 : i32
      %dma_start3A_30 = arith.constant 0 : i32
      %dma_start3A_31 = tpu.memref_slice %arg3[%run_scoped3A_1, %dma_start3A_29, %dma_start3A_30] : memref<2x125x128xf32, #tpu.memory_space<hbm>> -> memref<1x125x128xf32, #tpu.memory_space<hbm>>
      %dma_start3A_32 = tpu.memref_squeeze %dma_start3A_31 : memref<1x125x128xf32, #tpu.memory_space<hbm>> -> memref<125x128xf32, #tpu.memory_space<hbm>>
      tpu.enqueue_dma source(%dma_start3A_32 : memref<125x128xf32, #tpu.memory_space<hbm>>) target(%arg7 : memref<125x128xf32, #tpu.memory_space<vmem>>) target_semaphore(%run_scoped3A_25 : memref<!tpu.dma_semaphore, #tpu.memory_space<semaphore_mem>>)
      %dma_wait3A = arith.constant 0 : i32
      %dma_wait3A_33 = arith.constant 0 : i32
      %dma_wait3A_34 = tpu.memref_slice %arg3[%run_scoped3A_1, %dma_wait3A, %dma_wait3A_33] : memref<2x125x128xf32, #tpu.memory_space<hbm>> -> memref<1x125x128xf32, #tpu.memory_space<hbm>>
      %dma_wait3A_35 = tpu.memref_squeeze %dma_wait3A_34 : memref<1x125x128xf32, #tpu.memory_space<hbm>> -> memref<125x128xf32, #tpu.memory_space<hbm>>
      %dma_wait3A_36 = arith.constant 0 : i32
      %dma_wait3A_37 = arith.constant 0 : i32
      %dma_wait3A_38 = tpu.memref_slice %arg3[%run_scoped3A_1, %dma_wait3A_36, %dma_wait3A_37] : memref<2x125x128xf32, #tpu.memory_space<hbm>> -> memref<1x125x128xf32, #tpu.memory_space<hbm>>
      %dma_wait3A_39 = tpu.memref_squeeze %dma_wait3A_38 : memref<1x125x128xf32, #tpu.memory_space<hbm>> -> memref<125x128xf32, #tpu.memory_space<hbm>>
      tpu.wait_dma2 semaphore(%run_scoped3A_25 : memref<!tpu.dma_semaphore, #tpu.memory_space<semaphore_mem>>) src(%dma_wait3A_39 : memref<125x128xf32, #tpu.memory_space<hbm>>) dst(%arg7 : memref<125x128xf32, #tpu.memory_space<vmem>>)
      tpu.yield
    }) : () -> ()
    %mul3A_2 = arith.constant 625 : i32
    %mul3A_3 = arith.muli %arg1, %mul3A_2 : i32
    %add3A_4 = arith.constant 0 : i32
    %add3A_5 = arith.addi %mul3A_3, %add3A_4 : i32
    "tpu.region"() ({
      %run_scoped3A_25 = tpu.sem_alloc : memref<!tpu.dma_semaphore, #tpu.memory_space<semaphore_mem>>
      %dma_start3A = arith.constant 0 : i32
      %dma_start3A_26 = tpu.memref_slice %arg8[%add3A_5, %dma_start3A] : memref<10000x128xf32, #tpu.memory_space<vmem_shared>> -> memref<125x128xf32, #tpu.memory_space<vmem_shared>>
      %dma_start3A_27 = arith.constant 0 : i32
      %dma_start3A_28 = tpu.memref_slice %arg8[%add3A_5, %dma_start3A_27] : memref<10000x128xf32, #tpu.memory_space<vmem_shared>> -> memref<125x128xf32, #tpu.memory_space<vmem_shared>>
      tpu.enqueue_dma source(%arg6 : memref<125x128xf32, #tpu.memory_space<vmem>>) target(%dma_start3A_28 : memref<125x128xf32, #tpu.memory_space<vmem_shared>>) target_semaphore(%run_scoped3A_25 : memref<!tpu.dma_semaphore, #tpu.memory_space<semaphore_mem>>)
      %dma_wait3A = arith.constant 0 : i32
      %dma_wait3A_29 = tpu.memref_slice %arg8[%add3A_5, %dma_wait3A] : memref<10000x128xf32, #tpu.memory_space<vmem_shared>> -> memref<125x128xf32, #tpu.memory_space<vmem_shared>>
      %dma_wait3A_30 = arith.constant 0 : i32
      %dma_wait3A_31 = tpu.memref_slice %arg8[%add3A_5, %dma_wait3A_30] : memref<10000x128xf32, #tpu.memory_space<vmem_shared>> -> memref<125x128xf32, #tpu.memory_space<vmem_shared>>
      tpu.wait_dma2 semaphore(%run_scoped3A_25 : memref<!tpu.dma_semaphore, #tpu.memory_space<semaphore_mem>>) src(%arg6 : memref<125x128xf32, #tpu.memory_space<vmem>>) dst(%dma_wait3A_31 : memref<125x128xf32, #tpu.memory_space<vmem_shared>>)
      tpu.yield
    }) : () -> ()
    %mul3A_6 = arith.constant 625 : i32
    %mul3A_7 = arith.muli %arg1, %mul3A_6 : i32
    %add3A_8 = arith.constant 125 : i32
    %add3A_9 = arith.addi %mul3A_7, %add3A_8 : i32
    "tpu.region"() ({
      %run_scoped3A_25 = tpu.sem_alloc : memref<!tpu.dma_semaphore, #tpu.memory_space<semaphore_mem>>
      %dma_start3A = arith.constant 0 : i32
      %dma_start3A_26 = tpu.memref_slice %arg8[%add3A_9, %dma_start3A] : memref<10000x128xf32, #tpu.memory_space<vmem_shared>> -> memref<125x128xf32, #tpu.memory_space<vmem_shared>>
      %dma_start3A_27 = arith.constant 0 : i32
      %dma_start3A_28 = tpu.memref_slice %arg8[%add3A_9, %dma_start3A_27] : memref<10000x128xf32, #tpu.memory_space<vmem_shared>> -> memref<125x128xf32, #tpu.memory_space<vmem_shared>>
      tpu.enqueue_dma source(%arg6 : memref<125x128xf32, #tpu.memory_space<vmem>>) target(%dma_start3A_28 : memref<125x128xf32, #tpu.memory_space<vmem_shared>>) target_semaphore(%run_scoped3A_25 : memref<!tpu.dma_semaphore, #tpu.memory_space<semaphore_mem>>)
      %dma_wait3A = arith.constant 0 : i32
      %dma_wait3A_29 = tpu.memref_slice %arg8[%add3A_9, %dma_wait3A] : memref<10000x128xf32, #tpu.memory_space<vmem_shared>> -> memref<125x128xf32, #tpu.memory_space<vmem_shared>>
      %dma_wait3A_30 = arith.constant 0 : i32
      %dma_wait3A_31 = tpu.memref_slice %arg8[%add3A_9, %dma_wait3A_30] : memref<10000x128xf32, #tpu.memory_space<vmem_shared>> -> memref<125x128xf32, #tpu.memory_space<vmem_shared>>
      tpu.wait_dma2 semaphore(%run_scoped3A_25 : memref<!tpu.dma_semaphore, #tpu.memory_space<semaphore_mem>>) src(%arg6 : memref<125x128xf32, #tpu.memory_space<vmem>>) dst(%dma_wait3A_31 : memref<125x128xf32, #tpu.memory_space<vmem_shared>>)
      tpu.yield
    }) : () -> ()
    %mul3A_10 = arith.constant 625 : i32
    %mul3A_11 = arith.muli %arg1, %mul3A_10 : i32
    %add3A_12 = arith.constant 250 : i32
    %add3A_13 = arith.addi %mul3A_11, %add3A_12 : i32
    "tpu.region"() ({
      %run_scoped3A_25 = tpu.sem_alloc : memref<!tpu.dma_semaphore, #tpu.memory_space<semaphore_mem>>
      %dma_start3A = arith.constant 0 : i32
      %dma_start3A_26 = tpu.memref_slice %arg8[%add3A_13, %dma_start3A] : memref<10000x128xf32, #tpu.memory_space<vmem_shared>> -> memref<125x128xf32, #tpu.memory_space<vmem_shared>>
      %dma_start3A_27 = arith.constant 0 : i32
      %dma_start3A_28 = tpu.memref_slice %arg8[%add3A_13, %dma_start3A_27] : memref<10000x128xf32, #tpu.memory_space<vmem_shared>> -> memref<125x128xf32, #tpu.memory_space<vmem_shared>>
      tpu.enqueue_dma source(%arg6 : memref<125x128xf32, #tpu.memory_space<vmem>>) target(%dma_start3A_28 : memref<125x128xf32, #tpu.memory_space<vmem_shared>>) target_semaphore(%run_scoped3A_25 : memref<!tpu.dma_semaphore, #tpu.memory_space<semaphore_mem>>)
      %dma_wait3A = arith.constant 0 : i32
      %dma_wait3A_29 = tpu.memref_slice %arg8[%add3A_13, %dma_wait3A] : memref<10000x128xf32, #tpu.memory_space<vmem_shared>> -> memref<125x128xf32, #tpu.memory_space<vmem_shared>>
      %dma_wait3A_30 = arith.constant 0 : i32
      %dma_wait3A_31 = tpu.memref_slice %arg8[%add3A_13, %dma_wait3A_30] : memref<10000x128xf32, #tpu.memory_space<vmem_shared>> -> memref<125x128xf32, #tpu.memory_space<vmem_shared>>
      tpu.wait_dma2 semaphore(%run_scoped3A_25 : memref<!tpu.dma_semaphore, #tpu.memory_space<semaphore_mem>>) src(%arg6 : memref<125x128xf32, #tpu.memory_space<vmem>>) dst(%dma_wait3A_31 : memref<125x128xf32, #tpu.memory_space<vmem_shared>>)
      tpu.yield
    }) : () -> ()
    %mul3A_14 = arith.constant 625 : i32
    %mul3A_15 = arith.muli %arg1, %mul3A_14 : i32
    %add3A_16 = arith.constant 375 : i32
    %add3A_17 = arith.addi %mul3A_15, %add3A_16 : i32
    "tpu.region"() ({
      %run_scoped3A_25 = tpu.sem_alloc : memref<!tpu.dma_semaphore, #tpu.memory_space<semaphore_mem>>
      %dma_start3A = arith.constant 0 : i32
      %dma_start3A_26 = tpu.memref_slice %arg8[%add3A_17, %dma_start3A] : memref<10000x128xf32, #tpu.memory_space<vmem_shared>> -> memref<125x128xf32, #tpu.memory_space<vmem_shared>>
      %dma_start3A_27 = arith.constant 0 : i32
      %dma_start3A_28 = tpu.memref_slice %arg8[%add3A_17, %dma_start3A_27] : memref<10000x128xf32, #tpu.memory_space<vmem_shared>> -> memref<125x128xf32, #tpu.memory_space<vmem_shared>>
      tpu.enqueue_dma source(%arg6 : memref<125x128xf32, #tpu.memory_space<vmem>>) target(%dma_start3A_28 : memref<125x128xf32, #tpu.memory_space<vmem_shared>>) target_semaphore(%run_scoped3A_25 : memref<!tpu.dma_semaphore, #tpu.memory_space<semaphore_mem>>)
      %dma_wait3A = arith.constant 0 : i32
      %dma_wait3A_29 = tpu.memref_slice %arg8[%add3A_17, %dma_wait3A] : memref<10000x128xf32, #tpu.memory_space<vmem_shared>> -> memref<125x128xf32, #tpu.memory_space<vmem_shared>>
      %dma_wait3A_30 = arith.constant 0 : i32
      %dma_wait3A_31 = tpu.memref_slice %arg8[%add3A_17, %dma_wait3A_30] : memref<10000x128xf32, #tpu.memory_space<vmem_shared>> -> memref<125x128xf32, #tpu.memory_space<vmem_shared>>
      tpu.wait_dma2 semaphore(%run_scoped3A_25 : memref<!tpu.dma_semaphore, #tpu.memory_space<semaphore_mem>>) src(%arg6 : memref<125x128xf32, #tpu.memory_space<vmem>>) dst(%dma_wait3A_31 : memref<125x128xf32, #tpu.memory_space<vmem_shared>>)
      tpu.yield
    }) : () -> ()
    %mul3A_18 = arith.constant 625 : i32
    %mul3A_19 = arith.muli %arg1, %mul3A_18 : i32
    %add3A_20 = arith.constant 500 : i32
    %add3A_21 = arith.addi %mul3A_19, %add3A_20 : i32
    "tpu.region"() ({
      %run_scoped3A_25 = tpu.sem_alloc : memref<!tpu.dma_semaphore, #tpu.memory_space<semaphore_mem>>
      %dma_start3A = arith.constant 0 : i32
      %dma_start3A_26 = tpu.memref_slice %arg8[%add3A_21, %dma_start3A] : memref<10000x128xf32, #tpu.memory_space<vmem_shared>> -> memref<125x128xf32, #tpu.memory_space<vmem_shared>>
      %dma_start3A_27 = arith.constant 0 : i32
      %dma_start3A_28 = tpu.memref_slice %arg8[%add3A_21, %dma_start3A_27] : memref<10000x128xf32, #tpu.memory_space<vmem_shared>> -> memref<125x128xf32, #tpu.memory_space<vmem_shared>>
      tpu.enqueue_dma source(%arg6 : memref<125x128xf32, #tpu.memory_space<vmem>>) target(%dma_start3A_28 : memref<125x128xf32, #tpu.memory_space<vmem_shared>>) target_semaphore(%run_scoped3A_25 : memref<!tpu.dma_semaphore, #tpu.memory_space<semaphore_mem>>)
      %dma_wait3A = arith.constant 0 : i32
      %dma_wait3A_29 = tpu.memref_slice %arg8[%add3A_21, %dma_wait3A] : memref<10000x128xf32, #tpu.memory_space<vmem_shared>> -> memref<125x128xf32, #tpu.memory_space<vmem_shared>>
      %dma_wait3A_30 = arith.constant 0 : i32
      %dma_wait3A_31 = tpu.memref_slice %arg8[%add3A_21, %dma_wait3A_30] : memref<10000x128xf32, #tpu.memory_space<vmem_shared>> -> memref<125x128xf32, #tpu.memory_space<vmem_shared>>
      tpu.wait_dma2 semaphore(%run_scoped3A_25 : memref<!tpu.dma_semaphore, #tpu.memory_space<semaphore_mem>>) src(%arg6 : memref<125x128xf32, #tpu.memory_space<vmem>>) dst(%dma_wait3A_31 : memref<125x128xf32, #tpu.memory_space<vmem_shared>>)
      tpu.yield
    }) : () -> ()
    %barrier3A = arith.constant 0 : index
    tpu.barrier barrier_id(%barrier3A)
    "tpu.region"() ({
      %run_scoped3A_25 = tpu.sem_alloc : memref<!tpu.dma_semaphore, #tpu.memory_space<semaphore_mem>>
      %dma_start3A = arith.constant 0 : i32
      %dma_start3A_26 = arith.constant 0 : i32
      %dma_start3A_27 = tpu.memref_slice %arg5[%dma_start3A, %dma_start3A_26] : memref<80x125xi32, #tpu.memory_space<vmem>> -> memref<1x125xi32, #tpu.memory_space<vmem>>
      %dma_start3A_28 = tpu.memref_squeeze %dma_start3A_27 : memref<1x125xi32, #tpu.memory_space<vmem>> -> memref<125xi32, #tpu.memory_space<vmem>>
      %dma_start3A_29 = arith.constant 0 : i32
      %dma_start3A_30 = arith.constant 0 : i32
      %dma_start3A_31 = tpu.memref_slice %arg8[%dma_start3A_29, %dma_start3A_30] : memref<10000x128xf32, #tpu.memory_space<vmem_shared>> -> memref<10000x128xf32, #tpu.memory_space<vmem_shared>>
      tpu.enqueue_indirect_dma source(%arg7 : memref<125x128xf32, #tpu.memory_space<vmem>>) target(%dma_start3A_31 : memref<10000x128xf32, #tpu.memory_space<vmem_shared>>) offsets(%dma_start3A_28 : memref<125xi32, #tpu.memory_space<vmem>>) semaphore(%run_scoped3A_25 : memref<!tpu.dma_semaphore, #tpu.memory_space<semaphore_mem>>) {add = true}
      %dma_start3A_32 = arith.constant 1 : i32
      %dma_start3A_33 = arith.constant 0 : i32
      %dma_start3A_34 = tpu.memref_slice %arg5[%dma_start3A_32, %dma_start3A_33] : memref<80x125xi32, #tpu.memory_space<vmem>> -> memref<1x125xi32, #tpu.memory_space<vmem>>
      %dma_start3A_35 = tpu.memref_squeeze %dma_start3A_34 : memref<1x125xi32, #tpu.memory_space<vmem>> -> memref<125xi32, #tpu.memory_space<vmem>>
      %dma_start3A_36 = arith.constant 0 : i32
      %dma_start3A_37 = arith.constant 0 : i32
      %dma_start3A_38 = tpu.memref_slice %arg8[%dma_start3A_36, %dma_start3A_37] : memref<10000x128xf32, #tpu.memory_space<vmem_shared>> -> memref<10000x128xf32, #tpu.memory_space<vmem_shared>>
      tpu.enqueue_indirect_dma source(%arg7 : memref<125x128xf32, #tpu.memory_space<vmem>>) target(%dma_start3A_38 : memref<10000x128xf32, #tpu.memory_space<vmem_shared>>) offsets(%dma_start3A_35 : memref<125xi32, #tpu.memory_space<vmem>>) semaphore(%run_scoped3A_25 : memref<!tpu.dma_semaphore, #tpu.memory_space<semaphore_mem>>) {add = true}
      %dma_start3A_39 = arith.constant 2 : i32
      %dma_start3A_40 = arith.constant 0 : i32
      %dma_start3A_41 = tpu.memref_slice %arg5[%dma_start3A_39, %dma_start3A_40] : memref<80x125xi32, #tpu.memory_space<vmem>> -> memref<1x125xi32, #tpu.memory_space<vmem>>
      %dma_start3A_42 = tpu.memref_squeeze %dma_start3A_41 : memref<1x125xi32, #tpu.memory_space<vmem>> -> memref<125xi32, #tpu.memory_space<vmem>>
      %dma_start3A_43 = arith.constant 0 : i32
      %dma_start3A_44 = arith.constant 0 : i32
      %dma_start3A_45 = tpu.memref_slice %arg8[%dma_start3A_43, %dma_start3A_44] : memref<10000x128xf32, #tpu.memory_space<vmem_shared>> -> memref<10000x128xf32, #tpu.memory_space<vmem_shared>>
      tpu.enqueue_indirect_dma source(%arg7 : memref<125x128xf32, #tpu.memory_space<vmem>>) target(%dma_start3A_45 : memref<10000x128xf32, #tpu.memory_space<vmem_shared>>) offsets(%dma_start3A_42 : memref<125xi32, #tpu.memory_space<vmem>>) semaphore(%run_scoped3A_25 : memref<!tpu.dma_semaphore, #tpu.memory_space<semaphore_mem>>) {add = true}
      %dma_start3A_46 = arith.constant 3 : i32
      %dma_start3A_47 = arith.constant 0 : i32
      %dma_start3A_48 = tpu.memref_slice %arg5[%dma_start3A_46, %dma_start3A_47] : memref<80x125xi32, #tpu.memory_space<vmem>> -> memref<1x125xi32, #tpu.memory_space<vmem>>
      %dma_start3A_49 = tpu.memref_squeeze %dma_start3A_48 : memref<1x125xi32, #tpu.memory_space<vmem>> -> memref<125xi32, #tpu.memory_space<vmem>>
      %dma_start3A_50 = arith.constant 0 : i32
      %dma_start3A_51 = arith.constant 0 : i32
      %dma_start3A_52 = tpu.memref_slice %arg8[%dma_start3A_50, %dma_start3A_51] : memref<10000x128xf32, #tpu.memory_space<vmem_shared>> -> memref<10000x128xf32, #tpu.memory_space<vmem_shared>>
      tpu.enqueue_indirect_dma source(%arg7 : memref<125x128xf32, #tpu.memory_space<vmem>>) target(%dma_start3A_52 : memref<10000x128xf32, #tpu.memory_space<vmem_shared>>) offsets(%dma_start3A_49 : memref<125xi32, #tpu.memory_space<vmem>>) semaphore(%run_scoped3A_25 : memref<!tpu.dma_semaphore, #tpu.memory_space<semaphore_mem>>) {add = true}
      %scan3A = arith.constant 0 : i32
      %scan3A_53 = arith.constant 0 : i32
      %scan3A_54 = arith.constant 76 : i32
      %scan3A_55 = arith.addi %scan3A_53, %scan3A_54 : i32
      %scan3A_56 = arith.constant 1 : i32
      scf.for %scan3A_85 = %scan3A_53 to %scan3A_55 step %scan3A_56  : i32 {
        %dma_wait3A_86 = arith.constant 0 : i32
        %dma_wait3A_87 = arith.constant 0 : i32
        %dma_wait3A_88 = tpu.memref_slice %arg5[%dma_wait3A_86, %dma_wait3A_87] : memref<80x125xi32, #tpu.memory_space<vmem>> -> memref<1x125xi32, #tpu.memory_space<vmem>>
        %dma_wait3A_89 = tpu.memref_squeeze %dma_wait3A_88 : memref<1x125xi32, #tpu.memory_space<vmem>> -> memref<125xi32, #tpu.memory_space<vmem>>
        %dma_wait3A_90 = arith.constant 0 : i32
        %dma_wait3A_91 = arith.constant 0 : i32
        %dma_wait3A_92 = tpu.memref_slice %arg8[%dma_wait3A_90, %dma_wait3A_91] : memref<10000x128xf32, #tpu.memory_space<vmem_shared>> -> memref<10000x128xf32, #tpu.memory_space<vmem_shared>>
        tpu.wait_indirect_dma semaphore(%run_scoped3A_25 : memref<!tpu.dma_semaphore, #tpu.memory_space<semaphore_mem>>) src(%arg7 : memref<125x128xf32, #tpu.memory_space<vmem>>) dst(%dma_wait3A_92 : memref<10000x128xf32, #tpu.memory_space<vmem_shared>>)
        %add3A_93 = arith.constant 4 : i32
        %add3A_94 = arith.addi %scan3A_85, %add3A_93 : i32
        %dma_start3A_95 = arith.constant 0 : i32
        %dma_start3A_96 = tpu.memref_slice %arg5[%add3A_94, %dma_start3A_95] : memref<80x125xi32, #tpu.memory_space<vmem>> -> memref<1x125xi32, #tpu.memory_space<vmem>>
        %dma_start3A_97 = tpu.memref_squeeze %dma_start3A_96 : memref<1x125xi32, #tpu.memory_space<vmem>> -> memref<125xi32, #tpu.memory_space<vmem>>
        %dma_start3A_98 = arith.constant 0 : i32
        %dma_start3A_99 = arith.constant 0 : i32
        %dma_start3A_100 = tpu.memref_slice %arg8[%dma_start3A_98, %dma_start3A_99] : memref<10000x128xf32, #tpu.memory_space<vmem_shared>> -> memref<10000x128xf32, #tpu.memory_space<vmem_shared>>
        tpu.enqueue_indirect_dma source(%arg7 : memref<125x128xf32, #tpu.memory_space<vmem>>) target(%dma_start3A_100 : memref<10000x128xf32, #tpu.memory_space<vmem_shared>>) offsets(%dma_start3A_97 : memref<125xi32, #tpu.memory_space<vmem>>) semaphore(%run_scoped3A_25 : memref<!tpu.dma_semaphore, #tpu.memory_space<semaphore_mem>>) {add = true}
      }
      %scan3A_57 = arith.constant 76 : i32
      %dma_wait3A = arith.constant 0 : i32
      %dma_wait3A_58 = arith.constant 0 : i32
      %dma_wait3A_59 = tpu.memref_slice %arg5[%dma_wait3A, %dma_wait3A_58] : memref<80x125xi32, #tpu.memory_space<vmem>> -> memref<1x125xi32, #tpu.memory_space<vmem>>
      %dma_wait3A_60 = tpu.memref_squeeze %dma_wait3A_59 : memref<1x125xi32, #tpu.memory_space<vmem>> -> memref<125xi32, #tpu.memory_space<vmem>>
      %dma_wait3A_61 = arith.constant 0 : i32
      %dma_wait3A_62 = arith.constant 0 : i32
      %dma_wait3A_63 = tpu.memref_slice %arg8[%dma_wait3A_61, %dma_wait3A_62] : memref<10000x128xf32, #tpu.memory_space<vmem_shared>> -> memref<10000x128xf32, #tpu.memory_space<vmem_shared>>
      tpu.wait_indirect_dma semaphore(%run_scoped3A_25 : memref<!tpu.dma_semaphore, #tpu.memory_space<semaphore_mem>>) src(%arg7 : memref<125x128xf32, #tpu.memory_space<vmem>>) dst(%dma_wait3A_63 : memref<10000x128xf32, #tpu.memory_space<vmem_shared>>)
      %dma_wait3A_64 = arith.constant 0 : i32
      %dma_wait3A_65 = arith.constant 0 : i32
      %dma_wait3A_66 = tpu.memref_slice %arg5[%dma_wait3A_64, %dma_wait3A_65] : memref<80x125xi32, #tpu.memory_space<vmem>> -> memref<1x125xi32, #tpu.memory_space<vmem>>
      %dma_wait3A_67 = tpu.memref_squeeze %dma_wait3A_66 : memref<1x125xi32, #tpu.memory_space<vmem>> -> memref<125xi32, #tpu.memory_space<vmem>>
      %dma_wait3A_68 = arith.constant 0 : i32
      %dma_wait3A_69 = arith.constant 0 : i32
      %dma_wait3A_70 = tpu.memref_slice %arg8[%dma_wait3A_68, %dma_wait3A_69] : memref<10000x128xf32, #tpu.memory_space<vmem_shared>> -> memref<10000x128xf32, #tpu.memory_space<vmem_shared>>
      tpu.wait_indirect_dma semaphore(%run_scoped3A_25 : memref<!tpu.dma_semaphore, #tpu.memory_space<semaphore_mem>>) src(%arg7 : memref<125x128xf32, #tpu.memory_space<vmem>>) dst(%dma_wait3A_70 : memref<10000x128xf32, #tpu.memory_space<vmem_shared>>)
      %dma_wait3A_71 = arith.constant 0 : i32
      %dma_wait3A_72 = arith.constant 0 : i32
      %dma_wait3A_73 = tpu.memref_slice %arg5[%dma_wait3A_71, %dma_wait3A_72] : memref<80x125xi32, #tpu.memory_space<vmem>> -> memref<1x125xi32, #tpu.memory_space<vmem>>
      %dma_wait3A_74 = tpu.memref_squeeze %dma_wait3A_73 : memref<1x125xi32, #tpu.memory_space<vmem>> -> memref<125xi32, #tpu.memory_space<vmem>>
      %dma_wait3A_75 = arith.constant 0 : i32
      %dma_wait3A_76 = arith.constant 0 : i32
      %dma_wait3A_77 = tpu.memref_slice %arg8[%dma_wait3A_75, %dma_wait3A_76] : memref<10000x128xf32, #tpu.memory_space<vmem_shared>> -> memref<10000x128xf32, #tpu.memory_space<vmem_shared>>
      tpu.wait_indirect_dma semaphore(%run_scoped3A_25 : memref<!tpu.dma_semaphore, #tpu.memory_space<semaphore_mem>>) src(%arg7 : memref<125x128xf32, #tpu.memory_space<vmem>>) dst(%dma_wait3A_77 : memref<10000x128xf32, #tpu.memory_space<vmem_shared>>)
      %dma_wait3A_78 = arith.constant 0 : i32
      %dma_wait3A_79 = arith.constant 0 : i32
      %dma_wait3A_80 = tpu.memref_slice %arg5[%dma_wait3A_78, %dma_wait3A_79] : memref<80x125xi32, #tpu.memory_space<vmem>> -> memref<1x125xi32, #tpu.memory_space<vmem>>
      %dma_wait3A_81 = tpu.memref_squeeze %dma_wait3A_80 : memref<1x125xi32, #tpu.memory_space<vmem>> -> memref<125xi32, #tpu.memory_space<vmem>>
      %dma_wait3A_82 = arith.constant 0 : i32
      %dma_wait3A_83 = arith.constant 0 : i32
      %dma_wait3A_84 = tpu.memref_slice %arg8[%dma_wait3A_82, %dma_wait3A_83] : memref<10000x128xf32, #tpu.memory_space<vmem_shared>> -> memref<10000x128xf32, #tpu.memory_space<vmem_shared>>
      tpu.wait_indirect_dma semaphore(%run_scoped3A_25 : memref<!tpu.dma_semaphore, #tpu.memory_space<semaphore_mem>>) src(%arg7 : memref<125x128xf32, #tpu.memory_space<vmem>>) dst(%dma_wait3A_84 : memref<10000x128xf32, #tpu.memory_space<vmem_shared>>)
      tpu.yield
    }) : () -> ()
    %barrier3A_22 = arith.constant 0 : index
    tpu.barrier barrier_id(%barrier3A_22)
    %mul3A_23 = arith.constant 625 : i32
    %mul3A_24 = arith.muli %arg1, %mul3A_23 : i32
    "tpu.region"() ({
      %run_scoped3A_25 = tpu.sem_alloc : memref<!tpu.dma_semaphore, #tpu.memory_space<semaphore_mem>>
      %dma_start3A = arith.constant 0 : i32
      %dma_start3A_26 = arith.constant 0 : i32
      %dma_start3A_27 = tpu.memref_slice %arg4[%arg0, %arg1, %dma_start3A, %dma_start3A_26] : memref<2x16x625x128xf32, #tpu.memory_space<hbm>> -> memref<1x1x625x128xf32, #tpu.memory_space<hbm>>
      %dma_start3A_28 = tpu.memref_squeeze %dma_start3A_27 : memref<1x1x625x128xf32, #tpu.memory_space<hbm>> -> memref<625x128xf32, #tpu.memory_space<hbm>>
      %dma_start3A_29 = arith.constant 0 : i32
      %dma_start3A_30 = tpu.memref_slice %arg8[%mul3A_24, %dma_start3A_29] : memref<10000x128xf32, #tpu.memory_space<vmem_shared>> -> memref<625x128xf32, #tpu.memory_space<vmem_shared>>
      tpu.enqueue_dma source(%dma_start3A_30 : memref<625x128xf32, #tpu.memory_space<vmem_shared>>) target(%dma_start3A_28 : memref<625x128xf32, #tpu.memory_space<hbm>>) target_semaphore(%run_scoped3A_25 : memref<!tpu.dma_semaphore, #tpu.memory_space<semaphore_mem>>)
      %dma_wait3A = arith.constant 0 : i32
      %dma_wait3A_31 = arith.constant 0 : i32
      %dma_wait3A_32 = tpu.memref_slice %arg4[%arg0, %arg1, %dma_wait3A, %dma_wait3A_31] : memref<2x16x625x128xf32, #tpu.memory_space<hbm>> -> memref<1x1x625x128xf32, #tpu.memory_space<hbm>>
      %dma_wait3A_33 = tpu.memref_squeeze %dma_wait3A_32 : memref<1x1x625x128xf32, #tpu.memory_space<hbm>> -> memref<625x128xf32, #tpu.memory_space<hbm>>
      %dma_wait3A_34 = arith.constant 0 : i32
      %dma_wait3A_35 = tpu.memref_slice %arg8[%mul3A_24, %dma_wait3A_34] : memref<10000x128xf32, #tpu.memory_space<vmem_shared>> -> memref<625x128xf32, #tpu.memory_space<vmem_shared>>
      tpu.wait_dma2 semaphore(%run_scoped3A_25 : memref<!tpu.dma_semaphore, #tpu.memory_space<semaphore_mem>>) src(%dma_wait3A_35 : memref<625x128xf32, #tpu.memory_space<vmem_shared>>) dst(%dma_wait3A_33 : memref<625x128xf32, #tpu.memory_space<hbm>>)
      tpu.yield
    }) : () -> ()
    return
  }
}

module attributes {stable_mosaic.version = 14 : i64} {
  func.func @_k1_body(%arg0: memref<10000x128xf32, #tpu.memory_space<vmem>>, %arg1: memref<128x128xf32, #tpu.memory_space<vmem>>, %arg2: memref<2x10000x128xf32, #tpu.memory_space<vmem>>, %arg3: memref<10000x128xf32, #tpu.memory_space<vmem>>, %arg4: memref<10000x1xf32, #tpu.memory_space<vmem>>) attributes {dimension_semantics = [], scalar_prefetch = 0 : i64, scratch_operands = 0 : i64, tpu.core_type = #tpu.core_type<tc>} {
    %get3A = arith.constant 0 : index
    %get3A_0 = arith.constant 0 : index
    %get3A_1 = arith.constant 0 : index
    %get3A_2 = vector.load %arg2[%get3A, %get3A_0, %get3A_1] : memref<2x10000x128xf32, #tpu.memory_space<vmem>>, vector<1x10000x1xf32>
    %get3A_3 = vector.shape_cast %get3A_2 : vector<1x10000x1xf32> to vector<10000xf32>
    %get3A_4 = arith.constant 1 : index
    %get3A_5 = arith.constant 0 : index
    %get3A_6 = arith.constant 0 : index
    %get3A_7 = vector.load %arg2[%get3A_4, %get3A_5, %get3A_6] : memref<2x10000x128xf32, #tpu.memory_space<vmem>>, vector<1x10000x1xf32>
    %get3A_8 = vector.shape_cast %get3A_7 : vector<1x10000x1xf32> to vector<10000xf32>
    %add3A = arith.addf %get3A_3, %get3A_8 : vector<10000xf32>
    %add3A_9 = arith.constant 1.000000e+00 : f32
    %add3A_10 = vector.broadcast %add3A_9 : f32 to vector<10000xf32>
    %add3A_11 = arith.addf %add3A, %add3A_10 : vector<10000xf32>
    %rsqrt3A = math.rsqrt %add3A_11 : vector<10000xf32>
    %get3A_12 = arith.constant 0 : index
    %get3A_13 = arith.constant 0 : index
    %get3A_14 = vector.load %arg0[%get3A_12, %get3A_13] : memref<10000x128xf32, #tpu.memory_space<vmem>>, vector<10000x128xf32>
    %get3A_15 = arith.constant 0 : index
    %get3A_16 = arith.constant 0 : index
    %get3A_17 = vector.load %arg1[%get3A_15, %get3A_16] : memref<128x128xf32, #tpu.memory_space<vmem>>, vector<128x128xf32>
    %dot_general3A = arith.constant dense<0.000000e+00> : vector<10000x128xf32>
    %dot_general3A_18 = tpu.matmul %get3A_14, %get3A_17, %dot_general3A {dimension_numbers = #tpu.dot_dimension_numbers<[1], [0], [0], [1], [0, 0, 1, 1], [], []>, transpose_lhs_hint = false} : vector<10000x128xf32>, vector<128x128xf32>, vector<10000x128xf32> -> vector<10000x128xf32>
    %broadcast_in_dim3A = vector.shape_cast %rsqrt3A : vector<10000xf32> to vector<10000x1xf32>
    %mul3A = vector.broadcast %broadcast_in_dim3A : vector<10000x1xf32> to vector<10000x128xf32>
    %mul3A_19 = arith.mulf %dot_general3A_18, %mul3A : vector<10000x128xf32>
    %swap3A = arith.constant 0 : index
    %swap3A_20 = arith.constant 0 : index
    %swap3A_21 = vector.load %arg3[%swap3A, %swap3A_20] : memref<10000x128xf32, #tpu.memory_space<vmem>>, vector<10000x128xf32>
    tpu.vector_store %arg3[%swap3A, %swap3A_20], %mul3A_19 {strides = array<i32>} : memref<10000x128xf32, #tpu.memory_space<vmem>>, vector<10000x128xf32>,
    %broadcast_in_dim3A_22 = vector.shape_cast %rsqrt3A : vector<10000xf32> to vector<10000x1xf32>
    %swap3A_23 = arith.constant 0 : index
    %swap3A_24 = arith.constant 0 : index
    %swap3A_25 = vector.load %arg4[%swap3A_23, %swap3A_24] : memref<10000x1xf32, #tpu.memory_space<vmem>>, vector<10000x1xf32>
    tpu.vector_store %arg4[%swap3A_23, %swap3A_24], %broadcast_in_dim3A_22 {strides = array<i32>} : memref<10000x1xf32, #tpu.memory_space<vmem>>, vector<10000x1xf32>,
    return
  }
}

module attributes {stable_mosaic.version = 14 : i64} {
  func.func @_k2_body(%arg0: memref<2x10000x128xf32, #tpu.memory_space<vmem>>, %arg1: memref<10000x128xf32, #tpu.memory_space<vmem>>, %arg2: memref<10000x1xf32, #tpu.memory_space<vmem>>, %arg3: memref<1x128xf32, #tpu.memory_space<vmem>>, %arg4: memref<128x128xf32, #tpu.memory_space<vmem>>, %arg5: memref<10000x128xf32, #tpu.memory_space<vmem>>) attributes {dimension_semantics = [], scalar_prefetch = 0 : i64, scratch_operands = 0 : i64, tpu.core_type = #tpu.core_type<tc>} {
    %get3A = arith.constant 0 : index
    %get3A_0 = arith.constant 0 : index
    %get3A_1 = arith.constant 0 : index
    %get3A_2 = vector.load %arg0[%get3A, %get3A_0, %get3A_1] : memref<2x10000x128xf32, #tpu.memory_space<vmem>>, vector<1x10000x128xf32>
    %get3A_3 = vector.shape_cast %get3A_2 : vector<1x10000x128xf32> to vector<10000x128xf32>
    %get3A_4 = arith.constant 1 : index
    %get3A_5 = arith.constant 0 : index
    %get3A_6 = arith.constant 0 : index
    %get3A_7 = vector.load %arg0[%get3A_4, %get3A_5, %get3A_6] : memref<2x10000x128xf32, #tpu.memory_space<vmem>>, vector<1x10000x128xf32>
    %get3A_8 = vector.shape_cast %get3A_7 : vector<1x10000x128xf32> to vector<10000x128xf32>
    %add3A = arith.addf %get3A_3, %get3A_8 : vector<10000x128xf32>
    %get3A_9 = arith.constant 0 : index
    %get3A_10 = arith.constant 0 : index
    %get3A_11 = vector.load %arg1[%get3A_9, %get3A_10] : memref<10000x128xf32, #tpu.memory_space<vmem>>, vector<10000x128xf32>
    %add3A_12 = arith.addf %add3A, %get3A_11 : vector<10000x128xf32>
    %get3A_13 = arith.constant 0 : index
    %get3A_14 = arith.constant 0 : index
    %get3A_15 = vector.load %arg2[%get3A_13, %get3A_14] : memref<10000x1xf32, #tpu.memory_space<vmem>>, vector<10000x1xf32>
    %mul3A = vector.broadcast %get3A_15 : vector<10000x1xf32> to vector<10000x128xf32>
    %mul3A_16 = arith.mulf %add3A_12, %mul3A : vector<10000x128xf32>
    %get3A_17 = arith.constant 0 : index
    %get3A_18 = arith.constant 0 : index
    %get3A_19 = vector.load %arg3[%get3A_17, %get3A_18] : memref<1x128xf32, #tpu.memory_space<vmem>>, vector<1x128xf32>
    %add3A_20 = vector.broadcast %get3A_19 : vector<1x128xf32> to vector<10000x128xf32>
    %add3A_21 = arith.addf %mul3A_16, %add3A_20 : vector<10000x128xf32>
    %max3A = arith.constant 0.000000e+00 : f32
    %max3A_22 = vector.broadcast %max3A : f32 to vector<10000x128xf32>
    %max3A_23 = arith.maximumf %add3A_21, %max3A_22 : vector<10000x128xf32>
    %get3A_24 = arith.constant 0 : index
    %get3A_25 = arith.constant 0 : index
    %get3A_26 = vector.load %arg4[%get3A_24, %get3A_25] : memref<128x128xf32, #tpu.memory_space<vmem>>, vector<128x128xf32>
    %dot_general3A = arith.constant dense<0.000000e+00> : vector<10000x128xf32>
    %dot_general3A_27 = tpu.matmul %max3A_23, %get3A_26, %dot_general3A {dimension_numbers = #tpu.dot_dimension_numbers<[1], [0], [0], [1], [0, 0, 1, 1], [], []>, transpose_lhs_hint = false} : vector<10000x128xf32>, vector<128x128xf32>, vector<10000x128xf32> -> vector<10000x128xf32>
    %get3A_28 = arith.constant 0 : index
    %get3A_29 = arith.constant 0 : index
    %get3A_30 = vector.load %arg2[%get3A_28, %get3A_29] : memref<10000x1xf32, #tpu.memory_space<vmem>>, vector<10000x1xf32>
    %mul3A_31 = vector.broadcast %get3A_30 : vector<10000x1xf32> to vector<10000x128xf32>
    %mul3A_32 = arith.mulf %dot_general3A_27, %mul3A_31 : vector<10000x128xf32>
    %swap3A = arith.constant 0 : index
    %swap3A_33 = arith.constant 0 : index
    %swap3A_34 = vector.load %arg5[%swap3A, %swap3A_33] : memref<10000x128xf32, #tpu.memory_space<vmem>>, vector<10000x128xf32>
    tpu.vector_store %arg5[%swap3A, %swap3A_33], %mul3A_32 {strides = array<i32>} : memref<10000x128xf32, #tpu.memory_space<vmem>>, vector<10000x128xf32>,
    return
  }
}

module attributes {stable_mosaic.version = 14 : i64} {
  func.func @_k3_body(%arg0: memref<2x10000x128xf32, #tpu.memory_space<vmem>>, %arg1: memref<10000x128xf32, #tpu.memory_space<vmem>>, %arg2: memref<10000x1xf32, #tpu.memory_space<vmem>>, %arg3: memref<1x128xf32, #tpu.memory_space<vmem>>, %arg4: memref<128x128xf32, #tpu.memory_space<vmem>>, %arg5: memref<1x128xf32, #tpu.memory_space<vmem>>, %arg6: memref<10000x128xf32, #tpu.memory_space<vmem>>) attributes {dimension_semantics = [], scalar_prefetch = 0 : i64, scratch_operands = 0 : i64, tpu.core_type = #tpu.core_type<tc>} {
    %get3A = arith.constant 0 : index
    %get3A_0 = arith.constant 0 : index
    %get3A_1 = arith.constant 0 : index
    %get3A_2 = vector.load %arg0[%get3A, %get3A_0, %get3A_1] : memref<2x10000x128xf32, #tpu.memory_space<vmem>>, vector<1x10000x128xf32>
    %get3A_3 = vector.shape_cast %get3A_2 : vector<1x10000x128xf32> to vector<10000x128xf32>
    %get3A_4 = arith.constant 1 : index
    %get3A_5 = arith.constant 0 : index
    %get3A_6 = arith.constant 0 : index
    %get3A_7 = vector.load %arg0[%get3A_4, %get3A_5, %get3A_6] : memref<2x10000x128xf32, #tpu.memory_space<vmem>>, vector<1x10000x128xf32>
    %get3A_8 = vector.shape_cast %get3A_7 : vector<1x10000x128xf32> to vector<10000x128xf32>
    %add3A = arith.addf %get3A_3, %get3A_8 : vector<10000x128xf32>
    %get3A_9 = arith.constant 0 : index
    %get3A_10 = arith.constant 0 : index
    %get3A_11 = vector.load %arg1[%get3A_9, %get3A_10] : memref<10000x128xf32, #tpu.memory_space<vmem>>, vector<10000x128xf32>
    %add3A_12 = arith.addf %add3A, %get3A_11 : vector<10000x128xf32>
    %get3A_13 = arith.constant 0 : index
    %get3A_14 = arith.constant 0 : index
    %get3A_15 = vector.load %arg2[%get3A_13, %get3A_14] : memref<10000x1xf32, #tpu.memory_space<vmem>>, vector<10000x1xf32>
    %mul3A = vector.broadcast %get3A_15 : vector<10000x1xf32> to vector<10000x128xf32>
    %mul3A_16 = arith.mulf %add3A_12, %mul3A : vector<10000x128xf32>
    %get3A_17 = arith.constant 0 : index
    %get3A_18 = arith.constant 0 : index
    %get3A_19 = vector.load %arg3[%get3A_17, %get3A_18] : memref<1x128xf32, #tpu.memory_space<vmem>>, vector<1x128xf32>
    %add3A_20 = vector.broadcast %get3A_19 : vector<1x128xf32> to vector<10000x128xf32>
    %add3A_21 = arith.addf %mul3A_16, %add3A_20 : vector<10000x128xf32>
    %get3A_22 = arith.constant 0 : index
    %get3A_23 = arith.constant 0 : index
    %get3A_24 = vector.load %arg4[%get3A_22, %get3A_23] : memref<128x128xf32, #tpu.memory_space<vmem>>, vector<128x128xf32>
    %dot_general3A = arith.constant dense<0.000000e+00> : vector<10000x128xf32>
    %dot_general3A_25 = tpu.matmul %add3A_21, %get3A_24, %dot_general3A {dimension_numbers = #tpu.dot_dimension_numbers<[1], [0], [0], [1], [0, 0, 1, 1], [], []>, transpose_lhs_hint = false} : vector<10000x128xf32>, vector<128x128xf32>, vector<10000x128xf32> -> vector<10000x128xf32>
    %get3A_26 = arith.constant 0 : index
    %get3A_27 = arith.constant 0 : index
    %get3A_28 = vector.load %arg5[%get3A_26, %get3A_27] : memref<1x128xf32, #tpu.memory_space<vmem>>, vector<1x128xf32>
    %add3A_29 = vector.broadcast %get3A_28 : vector<1x128xf32> to vector<10000x128xf32>
    %add3A_30 = arith.addf %dot_general3A_25, %add3A_29 : vector<10000x128xf32>
    %swap3A = arith.constant 0 : index
    %swap3A_31 = arith.constant 0 : index
    %swap3A_32 = vector.load %arg6[%swap3A, %swap3A_31] : memref<10000x128xf32, #tpu.memory_space<vmem>>, vector<10000x128xf32>
    tpu.vector_store %arg6[%swap3A, %swap3A_31], %add3A_30 {strides = array<i32>} : memref<10000x128xf32, #tpu.memory_space<vmem>>, vector<10000x128xf32>,
    return
  }
}

</mosaic_0001>

<sc_bundles>
// kernel: kernel.11.cloned.1.call-start
scs
__scs_entry_jumppad:
0x0: {  	(pc) =	sbr.rel $0x88, $3  }
0x1: {  	(tag) =	ssettag $0x0;
	lr =	simm.s32 $0x1  }
0x2: {  	[smem:$0x3F97] =	sst lr;
	_ =	strace $0xD0000000  }
0x3: {  	_ = 	snop  }
0x4: {  	_ = 	snop  }
0x5: {  	_ = 	snop  }
0x6: {  	_ = 	snop  }
0x7: {  	_ = 	snop  }
__scs_overlays_trampoline_lowered:
0x8: {  	[smem:$0x3FA6] =	sst s0  }
0x9: {  	[smem:$0x3FA7] =	sst s1  }
0xa: {  	[smem:$0x3FA8] =	sst s2  }
0xb: {  	[smem:$0x3FA9] =	sst s3  }
0xc: {  	[smem:$0x3FAA] =	sst s4  }
0xd: {  	[smem:$0x3FAB] =	sst s5  }
0xe: {  	[smem:$0x3FAC] =	sst s6  }
0xf: {  	[smem:$0x3FAD] =	sst s7  }
0x10: {  	[smem:$0x3FAE] =	sst s8  }
0x11: {  	[smem:$0x3FAF] =	sst s9;
	s0 =	simm.s32 @!p0 $0x0  }
0x12: {  	s1 =	sld [smem:$0x3F95];
	s0 =	simm.s32 @p0 $0x1  }
0x13: {  	[smem:$0x3FB0] =	sst s0;
	s0 =	simm.s32 @!p1 $0x0  }
0x14: {  	s2 =	sld [smem:$0x3F94];
	s0 =	simm.s32 @p1 $0x1  }
0x15: {  	[smem:$0x3FB1] =	sst s0;
	s0 =	simm.s32 @!p2 $0x0  }
0x16: {  	s3 =	sld [smem:$0x3FDB];
	s0 =	simm.s32 @p2 $0x1  }
0x17: {  	s4 =	simm.s32 $0x1BF5;
	[smem:$0x3FB3] =	sst s0  }
0x18: {  	s0 =	sld [smem:$0x3F96];
	_ =	swait.ge [sflag:s4], $0x0  }
0x19: {  	s7 =	sld [smem:$0x3F97]  }
0x1a: {  	s8 =	sadd.s32 $0xFFFFE003, lr  }
0x1b: {  	s9 =	sadd.s32 $0xFFFFFEF7, lr;
	s5 =	simm.s32 $0xFFFFFFFF;
	p2 =	slt.u32 s8, $0xFFFFF086  }
0x1c: {  	p1 =	slt.u32 s9, $0xF7A;
	s5 =	simm.s32 @!p2 $0x0  }
0x1d: {  	s5 =	simm.s32 @p1 $0x1;
	p0 =	seq.s32 s7, s2  }
0x1e: {  	s7 =	smul.u32 @!p0 $0xF7A, s2;
	p2 =	seq.s32 @!p0 s5, $0x0  }
0x1f: {  	s9 =	smul.u32 $0xF7A, s1;
	s8 =	simm.s32 @!p0 $0x1BF5;
	p2 =	por !p2, p0  }
0x20: {  	[sflag:s8] =	ssyncset.s32 @!p0 $0xFFFFF086;
	s6 =	sadd.s32 @!p0 s3, s7;
	s7 =	simm.s32 @!p0 $0x108  }
0x21: {  	s3 =	sadd.s32 s3, s9;
	s6 =	sadd.s32 @!p0 $0x88, s6;
	s7 =	simm.s32 @p2 $0x1082  }
0x22: {  	[simem:s7], [sflag:s8] =	dma.local @!p0 [hbm:s6], $0xF7A  }
0x23: {  	s9 =	sor.u32 $0xD0000000, s2;
	s6 =	simm.s32 $0x108;
	_ =	swait.ge @!p0 [sflag:s8], $0x0  }
0x24: {  	s3 =	sadd.s32 $0x88, s3;
	s6 =	simm.s32 @!p1 $0x1082;
	[sflag:s4] =	ssyncset.s32 $0xFFFFF086  }
0x25: {  	[simem:s6], [sflag:s4] =	dma.local [hbm:s3], $0xF7A  }
0x26: {  	[smem:$0x3F97] =	sst s1;
	(tag) =	ssettag s2;
	_ =	strace s9  }
0x27: {  	s1 =	sld [smem:$0x3FA7]  }
0x28: {  	s2 =	sld [smem:$0x3FA8]  }
0x29: {  	s4 =	sld [smem:$0x3FAA]  }
0x2a: {  	p0 =	seq.s32 s5, $0x0;
	s5 =	sld [smem:$0x3FAB]  }
0x2b: {  	s6 =	sld [smem:$0x3FAC]  }
0x2c: {  	s7 =	sld [smem:$0x3FAD]  }
0x2d: {  	s3 =	simm.s32 $0x108;
	s8 =	sld [smem:$0x3FAE]  }
0x2e: {  	s3 =	simm.s32 @!p0 $0x1082;
	s9 =	sld [smem:$0x3FAF]  }
0x2f: {  	lr =	sadd.s32 s0, s3;
	s0 =	sld [smem:$0x3FA6]  }
0x30: {  	s3 =	sld [smem:$0x3FA9]  }
0x31: {  	[smem:$0x3FB2] =	sst s10  }
0x32: {  	s10 =	sld [smem:$0x3FB0];
	_ =	sdelay $0x3  }
0x33: {  	p0 =	seq.s32 s10, $0x1;
	s10 =	sld [smem:$0x3FB2];
	_ =	sdelay $0x3  }
0x34: {  	[smem:$0x3FB2] =	sst s10  }
0x35: {  	s10 =	sld [smem:$0x3FB1];
	_ =	sdelay $0x3  }
0x36: {  	p1 =	seq.s32 s10, $0x1;
	s10 =	sld [smem:$0x3FB2];
	_ =	sdelay $0x3  }
0x37: {  	[smem:$0x3FB2] =	sst s10  }
0x38: {  	s10 =	sld [smem:$0x3FB3]  }
0x39: {  	_ = 	snop;
	(pc) =	sbr.ind lr, $3  }
0x3a: {  	_ = 	snop  }
0x3b: {  	_ = 	snop  }
0x3c: {  	p2 =	seq.s32 s10, $0x1;
	s10 =	sld [smem:$0x3FB2]  }
0x3d: {  	_ =	shalt  }
0x3e: {  	_ =	shalt  }
0x3f: {  	_ =	shalt  }
0x40: {  	_ =	shalt  }
0x41: {  	_ =	shalt  }
0x42: {  	_ =	shalt  }
0x43: {  	_ =	shalt  }
0x44: {  	_ =	shalt  }
0x45: {  	_ =	shalt  }
0x46: {  	_ =	shalt  }
0x47: {  	_ =	shalt  }
0x48: {  	_ =	shalt  }
0x49: {  	_ =	shalt  }
0x4a: {  	_ =	shalt  }
0x4b: {  	_ =	shalt  }
0x4c: {  	_ =	shalt  }
0x4d: {  	_ =	shalt  }
0x4e: {  	_ =	shalt  }
0x4f: {  	_ =	shalt  }
0x50: {  	_ =	shalt  }
0x51: {  	_ =	shalt  }
0x52: {  	_ =	shalt  }
0x53: {  	_ =	shalt  }
0x54: {  	_ =	shalt  }
0x55: {  	_ =	shalt  }
0x56: {  	_ =	shalt  }
0x57: {  	_ =	shalt  }
0x58: {  	_ =	shalt  }
0x59: {  	_ =	shalt  }
0x5a: {  	_ =	shalt  }
0x5b: {  	_ =	shalt  }
0x5c: {  	_ =	shalt  }
0x5d: {  	_ =	shalt  }
0x5e: {  	_ =	shalt  }
0x5f: {  	_ =	shalt  }
0x60: {  	_ =	shalt  }
0x61: {  	_ =	shalt  }
0x62: {  	_ =	shalt  }
0x63: {  	_ =	shalt  }
0x64: {  	_ =	shalt  }
0x65: {  	_ =	shalt  }
0x66: {  	_ =	shalt  }
0x67: {  	_ =	shalt  }
0x68: {  	_ =	shalt  }
0x69: {  	_ =	shalt  }
0x6a: {  	_ =	shalt  }
0x6b: {  	_ =	shalt  }
0x6c: {  	_ =	shalt  }
0x6d: {  	_ =	shalt  }
0x6e: {  	_ =	shalt  }
0x6f: {  	_ =	shalt  }
0x70: {  	_ =	shalt  }
0x71: {  	_ =	shalt  }
0x72: {  	_ =	shalt  }
0x73: {  	_ =	shalt  }
0x74: {  	_ =	shalt  }
0x75: {  	_ =	shalt  }
0x76: {  	_ =	shalt  }
0x77: {  	_ =	shalt  }
0x78: {  	_ =	shalt  }
0x79: {  	_ =	shalt  }
0x7a: {  	_ =	shalt  }
0x7b: {  	_ =	shalt  }
0x7c: {  	_ =	shalt  }
0x7d: {  	_ =	shalt  }
0x7e: {  	_ =	shalt  }
0x7f: {  	_ =	shalt  }
0x80: {  	_ =	shalt  }
0x81: {  	_ =	shalt  }
0x82: {  	_ =	shalt  }
0x83: {  	_ =	shalt  }
0x84: {  	_ =	shalt  }
0x85: {  	_ =	shalt  }
0x86: {  	_ =	shalt  }
0x87: {  	_ =	shalt  }
.Lfunc_end0:
.L_simem_size_0:
called_computation.1_lowered:
.L_overlay_start_0:
0x88: {  	s2 =	sld [smem:$0x3FD9]  }
0x89: {  	s3 =	sld [smem:$0x3FFE];
	_ =	sdelay $0x1  }
0x8a: {  	s1 =	srdreg.scid  }
0x8b: {  	s0 =	sand.u32 $0x1, s1  }
0x8c: {  	s17 =	sshll.u32 s0, $0xA;
	s2 =	sadd.s32 s3, s2  }
0x8d: {  	s2 =	sadd.s32 s2, s17  }
0x8e: {  	[smem:$0x3FBE] =	sst s2  }
0x8f: {  	_ = 	snop  }
0x90: {  	s2 =	sld [smem:$0x3FD0];
	(tm) =	ssettm $0x1  }
0x91: {  	s18 =	sld [smem:$0x3FFB];
	_ =	sdelay $0x3  }
0x92: {  	_ =	strace s18  }
0x93: {  	s3 =	sld [smem:$0x3FFC];
	_ =	sdelay $0x3  }
0x94: {  	_ =	strace s3  }
0x95: {  	s3 =	sld [smem:$0x3FFD];
	_ =	sdelay $0x3  }
0x96: {  	_ =	strace s3  }
0x97: {  	_ =	strace $0x8FFFFFFF  }
0x98: {  	s19 =	sld [smem:$0x3FDB];
	_ =	sdelay $0x1  }
0x99: {  	s4 =	simm.s32 $_scs_section_size  }
0x9a: {  	s5 =	simm.s32 $_size__tile_overlayer_lowered;
	s6 =	simm.s32 $_tile_overlayer_lowered  }
0x9b: {  	s22 =	simm.s32 $0x1BFF;
	s21 =	sshll.u32 s6, $0x1;
	s3 =	sadd.s32 s4, s19  }
0x9c: {  	s7 =	simm.s32 $0x0;
	s20 =	sshll.u32 s5, $0x1;
	s5 =	sadd.s32 s21, s3  }
0x9d: {  	[timem:s7], [sflag:s22] =	dma.local [hbm:s5], s20  }
0x9e: {  	_ =	swait.ge [sflag:s22], s20  }
0x9f: {  	s4 =	ssub.s32 $0x0, s20;
	[sflag:s22] =	ssyncset.done $0x0  }
0xa0: {  	[sflag:s22] =	ssyncadd.s32 s4;
	_ =	sdelay $0x1  }
0xa1: {  	s23 =	simm.s32 $0x1B8B  }
0xa2: {  	_ =	swait.ge [sflag:s23], $0x1  }
0xa3: {  	[sflag:s23] =	ssyncset.done $0x0  }
0xa4: {  	s25 =	simm.s32 $0x1B8E;
	s24 =	sld [smem:$0x3FFE];
	[sflag:s23] =	ssyncadd.s32 $0xFFFFFFFF  }
0xa5: {  	s26 =	simm.s32 $execute0_lowered;
	[smem:$0x3FD2] =	sst s25  }
0xa6: {  	s5 =	sshll.u32 s26, $0x1;
	_ =	strace $0x80000049;
	[dreg:$0x1] =	wrdreg $0xFFFFFFFF  }
0xa7: {  	s28 =	simm.s32 $_size_execute0_lowered;
	s3 =	sadd.s32 s3, s5;
	[dreg:$0x0] =	wrdreg $0x0  }
0xa8: {  	s5 =	sshll.u32 s28, $0x1;
	[dreg:$0x2] =	wrdreg s3  }
0xa9: {  	[dreg:$0x3] =	wrdreg s5  }
0xaa: {  	[dreg:$0x4] =	wrdreg $0xC0  }
0xab: {  	_ =	task [dreg:s7], $0x5FFFF  }
0xac: {  	[dreg:$0x1] =	wrdreg $0xFFFFFFFF  }
0xad: {  	[dreg:$0x0] =	wrdreg $0x60  }
0xae: {  	[dreg:$0x2] =	wrdreg s2  }
0xaf: {  	[dreg:$0x3] =	wrdreg s24  }
0xb0: {  	[dreg:$0x4] =	wrdreg $0xA8000  }
0xb1: {  	[dreg:$0x5] =	wrdreg $0x9  }
0xb2: {  	_ =	task.clear_ibuf [dreg:s7], $0x6FFFF;
	_ =	strace $0x90000049  }
0xb3: {  	s29 =	simm.s32 $0x9;
	_ =	strace $0x8000004B  }
0xb4: {  	_ =	swait.ge [sflag:s29], $0x1  }
0xb5: {  	[sflag:s29] =	ssyncadd.s32 $0xFFFFFFFF  }
0xb6: {  	_ =	strace $0x9000004B  }
0xb7: {  	_ =	sfence  }
0xb8: {  	s30 =	sld [smem:$0x0];
	_ =	sdelay $0x2  }
0xb9: {  	s31 =	sshll.u32 s1, $0xD;
	s1 =	sshrl.u32 s1, $0x2  }
0xba: {  	s3 =	sand.u32 $0x4000, s31;
	s1 =	sadd.s32 s1, s30  }
0xbb: {  	s0 =	sor.u32 s3, s0;
	s1 =	sshll.u32 s1, $0x11  }
0xbc: {  	s0 =	sor.u32 s1, s0  }
0xbd: {  	s0 =	sadd.s32 $0x8F2B, s0  }
0xbe: {  	[sflag:s0] =	ssyncadd.remote.s32 $0x1  }
0xbf: {  	_ =	sfence.sel $0xFFFF  }
0xc0: {  	[dreg:$0x0] =	wrdreg $0xFFFFFFFF;
	(pc) =	sbr.abs _section_cstart, $3  }
0xc1: {  	[dreg:$0x1] =	wrdreg $0xFFFFFFFF  }
0xc2: {  	_ =	task.clear_ibuf [dreg:s7], $0x2FFFF;
	_ =	strace $0x9FFFFFFF  }
0xc3: {  	(tm) =	ssettm $0x7FFFFFFF  }
tec
execute0_lowered:
.L_overlay_start_1:
0x0: {  	(tag) =	ssettag $0x1  }
0x1: {  	s1 =	rddreg [dreg:$0x0]  }
0x2: {  	s5 =	rddreg [dreg:$0x1]  }
0x3: {  	s2 =	rddreg [dreg:$0x2]  }
0x4: {  	s3 =	srdreg.scid;
	s0 =	rddreg [dreg:$0x3]  }
0x5: {  	s4 =	simm.s32 $0x0;
	s17 =	simm.s32 $0x1;
	s18 =	simm.s32 $0x5  }
0x6: {  	s19 =	simm.s32 $0x1400;
	s20 =	simm.s32 $0x7D;
	s21 =	simm.s32 $0x80  }
0x7: {  	s22 =	simm.s32 $0x6800;
	s23 =	simm.s32 $0x2;
	s24 =	simm.s32 $0x3  }
0x8: {  	s25 =	simm.s32 $0x4;
	s26 =	simm.s32 $0x2780;
	s6 =	sand.u32 $0x1, s3  }
0x9: {  	s28 =	simm.s32 $0x0;
	s3 =	stileid.u32;
	s7 =	smul.u32 $0x13C000, s6  }
0xa: {  	[smem:$0x7FF] =	sst s4;
	s12 =	sadd.s32 $0x5C400, s5;
	s8 =	smul.u32 $0x13C00, s3  }
0xb: {  	s13 =	sadd.s32 $0x3400, s5;
	s30 =	sshll.u32 s3, $0x1;
	s9 =	smul.u32 $0x4E200, s3  }
0xc: {  	_ =	strace $0x8000004A;
	s10 =	ssub.s32 $0x2, s6;
	s6 =	sor.u32 s6, s30  }
0xd: {  	s31 =	sshrl.u32 s10, $0x1;
	s7 =	sadd.s32 s8, s7;
	s9 =	sshrl.u32 s9, $0x2  }
0xe: {  	s11 =	smul.u32 $0x2800, s6;
	s15 =	ssub.s32 s10, s31;
	s7 =	sshrl.u32 s7, $0x3  }
0xf: {  	s15 =	smax.u32 s15, $0x1;
	s14 =	sadd.s32 s7, s5;
	s5 =	sadd.s32 s9, s2  }
0x10: {  	s11 =	sshrl.u32 s11, $0x3;
	s6 =	sadd.s32 $0x3E80, s5;
	s7 =	sadd.s32 $0x7D00, s5  }
0x11: {  	s8 =	sadd.s32 $0xBB80, s5;
	s9 =	sadd.s32 $0xFA00, s5;
	s16 =	sadd.s32 $0x280, s11  }
0x12: {  	s10 =	sadd.s32 s12, s11;
	s11 =	sadd.s32 s13, s11;
	s14 =	sadd.s32 $0xD400, s14  }
0x13: {  	v0 =	vimm.f32 $0.0e+00;
	s12 =	sadd.s32 s12, s16;
	s13 =	sadd.s32 s13, s16;
	s16 =	simm.s32 $0x2800  }
.LBB2_1:
0x14: {  	s29 =	simm.s32 $0x0;
	s30 =	simm.s32 $0x200  }
.LBB2_2:
0x15: {  	p0 =	sne.s32 s30, $0xF800;
	[tilespmem:s29+$0x2870] =	vst v0  }
0x16: {  	[tilespmem:s29+$0x2800] =	vst v0  }
0x17: {  	[tilespmem:s29+$0x2810] =	vst v0  }
.Ltmp0:
0x18: {  	[tilespmem:s29+$0x2820] =	vst v0;
	(pc) =	sbr.rel @p0 .LBB2_2-.Ltmp0, $4  }
0x19: {  	[tilespmem:s29+$0x2830] =	vst v0  }
0x1a: {  	[tilespmem:s29+$0x2840] =	vst v0  }
0x1b: {  	[tilespmem:s29+$0x2850] =	vst v0  }
0x1c: {  	[tilespmem:s29+$0x2860] =	vst v0;
	s29 =	sshra.s32 s30, $0x2;
	s30 =	sadd.s32 $0x200, s30  }
0x1d: {  	[tilespmem:s29+$0x2870] =	vst v0  }
0x1e: {  	[tilespmem:s29+$0x2800] =	vst v0  }
0x1f: {  	[tilespmem:s29+$0x2810] =	vst v0  }
0x20: {  	[tilespmem:s29+$0x2820] =	vst v0  }
0x21: {  	[tilespmem:s29+$0x2830] =	vst v0  }
0x22: {  	[tilespmem:s29+$0x2840] =	vst v0  }
0x23: {  	[tilespmem:s29+$0x2850] =	vst v0  }
0x24: {  	[tilespmem:s29+$0x2860] =	vst v0  }
0x25: {  	[spmem:s5] =	stream.linear.scatter [tilespmem:s16], [sflag:$0x1], $0x3E80, $0x38;
	[tilespmem:$0x1E080] =	vst v63  }
0x26: {  	_ =	swait.ge [sflag:s17], $0x3E80  }
0x27: {  	[sflag:s17] =	ssyncset.done $0x0  }
0x28: {  	[sflag:s17] =	ssyncadd.s32 $0xFFFFC180  }
0x29: {  	[spmem:s6] =	stream.linear.scatter [tilespmem:s16], [sflag:$0x1], $0x3E80, $0x38;
	[tilespmem:$0x1E080] =	vst v63  }
0x2a: {  	_ =	swait.ge [sflag:s17], $0x3E80  }
0x2b: {  	[sflag:s17] =	ssyncset.done $0x0  }
0x2c: {  	[sflag:s17] =	ssyncadd.s32 $0xFFFFC180  }
0x2d: {  	[spmem:s7] =	stream.linear.scatter [tilespmem:s16], [sflag:$0x1], $0x3E80, $0x38;
	[tilespmem:$0x1E080] =	vst v63  }
0x2e: {  	_ =	swait.ge [sflag:s17], $0x3E80  }
0x2f: {  	[sflag:s17] =	ssyncset.done $0x0  }
0x30: {  	[sflag:s17] =	ssyncadd.s32 $0xFFFFC180  }
0x31: {  	[spmem:s8] =	stream.linear.scatter [tilespmem:s16], [sflag:$0x1], $0x3E80, $0x38;
	[tilespmem:$0x1E080] =	vst v63  }
0x32: {  	_ =	swait.ge [sflag:s17], $0x3E80  }
0x33: {  	[sflag:s17] =	ssyncset.done $0x0  }
0x34: {  	[sflag:s17] =	ssyncadd.s32 $0xFFFFC180  }
0x35: {  	[spmem:s9] =	stream.linear.scatter [tilespmem:s16], [sflag:$0x1], $0x3E80, $0x38;
	[tilespmem:$0x1E080] =	vst v63  }
0x36: {  	_ =	swait.ge [sflag:s17], $0x3E80  }
0x37: {  	[sflag:s17] =	ssyncset.done $0x0  }
0x38: {  	[sflag:s17] =	ssyncadd.s32 $0xFFFFC180  }
0x39: {  	[bflag:$0x0] =	sbarrier.arrive $0xFFFF  }
0x3a: {  	[tilespmem:s4], [sflag:$0x5] =	stream.linear.gather [hbm4b:s10+s4], $0x1400, $0x38;
	[tilespmem:$0x1E080] =	vst v63  }
0x3b: {  	_ =	swait.ge [sflag:s18], $0x1400  }
0x3c: {  	[sflag:s18] =	ssyncset.done $0x0  }
0x3d: {  	[sflag:s18] =	ssyncadd.s32 $0xFFFFEC00  }
0x3e: {  	[tilespmem:s19], [sflag:$0x5] =	stream.linear.gather [hbm4b:s11+s4], $0x1400, $0x38;
	[tilespmem:$0x1E080] =	vst v63  }
0x3f: {  	_ =	swait.ge [sflag:s18], $0x1400  }
0x40: {  	[sflag:s18] =	ssyncset.done $0x0  }
0x41: {  	[sflag:s18] =	ssyncadd.s32 $0xFFFFEC00  }
0x42: {  	[tilespmem:s16], [sflag:$0x1] =	stream.indirect.gather [hbm4b:s1+s20], $0x80, s4, s20, $0xb8;
	[tilespmem:$0x1E080] =	vst v63  }
0x43: {  	_ =	swait.ge [sflag:s17], $0x3E80  }
0x44: {  	[sflag:s17] =	ssyncset.done $0x0  }
0x45: {  	[sflag:s17] =	ssyncadd.s32 $0xFFFFC180  }
0x46: {  	[spmem:s2] =	stream.indirect.scatter.add.f32 [tilespmem:s16], [sflag:$0x3], $0x80, s19, s20, $0xb8;
	[tilespmem:$0x1E080] =	vst v63  }
0x47: {  	_ = 	snop  }
0x48: {  	[tilespmem:s22], [sflag:$0x2] =	stream.indirect.gather [hbm4b:s1+s20], $0x80, s21, s20, $0xb8;
	[tilespmem:$0x1E080] =	vst v63  }
0x49: {  	_ =	swait.ge [sflag:s23], $0x3E80  }
0x4a: {  	[sflag:s23] =	ssyncset.done $0x0  }
0x4b: {  	s29 =	simm.s32 $0x1480;
	[sflag:s23] =	ssyncadd.s32 $0xFFFFC180  }
0x4c: {  	[spmem:s2] =	stream.indirect.scatter.add.f32 [tilespmem:s22], [sflag:$0x4], $0x80, s29, s20, $0xb8;
	[tilespmem:$0x1E080] =	vst v63  }
0x4d: {  	_ =	swait.ge [sflag:s24], $0x3E80  }
0x4e: {  	[sflag:s24] =	ssyncset.done $0x0  }
0x4f: {  	s29 =	simm.s32 $0x100;
	[sflag:s24] =	ssyncadd.s32 $0xFFFFC180  }
0x50: {  	[tilespmem:s16], [sflag:$0x1] =	stream.indirect.gather [hbm4b:s1+s20], $0x80, s29, s20, $0xb8;
	[tilespmem:$0x1E080] =	vst v63  }
0x51: {  	_ =	swait.ge [sflag:s17], $0x3E80  }
0x52: {  	[sflag:s17] =	ssyncset.done $0x0  }
0x53: {  	s29 =	simm.s32 $0x1500;
	[sflag:s17] =	ssyncadd.s32 $0xFFFFC180  }
0x54: {  	[spmem:s2] =	stream.indirect.scatter.add.f32 [tilespmem:s16], [sflag:$0x3], $0x80, s29, s20, $0xb8;
	[tilespmem:$0x1E080] =	vst v63  }
0x55: {  	_ =	swait.ge [sflag:s25], $0x3E80  }
0x56: {  	[sflag:s25] =	ssyncset.done $0x0  }
0x57: {  	s30 =	simm.s32 $0x180;
	s29 =	simm.s32 $0xFFFFB800;
	[sflag:s25] =	ssyncadd.s32 $0xFFFFC180  }
.LBB2_4:
0x58: {  	[tilespmem:s22], [sflag:$0x2] =	stream.indirect.gather [hbm4b:s1+s20], $0x80, s30, s20, $0xb8;
	[tilespmem:$0x1E080] =	vst v63  }
0x59: {  	s30 =	smov.u32 s29  }
0x5a: {  	p0 =	sne.s32 s29, $0xFFFFFC00;
	s29 =	sadd.s32 $0x400, s29;
	_ =	swait.ge [sflag:s23], $0x3E80  }
0x5b: {  	s30 =	sshra.s32 s30, $0x2;
	[sflag:s23] =	ssyncset.done $0x0  }
0x5c: {  	s31 =	sadd.s32 $0x2780, s30;
	[sflag:s23] =	ssyncadd.s32 $0xFFFFC180  }
0x5d: {  	[spmem:s2] =	stream.indirect.scatter.add.f32 [tilespmem:s22], [sflag:$0x4], $0x80, s31, s20, $0xb8;
	[tilespmem:$0x1E080] =	vst v63  }
0x5e: {  	_ =	swait.ge [sflag:s24], $0x3E80  }
0x5f: {  	[sflag:s24] =	ssyncset.done $0x0  }
0x60: {  	s31 =	sadd.s32 $0x1400, s30;
	[sflag:s24] =	ssyncadd.s32 $0xFFFFC180  }
0x61: {  	[tilespmem:s16], [sflag:$0x1] =	stream.indirect.gather [hbm4b:s1+s20], $0x80, s31, s20, $0xb8;
	[tilespmem:$0x1E080] =	vst v63  }
0x62: {  	_ =	swait.ge [sflag:s17], $0x3E80  }
0x63: {  	[sflag:s17] =	ssyncset.done $0x0  }
.Ltmp1:
0x64: {  	s31 =	sadd.s32 $0x2800, s30;
	[sflag:s17] =	ssyncadd.s32 $0xFFFFC180;
	(pc) =	sbr.rel @p0 .LBB2_4-.Ltmp1, $4  }
0x65: {  	[spmem:s2] =	stream.indirect.scatter.add.f32 [tilespmem:s16], [sflag:$0x3], $0x80, s31, s20, $0xb8;
	[tilespmem:$0x1E080] =	vst v63  }
0x66: {  	_ =	swait.ge [sflag:s25], $0x3E80  }
0x67: {  	[sflag:s25] =	ssyncset.done $0x0  }
0x68: {  	s30 =	sadd.s32 $0x1480, s30;
	[sflag:s25] =	ssyncadd.s32 $0xFFFFC180  }
0x69: {  	[tilespmem:s22], [sflag:$0x2] =	stream.indirect.gather [hbm4b:s1+s20], $0x80, s30, s20, $0xb8;
	[tilespmem:$0x1E080] =	vst v63  }
0x6a: {  	_ =	swait.ge [sflag:s23], $0x3E80  }
0x6b: {  	[sflag:s23] =	ssyncset.done $0x0  }
0x6c: {  	[sflag:s23] =	ssyncadd.s32 $0xFFFFC180  }
0x6d: {  	[spmem:s2] =	stream.indirect.scatter.add.f32 [tilespmem:s22], [sflag:$0x4], $0x80, s26, s20, $0xb8;
	[tilespmem:$0x1E080] =	vst v63  }
0x6e: {  	_ =	swait.ge [sflag:s24], $0x3E80  }
0x6f: {  	[sflag:s24] =	ssyncset.done $0x0  }
0x70: {  	[sflag:s24] =	ssyncadd.s32 $0xFFFFC180  }
0x71: {  	_ =	swait.ge [sflag:s25], $0x3E80  }
0x72: {  	[sflag:s25] =	ssyncset.done $0x0  }
0x73: {  	[sflag:s25] =	ssyncadd.s32 $0xFFFFC180  }
0x74: {  	[tilespmem:s4], [sflag:$0x5] =	stream.linear.gather [hbm4b:s12+s4], $0x1400, $0x38;
	[tilespmem:$0x1E080] =	vst v63  }
0x75: {  	_ =	swait.ge [sflag:s18], $0x1400  }
0x76: {  	[sflag:s18] =	ssyncset.done $0x0  }
0x77: {  	[sflag:s18] =	ssyncadd.s32 $0xFFFFEC00  }
0x78: {  	[tilespmem:s19], [sflag:$0x5] =	stream.linear.gather [hbm4b:s13+s4], $0x1400, $0x38;
	[tilespmem:$0x1E080] =	vst v63  }
0x79: {  	_ =	swait.ge [sflag:s18], $0x1400  }
0x7a: {  	[sflag:s18] =	ssyncset.done $0x0  }
0x7b: {  	[sflag:s18] =	ssyncadd.s32 $0xFFFFEC00  }
0x7c: {  	[tilespmem:s16], [sflag:$0x1] =	stream.indirect.gather [hbm4b:s1+s20], $0x80, s4, s20, $0xb8;
	[tilespmem:$0x1E080] =	vst v63  }
0x7d: {  	_ =	swait.ge [sflag:s17], $0x3E80  }
0x7e: {  	[sflag:s17] =	ssyncset.done $0x0  }
0x7f: {  	[sflag:s17] =	ssyncadd.s32 $0xFFFFC180  }
0x80: {  	[spmem:s2] =	stream.indirect.scatter.add.f32 [tilespmem:s16], [sflag:$0x3], $0x80, s19, s20, $0xb8;
	[tilespmem:$0x1E080] =	vst v63  }
0x81: {  	_ = 	snop  }
0x82: {  	[tilespmem:s22], [sflag:$0x2] =	stream.indirect.gather [hbm4b:s1+s20], $0x80, s21, s20, $0xb8;
	[tilespmem:$0x1E080] =	vst v63  }
0x83: {  	_ =	swait.ge [sflag:s23], $0x3E80  }
0x84: {  	[sflag:s23] =	ssyncset.done $0x0  }
0x85: {  	s29 =	simm.s32 $0x1480;
	[sflag:s23] =	ssyncadd.s32 $0xFFFFC180  }
0x86: {  	[spmem:s2] =	stream.indirect.scatter.add.f32 [tilespmem:s22], [sflag:$0x4], $0x80, s29, s20, $0xb8;
	[tilespmem:$0x1E080] =	vst v63  }
0x87: {  	_ =	swait.ge [sflag:s24], $0x3E80  }
0x88: {  	[sflag:s24] =	ssyncset.done $0x0  }
0x89: {  	s29 =	simm.s32 $0x100;
	[sflag:s24] =	ssyncadd.s32 $0xFFFFC180  }
0x8a: {  	[tilespmem:s16], [sflag:$0x1] =	stream.indirect.gather [hbm4b:s1+s20], $0x80, s29, s20, $0xb8;
	[tilespmem:$0x1E080] =	vst v63  }
0x8b: {  	_ =	swait.ge [sflag:s17], $0x3E80  }
0x8c: {  	[sflag:s17] =	ssyncset.done $0x0  }
0x8d: {  	s29 =	simm.s32 $0x1500;
	[sflag:s17] =	ssyncadd.s32 $0xFFFFC180  }
0x8e: {  	[spmem:s2] =	stream.indirect.scatter.add.f32 [tilespmem:s16], [sflag:$0x3], $0x80, s29, s20, $0xb8;
	[tilespmem:$0x1E080] =	vst v63  }
0x8f: {  	_ =	swait.ge [sflag:s25], $0x3E80  }
0x90: {  	[sflag:s25] =	ssyncset.done $0x0  }
0x91: {  	s30 =	simm.s32 $0x180;
	s29 =	simm.s32 $0xFFFFB800;
	[sflag:s25] =	ssyncadd.s32 $0xFFFFC180  }
.LBB2_6:
0x92: {  	[tilespmem:s22], [sflag:$0x2] =	stream.indirect.gather [hbm4b:s1+s20], $0x80, s30, s20, $0xb8;
	[tilespmem:$0x1E080] =	vst v63  }
0x93: {  	s30 =	smov.u32 s29  }
0x94: {  	p0 =	sne.s32 s29, $0xFFFFFC00;
	s29 =	sadd.s32 $0x400, s29;
	_ =	swait.ge [sflag:s23], $0x3E80  }
0x95: {  	s30 =	sshra.s32 s30, $0x2;
	[sflag:s23] =	ssyncset.done $0x0  }
0x96: {  	s31 =	sadd.s32 $0x2780, s30;
	[sflag:s23] =	ssyncadd.s32 $0xFFFFC180  }
0x97: {  	[spmem:s2] =	stream.indirect.scatter.add.f32 [tilespmem:s22], [sflag:$0x4], $0x80, s31, s20, $0xb8;
	[tilespmem:$0x1E080] =	vst v63  }
0x98: {  	_ =	swait.ge [sflag:s24], $0x3E80  }
0x99: {  	[sflag:s24] =	ssyncset.done $0x0  }
0x9a: {  	s31 =	sadd.s32 $0x1400, s30;
	[sflag:s24] =	ssyncadd.s32 $0xFFFFC180  }
0x9b: {  	[tilespmem:s16], [sflag:$0x1] =	stream.indirect.gather [hbm4b:s1+s20], $0x80, s31, s20, $0xb8;
	[tilespmem:$0x1E080] =	vst v63  }
0x9c: {  	_ =	swait.ge [sflag:s17], $0x3E80  }
0x9d: {  	[sflag:s17] =	ssyncset.done $0x0  }
.Ltmp2:
0x9e: {  	s31 =	sadd.s32 $0x2800, s30;
	[sflag:s17] =	ssyncadd.s32 $0xFFFFC180;
	(pc) =	sbr.rel @p0 .LBB2_6-.Ltmp2, $4  }
0x9f: {  	[spmem:s2] =	stream.indirect.scatter.add.f32 [tilespmem:s16], [sflag:$0x3], $0x80, s31, s20, $0xb8;
	[tilespmem:$0x1E080] =	vst v63  }
0xa0: {  	_ =	swait.ge [sflag:s25], $0x3E80  }
0xa1: {  	[sflag:s25] =	ssyncset.done $0x0  }
0xa2: {  	s30 =	sadd.s32 $0x1480, s30;
	[sflag:s25] =	ssyncadd.s32 $0xFFFFC180  }
0xa3: {  	[tilespmem:s22], [sflag:$0x2] =	stream.indirect.gather [hbm4b:s1+s20], $0x80, s30, s20, $0xb8;
	[tilespmem:$0x1E080] =	vst v63  }
0xa4: {  	_ =	swait.ge [sflag:s23], $0x3E80  }
0xa5: {  	[sflag:s23] =	ssyncset.done $0x0  }
0xa6: {  	[sflag:s23] =	ssyncadd.s32 $0xFFFFC180  }
0xa7: {  	[spmem:s2] =	stream.indirect.scatter.add.f32 [tilespmem:s22], [sflag:$0x4], $0x80, s26, s20, $0xb8;
	[tilespmem:$0x1E080] =	vst v63  }
0xa8: {  	_ =	swait.ge [sflag:s24], $0x3E80  }
0xa9: {  	[sflag:s24] =	ssyncset.done $0x0  }
0xaa: {  	[sflag:s24] =	ssyncadd.s32 $0xFFFFC180  }
0xab: {  	_ =	swait.ge [sflag:s25], $0x3E80  }
0xac: {  	s29 =	sshll.u32 s3, $0x6;
	s28 =	sadd.s32 $0x1, s28;
	[sflag:s25] =	ssyncset.done $0x0  }
0xad: {  	s31 =	sshrl.u32 s5, $0x3;
	p0 =	sne.s32 s28, s15;
	[sflag:s25] =	ssyncadd.s32 $0xFFFFC180  }
.Ltmp3:
0xae: {  	s29 =	sor.u32 $0x1C01, s29;
	[bflag:$0x0] =	sbarrier.arrive $0xFFFF;
	(pc) =	sbr.rel @p0 .LBB2_1-.Ltmp3, $4  }
0xaf: {  	[hbm:s14], [sflag:s29] =	dma.local [spmem:s31], $0x2710  }
0xb0: {  	_ =	swait.ge [sflag:s17], $0x2710  }
0xb1: {  	[sflag:s17] =	ssyncset.done $0x0  }
0xb2: {  	[sflag:s17] =	ssyncadd.s32 $0xFFFFD8F0  }
0xb3: {  	_ =	sfence.sel $0x180000  }
0xb4: {  	[bflag:$0x0] =	sbarrier.arrive $0xFFFF  }
0xb5: {  	p0 =	sne.s32 s3, $0x0;
	_ =	strace $0x9000004A  }
0xb6: {  	s0 =	sadd.s32 @!p0 $0x100000, s0;
	[bflag:$0x2] =	sbarrier.arrive $0xFFFF  }
0xb7: {  	[sflag:s0] =	ssyncadd.tile.s32 @!p0 $0x1;
	_ =	shalt  }
.Lfunc_end2:
_tile_overlayer_lowered:
.L_overlay_start_2:
0xb8: {  	(tag) =	ssettag $0x2  }
0xb9: {  	s0 =	rddreg [dreg:$0x0];
	s2 =	stileid.u32  }
0xba: {  	s1 =	rddreg [dreg:$0x1];
	p0 =	sne.s32 s2, $0x0  }
0xbb: {  	s3 =	rddreg [dreg:$0x2];
	[bflag:$0x3] =	sbarrier.arrive $0xFFFF;
	s2 =	simm.s32 @!p0 $0x1C01  }
0xbc: {  	[timem:s3], [sflag:s2] =	dma.local @!p0 [hbm:s0], s1  }
0xbd: {  	s0 =	simm.s32 @!p0 $0x1  }
0xbe: {  	_ =	swait.ge @!p0 [sflag:s0], s1  }
0xbf: {  	s1 =	ssub.s32 @!p0 $0x0, s1;
	[sflag:s0] =	ssyncset.done @!p0 $0x0  }
0xc0: {  	[sflag:s0] =	ssyncadd.s32 @!p0 s1  }
0xc1: {  	[bflag:$0x3] =	sbarrier.arrive $0xFFFF  }
0xc2: {  	_ =	shalt  }

// kernel: kernel.14.cloned.1.call-start
scs
__scs_entry_jumppad:
0x0: {  	(pc) =	sbr.rel $0x88, $3  }
0x1: {  	(tag) =	ssettag $0x0;
	lr =	simm.s32 $0x1  }
0x2: {  	[smem:$0x3F97] =	sst lr;
	_ =	strace $0xD0000000  }
0x3: {  	_ = 	snop  }
0x4: {  	_ = 	snop  }
0x5: {  	_ = 	snop  }
0x6: {  	_ = 	snop  }
0x7: {  	_ = 	snop  }
__scs_overlays_trampoline_lowered:
0x8: {  	[smem:$0x3FA6] =	sst s0  }
0x9: {  	[smem:$0x3FA7] =	sst s1  }
0xa: {  	[smem:$0x3FA8] =	sst s2  }
0xb: {  	[smem:$0x3FA9] =	sst s3  }
0xc: {  	[smem:$0x3FAA] =	sst s4  }
0xd: {  	[smem:$0x3FAB] =	sst s5  }
0xe: {  	[smem:$0x3FAC] =	sst s6  }
0xf: {  	[smem:$0x3FAD] =	sst s7  }
0x10: {  	[smem:$0x3FAE] =	sst s8  }
0x11: {  	[smem:$0x3FAF] =	sst s9;
	s0 =	simm.s32 @!p0 $0x0  }
0x12: {  	s1 =	sld [smem:$0x3F95];
	s0 =	simm.s32 @p0 $0x1  }
0x13: {  	[smem:$0x3FB0] =	sst s0;
	s0 =	simm.s32 @!p1 $0x0  }
0x14: {  	s2 =	sld [smem:$0x3F94];
	s0 =	simm.s32 @p1 $0x1  }
0x15: {  	[smem:$0x3FB1] =	sst s0;
	s0 =	simm.s32 @!p2 $0x0  }
0x16: {  	s3 =	sld [smem:$0x3FDB];
	s0 =	simm.s32 @p2 $0x1  }
0x17: {  	s4 =	simm.s32 $0x1BF5;
	[smem:$0x3FB3] =	sst s0  }
0x18: {  	s0 =	sld [smem:$0x3F96];
	_ =	swait.ge [sflag:s4], $0x0  }
0x19: {  	s7 =	sld [smem:$0x3F97]  }
0x1a: {  	s8 =	sadd.s32 $0xFFFFE003, lr  }
0x1b: {  	s9 =	sadd.s32 $0xFFFFFEF7, lr;
	s5 =	simm.s32 $0xFFFFFFFF;
	p2 =	slt.u32 s8, $0xFFFFF086  }
0x1c: {  	p1 =	slt.u32 s9, $0xF7A;
	s5 =	simm.s32 @!p2 $0x0  }
0x1d: {  	s5 =	simm.s32 @p1 $0x1;
	p0 =	seq.s32 s7, s2  }
0x1e: {  	s7 =	smul.u32 @!p0 $0xF7A, s2;
	p2 =	seq.s32 @!p0 s5, $0x0  }
0x1f: {  	s9 =	smul.u32 $0xF7A, s1;
	s8 =	simm.s32 @!p0 $0x1BF5;
	p2 =	por !p2, p0  }
0x20: {  	[sflag:s8] =	ssyncset.s32 @!p0 $0xFFFFF086;
	s6 =	sadd.s32 @!p0 s3, s7;
	s7 =	simm.s32 @!p0 $0x108  }
0x21: {  	s3 =	sadd.s32 s3, s9;
	s6 =	sadd.s32 @!p0 $0x88, s6;
	s7 =	simm.s32 @p2 $0x1082  }
0x22: {  	[simem:s7], [sflag:s8] =	dma.local @!p0 [hbm:s6], $0xF7A  }
0x23: {  	s9 =	sor.u32 $0xD0000000, s2;
	s6 =	simm.s32 $0x108;
	_ =	swait.ge @!p0 [sflag:s8], $0x0  }
0x24: {  	s3 =	sadd.s32 $0x88, s3;
	s6 =	simm.s32 @!p1 $0x1082;
	[sflag:s4] =	ssyncset.s32 $0xFFFFF086  }
0x25: {  	[simem:s6], [sflag:s4] =	dma.local [hbm:s3], $0xF7A  }
0x26: {  	[smem:$0x3F97] =	sst s1;
	(tag) =	ssettag s2;
	_ =	strace s9  }
0x27: {  	s1 =	sld [smem:$0x3FA7]  }
0x28: {  	s2 =	sld [smem:$0x3FA8]  }
0x29: {  	s4 =	sld [smem:$0x3FAA]  }
0x2a: {  	p0 =	seq.s32 s5, $0x0;
	s5 =	sld [smem:$0x3FAB]  }
0x2b: {  	s6 =	sld [smem:$0x3FAC]  }
0x2c: {  	s7 =	sld [smem:$0x3FAD]  }
0x2d: {  	s3 =	simm.s32 $0x108;
	s8 =	sld [smem:$0x3FAE]  }
0x2e: {  	s3 =	simm.s32 @!p0 $0x1082;
	s9 =	sld [smem:$0x3FAF]  }
0x2f: {  	lr =	sadd.s32 s0, s3;
	s0 =	sld [smem:$0x3FA6]  }
0x30: {  	s3 =	sld [smem:$0x3FA9]  }
0x31: {  	[smem:$0x3FB2] =	sst s10  }
0x32: {  	s10 =	sld [smem:$0x3FB0];
	_ =	sdelay $0x3  }
0x33: {  	p0 =	seq.s32 s10, $0x1;
	s10 =	sld [smem:$0x3FB2];
	_ =	sdelay $0x3  }
0x34: {  	[smem:$0x3FB2] =	sst s10  }
0x35: {  	s10 =	sld [smem:$0x3FB1];
	_ =	sdelay $0x3  }
0x36: {  	p1 =	seq.s32 s10, $0x1;
	s10 =	sld [smem:$0x3FB2];
	_ =	sdelay $0x3  }
0x37: {  	[smem:$0x3FB2] =	sst s10  }
0x38: {  	s10 =	sld [smem:$0x3FB3]  }
0x39: {  	_ = 	snop;
	(pc) =	sbr.ind lr, $3  }
0x3a: {  	_ = 	snop  }
0x3b: {  	_ = 	snop  }
0x3c: {  	p2 =	seq.s32 s10, $0x1;
	s10 =	sld [smem:$0x3FB2]  }
0x3d: {  	_ =	shalt  }
0x3e: {  	_ =	shalt  }
0x3f: {  	_ =	shalt  }
0x40: {  	_ =	shalt  }
0x41: {  	_ =	shalt  }
0x42: {  	_ =	shalt  }
0x43: {  	_ =	shalt  }
0x44: {  	_ =	shalt  }
0x45: {  	_ =	shalt  }
0x46: {  	_ =	shalt  }
0x47: {  	_ =	shalt  }
0x48: {  	_ =	shalt  }
0x49: {  	_ =	shalt  }
0x4a: {  	_ =	shalt  }
0x4b: {  	_ =	shalt  }
0x4c: {  	_ =	shalt  }
0x4d: {  	_ =	shalt  }
0x4e: {  	_ =	shalt  }
0x4f: {  	_ =	shalt  }
0x50: {  	_ =	shalt  }
0x51: {  	_ =	shalt  }
0x52: {  	_ =	shalt  }
0x53: {  	_ =	shalt  }
0x54: {  	_ =	shalt  }
0x55: {  	_ =	shalt  }
0x56: {  	_ =	shalt  }
0x57: {  	_ =	shalt  }
0x58: {  	_ =	shalt  }
0x59: {  	_ =	shalt  }
0x5a: {  	_ =	shalt  }
0x5b: {  	_ =	shalt  }
0x5c: {  	_ =	shalt  }
0x5d: {  	_ =	shalt  }
0x5e: {  	_ =	shalt  }
0x5f: {  	_ =	shalt  }
0x60: {  	_ =	shalt  }
0x61: {  	_ =	shalt  }
0x62: {  	_ =	shalt  }
0x63: {  	_ =	shalt  }
0x64: {  	_ =	shalt  }
0x65: {  	_ =	shalt  }
0x66: {  	_ =	shalt  }
0x67: {  	_ =	shalt  }
0x68: {  	_ =	shalt  }
0x69: {  	_ =	shalt  }
0x6a: {  	_ =	shalt  }
0x6b: {  	_ =	shalt  }
0x6c: {  	_ =	shalt  }
0x6d: {  	_ =	shalt  }
0x6e: {  	_ =	shalt  }
0x6f: {  	_ =	shalt  }
0x70: {  	_ =	shalt  }
0x71: {  	_ =	shalt  }
0x72: {  	_ =	shalt  }
0x73: {  	_ =	shalt  }
0x74: {  	_ =	shalt  }
0x75: {  	_ =	shalt  }
0x76: {  	_ =	shalt  }
0x77: {  	_ =	shalt  }
0x78: {  	_ =	shalt  }
0x79: {  	_ =	shalt  }
0x7a: {  	_ =	shalt  }
0x7b: {  	_ =	shalt  }
0x7c: {  	_ =	shalt  }
0x7d: {  	_ =	shalt  }
0x7e: {  	_ =	shalt  }
0x7f: {  	_ =	shalt  }
0x80: {  	_ =	shalt  }
0x81: {  	_ =	shalt  }
0x82: {  	_ =	shalt  }
0x83: {  	_ =	shalt  }
0x84: {  	_ =	shalt  }
0x85: {  	_ =	shalt  }
0x86: {  	_ =	shalt  }
0x87: {  	_ =	shalt  }
.Lfunc_end0:
.L_simem_size_0:
called_computation.2_lowered:
.L_overlay_start_0:
0x88: {  	s2 =	sld [smem:$0x3FD9]  }
0x89: {  	s3 =	sld [smem:$0x3FFE];
	_ =	sdelay $0x1  }
0x8a: {  	s1 =	srdreg.scid  }
0x8b: {  	s0 =	sand.u32 $0x1, s1  }
0x8c: {  	s17 =	sshll.u32 s0, $0xA;
	s2 =	sadd.s32 s3, s2  }
0x8d: {  	s2 =	sadd.s32 s2, s17  }
0x8e: {  	[smem:$0x3FBE] =	sst s2  }
0x8f: {  	_ = 	snop  }
0x90: {  	s2 =	sld [smem:$0x3FD0];
	(tm) =	ssettm $0x1  }
0x91: {  	s18 =	sld [smem:$0x3FFB];
	_ =	sdelay $0x3  }
0x92: {  	_ =	strace s18  }
0x93: {  	s3 =	sld [smem:$0x3FFC];
	_ =	sdelay $0x3  }
0x94: {  	_ =	strace s3  }
0x95: {  	s3 =	sld [smem:$0x3FFD];
	_ =	sdelay $0x3  }
0x96: {  	_ =	strace s3  }
0x97: {  	_ =	strace $0x8FFFFFFF  }
0x98: {  	s19 =	sld [smem:$0x3FDB];
	_ =	sdelay $0x1  }
0x99: {  	s4 =	simm.s32 $_scs_section_size  }
0x9a: {  	s5 =	simm.s32 $_size__tile_overlayer_lowered;
	s6 =	simm.s32 $_tile_overlayer_lowered  }
0x9b: {  	s22 =	simm.s32 $0x1BFF;
	s21 =	sshll.u32 s6, $0x1;
	s3 =	sadd.s32 s4, s19  }
0x9c: {  	s7 =	simm.s32 $0x0;
	s20 =	sshll.u32 s5, $0x1;
	s5 =	sadd.s32 s21, s3  }
0x9d: {  	[timem:s7], [sflag:s22] =	dma.local [hbm:s5], s20  }
0x9e: {  	_ =	swait.ge [sflag:s22], s20  }
0x9f: {  	s4 =	ssub.s32 $0x0, s20;
	[sflag:s22] =	ssyncset.done $0x0  }
0xa0: {  	[sflag:s22] =	ssyncadd.s32 s4;
	_ =	sdelay $0x1  }
0xa1: {  	s23 =	simm.s32 $0x1B8B  }
0xa2: {  	_ =	swait.ge [sflag:s23], $0x1  }
0xa3: {  	[sflag:s23] =	ssyncset.done $0x0  }
0xa4: {  	s25 =	simm.s32 $0x1B8E;
	s24 =	sld [smem:$0x3FFE];
	[sflag:s23] =	ssyncadd.s32 $0xFFFFFFFF  }
0xa5: {  	s26 =	simm.s32 $execute0_lowered;
	[smem:$0x3FD2] =	sst s25  }
0xa6: {  	s5 =	sshll.u32 s26, $0x1;
	_ =	strace $0x8000004C;
	[dreg:$0x1] =	wrdreg $0xFFFFFFFF  }
0xa7: {  	s28 =	simm.s32 $_size_execute0_lowered;
	s3 =	sadd.s32 s3, s5;
	[dreg:$0x0] =	wrdreg $0x0  }
0xa8: {  	s5 =	sshll.u32 s28, $0x1;
	[dreg:$0x2] =	wrdreg s3  }
0xa9: {  	[dreg:$0x3] =	wrdreg s5  }
0xaa: {  	[dreg:$0x4] =	wrdreg $0xC0  }
0xab: {  	_ =	task [dreg:s7], $0x5FFFF  }
0xac: {  	[dreg:$0x1] =	wrdreg $0xFFFFFFFF  }
0xad: {  	[dreg:$0x0] =	wrdreg $0x60  }
0xae: {  	[dreg:$0x2] =	wrdreg s2  }
0xaf: {  	[dreg:$0x3] =	wrdreg s24  }
0xb0: {  	[dreg:$0x4] =	wrdreg $0xA8000  }
0xb1: {  	[dreg:$0x5] =	wrdreg $0x9  }
0xb2: {  	_ =	task.clear_ibuf [dreg:s7], $0x6FFFF;
	_ =	strace $0x9000004C  }
0xb3: {  	s29 =	simm.s32 $0x9;
	_ =	strace $0x8000004E  }
0xb4: {  	_ =	swait.ge [sflag:s29], $0x1  }
0xb5: {  	[sflag:s29] =	ssyncadd.s32 $0xFFFFFFFF  }
0xb6: {  	_ =	strace $0x9000004E  }
0xb7: {  	_ =	sfence  }
0xb8: {  	s30 =	sld [smem:$0x0];
	_ =	sdelay $0x2  }
0xb9: {  	s31 =	sshll.u32 s1, $0xD;
	s1 =	sshrl.u32 s1, $0x2  }
0xba: {  	s3 =	sand.u32 $0x4000, s31;
	s1 =	sadd.s32 s1, s30  }
0xbb: {  	s0 =	sor.u32 s3, s0;
	s1 =	sshll.u32 s1, $0x11  }
0xbc: {  	s0 =	sor.u32 s1, s0  }
0xbd: {  	s0 =	sadd.s32 $0x8F2B, s0  }
0xbe: {  	[sflag:s0] =	ssyncadd.remote.s32 $0x1  }
0xbf: {  	_ =	sfence.sel $0xFFFF  }
0xc0: {  	[dreg:$0x0] =	wrdreg $0xFFFFFFFF;
	(pc) =	sbr.abs _section_cstart, $3  }
0xc1: {  	[dreg:$0x1] =	wrdreg $0xFFFFFFFF  }
0xc2: {  	_ =	task.clear_ibuf [dreg:s7], $0x2FFFF;
	_ =	strace $0x9FFFFFFF  }
0xc3: {  	(tm) =	ssettm $0x7FFFFFFF  }
tec
execute0_lowered:
.L_overlay_start_1:
0x0: {  	(tag) =	ssettag $0x1  }
0x1: {  	s1 =	rddreg [dreg:$0x0]  }
0x2: {  	s5 =	rddreg [dreg:$0x1]  }
0x3: {  	s2 =	rddreg [dreg:$0x2]  }
0x4: {  	s3 =	srdreg.scid;
	s0 =	rddreg [dreg:$0x3]  }
0x5: {  	s4 =	simm.s32 $0x0;
	s17 =	simm.s32 $0x1;
	s18 =	simm.s32 $0x5  }
0x6: {  	s19 =	simm.s32 $0x1400;
	s20 =	simm.s32 $0x7D;
	s21 =	simm.s32 $0x80  }
0x7: {  	s22 =	simm.s32 $0x6800;
	s23 =	simm.s32 $0x2;
	s24 =	simm.s32 $0x3  }
0x8: {  	s25 =	simm.s32 $0x4;
	s26 =	simm.s32 $0x2780;
	s6 =	sand.u32 $0x1, s3  }
0x9: {  	s28 =	simm.s32 $0x0;
	s3 =	stileid.u32;
	s7 =	smul.u32 $0x13C000, s6  }
0xa: {  	[smem:$0x7FF] =	sst s4;
	s12 =	sadd.s32 $0x5C400, s5;
	s8 =	smul.u32 $0x13C00, s3  }
0xb: {  	s13 =	sadd.s32 $0x3400, s5;
	s30 =	sshll.u32 s3, $0x1;
	s9 =	smul.u32 $0x4E200, s3  }
0xc: {  	_ =	strace $0x8000004D;
	s10 =	ssub.s32 $0x2, s6;
	s6 =	sor.u32 s6, s30  }
0xd: {  	s31 =	sshrl.u32 s10, $0x1;
	s7 =	sadd.s32 s8, s7;
	s9 =	sshrl.u32 s9, $0x2  }
0xe: {  	s11 =	smul.u32 $0x2800, s6;
	s15 =	ssub.s32 s10, s31;
	s7 =	sshrl.u32 s7, $0x3  }
0xf: {  	s15 =	smax.u32 s15, $0x1;
	s14 =	sadd.s32 s7, s5;
	s5 =	sadd.s32 s9, s2  }
0x10: {  	s11 =	sshrl.u32 s11, $0x3;
	s6 =	sadd.s32 $0x3E80, s5;
	s7 =	sadd.s32 $0x7D00, s5  }
0x11: {  	s8 =	sadd.s32 $0xBB80, s5;
	s9 =	sadd.s32 $0xFA00, s5;
	s16 =	sadd.s32 $0x280, s11  }
0x12: {  	s10 =	sadd.s32 s12, s11;
	s11 =	sadd.s32 s13, s11;
	s14 =	sadd.s32 $0xD400, s14  }
0x13: {  	v0 =	vimm.f32 $0.0e+00;
	s12 =	sadd.s32 s12, s16;
	s13 =	sadd.s32 s13, s16;
	s16 =	simm.s32 $0x2800  }
.LBB2_1:
0x14: {  	s29 =	simm.s32 $0x0;
	s30 =	simm.s32 $0x200  }
.LBB2_2:
0x15: {  	p0 =	sne.s32 s30, $0xF800;
	[tilespmem:s29+$0x2870] =	vst v0  }
0x16: {  	[tilespmem:s29+$0x2800] =	vst v0  }
0x17: {  	[tilespmem:s29+$0x2810] =	vst v0  }
.Ltmp0:
0x18: {  	[tilespmem:s29+$0x2820] =	vst v0;
	(pc) =	sbr.rel @p0 .LBB2_2-.Ltmp0, $4  }
0x19: {  	[tilespmem:s29+$0x2830] =	vst v0  }
0x1a: {  	[tilespmem:s29+$0x2840] =	vst v0  }
0x1b: {  	[tilespmem:s29+$0x2850] =	vst v0  }
0x1c: {  	[tilespmem:s29+$0x2860] =	vst v0;
	s29 =	sshra.s32 s30, $0x2;
	s30 =	sadd.s32 $0x200, s30  }
0x1d: {  	[tilespmem:s29+$0x2870] =	vst v0  }
0x1e: {  	[tilespmem:s29+$0x2800] =	vst v0  }
0x1f: {  	[tilespmem:s29+$0x2810] =	vst v0  }
0x20: {  	[tilespmem:s29+$0x2820] =	vst v0  }
0x21: {  	[tilespmem:s29+$0x2830] =	vst v0  }
0x22: {  	[tilespmem:s29+$0x2840] =	vst v0  }
0x23: {  	[tilespmem:s29+$0x2850] =	vst v0  }
0x24: {  	[tilespmem:s29+$0x2860] =	vst v0  }
0x25: {  	[spmem:s5] =	stream.linear.scatter [tilespmem:s16], [sflag:$0x1], $0x3E80, $0x38;
	[tilespmem:$0x1E080] =	vst v63  }
0x26: {  	_ =	swait.ge [sflag:s17], $0x3E80  }
0x27: {  	[sflag:s17] =	ssyncset.done $0x0  }
0x28: {  	[sflag:s17] =	ssyncadd.s32 $0xFFFFC180  }
0x29: {  	[spmem:s6] =	stream.linear.scatter [tilespmem:s16], [sflag:$0x1], $0x3E80, $0x38;
	[tilespmem:$0x1E080] =	vst v63  }
0x2a: {  	_ =	swait.ge [sflag:s17], $0x3E80  }
0x2b: {  	[sflag:s17] =	ssyncset.done $0x0  }
0x2c: {  	[sflag:s17] =	ssyncadd.s32 $0xFFFFC180  }
0x2d: {  	[spmem:s7] =	stream.linear.scatter [tilespmem:s16], [sflag:$0x1], $0x3E80, $0x38;
	[tilespmem:$0x1E080] =	vst v63  }
0x2e: {  	_ =	swait.ge [sflag:s17], $0x3E80  }
0x2f: {  	[sflag:s17] =	ssyncset.done $0x0  }
0x30: {  	[sflag:s17] =	ssyncadd.s32 $0xFFFFC180  }
0x31: {  	[spmem:s8] =	stream.linear.scatter [tilespmem:s16], [sflag:$0x1], $0x3E80, $0x38;
	[tilespmem:$0x1E080] =	vst v63  }
0x32: {  	_ =	swait.ge [sflag:s17], $0x3E80  }
0x33: {  	[sflag:s17] =	ssyncset.done $0x0  }
0x34: {  	[sflag:s17] =	ssyncadd.s32 $0xFFFFC180  }
0x35: {  	[spmem:s9] =	stream.linear.scatter [tilespmem:s16], [sflag:$0x1], $0x3E80, $0x38;
	[tilespmem:$0x1E080] =	vst v63  }
0x36: {  	_ =	swait.ge [sflag:s17], $0x3E80  }
0x37: {  	[sflag:s17] =	ssyncset.done $0x0  }
0x38: {  	[sflag:s17] =	ssyncadd.s32 $0xFFFFC180  }
0x39: {  	[bflag:$0x0] =	sbarrier.arrive $0xFFFF  }
0x3a: {  	[tilespmem:s4], [sflag:$0x5] =	stream.linear.gather [hbm4b:s10+s4], $0x1400, $0x38;
	[tilespmem:$0x1E080] =	vst v63  }
0x3b: {  	_ =	swait.ge [sflag:s18], $0x1400  }
0x3c: {  	[sflag:s18] =	ssyncset.done $0x0  }
0x3d: {  	[sflag:s18] =	ssyncadd.s32 $0xFFFFEC00  }
0x3e: {  	[tilespmem:s19], [sflag:$0x5] =	stream.linear.gather [hbm4b:s11+s4], $0x1400, $0x38;
	[tilespmem:$0x1E080] =	vst v63  }
0x3f: {  	_ =	swait.ge [sflag:s18], $0x1400  }
0x40: {  	[sflag:s18] =	ssyncset.done $0x0  }
0x41: {  	[sflag:s18] =	ssyncadd.s32 $0xFFFFEC00  }
0x42: {  	[tilespmem:s16], [sflag:$0x1] =	stream.indirect.gather [hbm4b:s1+s20], $0x80, s4, s20, $0xb8;
	[tilespmem:$0x1E080] =	vst v63  }
0x43: {  	_ =	swait.ge [sflag:s17], $0x3E80  }
0x44: {  	[sflag:s17] =	ssyncset.done $0x0  }
0x45: {  	[sflag:s17] =	ssyncadd.s32 $0xFFFFC180  }
0x46: {  	[spmem:s2] =	stream.indirect.scatter.add.f32 [tilespmem:s16], [sflag:$0x3], $0x80, s19, s20, $0xb8;
	[tilespmem:$0x1E080] =	vst v63  }
0x47: {  	_ = 	snop  }
0x48: {  	[tilespmem:s22], [sflag:$0x2] =	stream.indirect.gather [hbm4b:s1+s20], $0x80, s21, s20, $0xb8;
	[tilespmem:$0x1E080] =	vst v63  }
0x49: {  	_ =	swait.ge [sflag:s23], $0x3E80  }
0x4a: {  	[sflag:s23] =	ssyncset.done $0x0  }
0x4b: {  	s29 =	simm.s32 $0x1480;
	[sflag:s23] =	ssyncadd.s32 $0xFFFFC180  }
0x4c: {  	[spmem:s2] =	stream.indirect.scatter.add.f32 [tilespmem:s22], [sflag:$0x4], $0x80, s29, s20, $0xb8;
	[tilespmem:$0x1E080] =	vst v63  }
0x4d: {  	_ =	swait.ge [sflag:s24], $0x3E80  }
0x4e: {  	[sflag:s24] =	ssyncset.done $0x0  }
0x4f: {  	s29 =	simm.s32 $0x100;
	[sflag:s24] =	ssyncadd.s32 $0xFFFFC180  }
0x50: {  	[tilespmem:s16], [sflag:$0x1] =	stream.indirect.gather [hbm4b:s1+s20], $0x80, s29, s20, $0xb8;
	[tilespmem:$0x1E080] =	vst v63  }
0x51: {  	_ =	swait.ge [sflag:s17], $0x3E80  }
0x52: {  	[sflag:s17] =	ssyncset.done $0x0  }
0x53: {  	s29 =	simm.s32 $0x1500;
	[sflag:s17] =	ssyncadd.s32 $0xFFFFC180  }
0x54: {  	[spmem:s2] =	stream.indirect.scatter.add.f32 [tilespmem:s16], [sflag:$0x3], $0x80, s29, s20, $0xb8;
	[tilespmem:$0x1E080] =	vst v63  }
0x55: {  	_ =	swait.ge [sflag:s25], $0x3E80  }
0x56: {  	[sflag:s25] =	ssyncset.done $0x0  }
0x57: {  	s30 =	simm.s32 $0x180;
	s29 =	simm.s32 $0xFFFFB800;
	[sflag:s25] =	ssyncadd.s32 $0xFFFFC180  }
.LBB2_4:
0x58: {  	[tilespmem:s22], [sflag:$0x2] =	stream.indirect.gather [hbm4b:s1+s20], $0x80, s30, s20, $0xb8;
	[tilespmem:$0x1E080] =	vst v63  }
0x59: {  	s30 =	smov.u32 s29  }
0x5a: {  	p0 =	sne.s32 s29, $0xFFFFFC00;
	s29 =	sadd.s32 $0x400, s29;
	_ =	swait.ge [sflag:s23], $0x3E80  }
0x5b: {  	s30 =	sshra.s32 s30, $0x2;
	[sflag:s23] =	ssyncset.done $0x0  }
0x5c: {  	s31 =	sadd.s32 $0x2780, s30;
	[sflag:s23] =	ssyncadd.s32 $0xFFFFC180  }
0x5d: {  	[spmem:s2] =	stream.indirect.scatter.add.f32 [tilespmem:s22], [sflag:$0x4], $0x80, s31, s20, $0xb8;
	[tilespmem:$0x1E080] =	vst v63  }
0x5e: {  	_ =	swait.ge [sflag:s24], $0x3E80  }
0x5f: {  	[sflag:s24] =	ssyncset.done $0x0  }
0x60: {  	s31 =	sadd.s32 $0x1400, s30;
	[sflag:s24] =	ssyncadd.s32 $0xFFFFC180  }
0x61: {  	[tilespmem:s16], [sflag:$0x1] =	stream.indirect.gather [hbm4b:s1+s20], $0x80, s31, s20, $0xb8;
	[tilespmem:$0x1E080] =	vst v63  }
0x62: {  	_ =	swait.ge [sflag:s17], $0x3E80  }
0x63: {  	[sflag:s17] =	ssyncset.done $0x0  }
.Ltmp1:
0x64: {  	s31 =	sadd.s32 $0x2800, s30;
	[sflag:s17] =	ssyncadd.s32 $0xFFFFC180;
	(pc) =	sbr.rel @p0 .LBB2_4-.Ltmp1, $4  }
0x65: {  	[spmem:s2] =	stream.indirect.scatter.add.f32 [tilespmem:s16], [sflag:$0x3], $0x80, s31, s20, $0xb8;
	[tilespmem:$0x1E080] =	vst v63  }
0x66: {  	_ =	swait.ge [sflag:s25], $0x3E80  }
0x67: {  	[sflag:s25] =	ssyncset.done $0x0  }
0x68: {  	s30 =	sadd.s32 $0x1480, s30;
	[sflag:s25] =	ssyncadd.s32 $0xFFFFC180  }
0x69: {  	[tilespmem:s22], [sflag:$0x2] =	stream.indirect.gather [hbm4b:s1+s20], $0x80, s30, s20, $0xb8;
	[tilespmem:$0x1E080] =	vst v63  }
0x6a: {  	_ =	swait.ge [sflag:s23], $0x3E80  }
0x6b: {  	[sflag:s23] =	ssyncset.done $0x0  }
0x6c: {  	[sflag:s23] =	ssyncadd.s32 $0xFFFFC180  }
0x6d: {  	[spmem:s2] =	stream.indirect.scatter.add.f32 [tilespmem:s22], [sflag:$0x4], $0x80, s26, s20, $0xb8;
	[tilespmem:$0x1E080] =	vst v63  }
0x6e: {  	_ =	swait.ge [sflag:s24], $0x3E80  }
0x6f: {  	[sflag:s24] =	ssyncset.done $0x0  }
0x70: {  	[sflag:s24] =	ssyncadd.s32 $0xFFFFC180  }
0x71: {  	_ =	swait.ge [sflag:s25], $0x3E80  }
0x72: {  	[sflag:s25] =	ssyncset.done $0x0  }
0x73: {  	[sflag:s25] =	ssyncadd.s32 $0xFFFFC180  }
0x74: {  	[tilespmem:s4], [sflag:$0x5] =	stream.linear.gather [hbm4b:s12+s4], $0x1400, $0x38;
	[tilespmem:$0x1E080] =	vst v63  }
0x75: {  	_ =	swait.ge [sflag:s18], $0x1400  }
0x76: {  	[sflag:s18] =	ssyncset.done $0x0  }
0x77: {  	[sflag:s18] =	ssyncadd.s32 $0xFFFFEC00  }
0x78: {  	[tilespmem:s19], [sflag:$0x5] =	stream.linear.gather [hbm4b:s13+s4], $0x1400, $0x38;
	[tilespmem:$0x1E080] =	vst v63  }
0x79: {  	_ =	swait.ge [sflag:s18], $0x1400  }
0x7a: {  	[sflag:s18] =	ssyncset.done $0x0  }
0x7b: {  	[sflag:s18] =	ssyncadd.s32 $0xFFFFEC00  }
0x7c: {  	[tilespmem:s16], [sflag:$0x1] =	stream.indirect.gather [hbm4b:s1+s20], $0x80, s4, s20, $0xb8;
	[tilespmem:$0x1E080] =	vst v63  }
0x7d: {  	_ =	swait.ge [sflag:s17], $0x3E80  }
0x7e: {  	[sflag:s17] =	ssyncset.done $0x0  }
0x7f: {  	[sflag:s17] =	ssyncadd.s32 $0xFFFFC180  }
0x80: {  	[spmem:s2] =	stream.indirect.scatter.add.f32 [tilespmem:s16], [sflag:$0x3], $0x80, s19, s20, $0xb8;
	[tilespmem:$0x1E080] =	vst v63  }
0x81: {  	_ = 	snop  }
0x82: {  	[tilespmem:s22], [sflag:$0x2] =	stream.indirect.gather [hbm4b:s1+s20], $0x80, s21, s20, $0xb8;
	[tilespmem:$0x1E080] =	vst v63  }
0x83: {  	_ =	swait.ge [sflag:s23], $0x3E80  }
0x84: {  	[sflag:s23] =	ssyncset.done $0x0  }
0x85: {  	s29 =	simm.s32 $0x1480;
	[sflag:s23] =	ssyncadd.s32 $0xFFFFC180  }
0x86: {  	[spmem:s2] =	stream.indirect.scatter.add.f32 [tilespmem:s22], [sflag:$0x4], $0x80, s29, s20, $0xb8;
	[tilespmem:$0x1E080] =	vst v63  }
0x87: {  	_ =	swait.ge [sflag:s24], $0x3E80  }
0x88: {  	[sflag:s24] =	ssyncset.done $0x0  }
0x89: {  	s29 =	simm.s32 $0x100;
	[sflag:s24] =	ssyncadd.s32 $0xFFFFC180  }
0x8a: {  	[tilespmem:s16], [sflag:$0x1] =	stream.indirect.gather [hbm4b:s1+s20], $0x80, s29, s20, $0xb8;
	[tilespmem:$0x1E080] =	vst v63  }
0x8b: {  	_ =	swait.ge [sflag:s17], $0x3E80  }
0x8c: {  	[sflag:s17] =	ssyncset.done $0x0  }
0x8d: {  	s29 =	simm.s32 $0x1500;
	[sflag:s17] =	ssyncadd.s32 $0xFFFFC180  }
0x8e: {  	[spmem:s2] =	stream.indirect.scatter.add.f32 [tilespmem:s16], [sflag:$0x3], $0x80, s29, s20, $0xb8;
	[tilespmem:$0x1E080] =	vst v63  }
0x8f: {  	_ =	swait.ge [sflag:s25], $0x3E80  }
0x90: {  	[sflag:s25] =	ssyncset.done $0x0  }
0x91: {  	s30 =	simm.s32 $0x180;
	s29 =	simm.s32 $0xFFFFB800;
	[sflag:s25] =	ssyncadd.s32 $0xFFFFC180  }
.LBB2_6:
0x92: {  	[tilespmem:s22], [sflag:$0x2] =	stream.indirect.gather [hbm4b:s1+s20], $0x80, s30, s20, $0xb8;
	[tilespmem:$0x1E080] =	vst v63  }
0x93: {  	s30 =	smov.u32 s29  }
0x94: {  	p0 =	sne.s32 s29, $0xFFFFFC00;
	s29 =	sadd.s32 $0x400, s29;
	_ =	swait.ge [sflag:s23], $0x3E80  }
0x95: {  	s30 =	sshra.s32 s30, $0x2;
	[sflag:s23] =	ssyncset.done $0x0  }
0x96: {  	s31 =	sadd.s32 $0x2780, s30;
	[sflag:s23] =	ssyncadd.s32 $0xFFFFC180  }
0x97: {  	[spmem:s2] =	stream.indirect.scatter.add.f32 [tilespmem:s22], [sflag:$0x4], $0x80, s31, s20, $0xb8;
	[tilespmem:$0x1E080] =	vst v63  }
0x98: {  	_ =	swait.ge [sflag:s24], $0x3E80  }
0x99: {  	[sflag:s24] =	ssyncset.done $0x0  }
0x9a: {  	s31 =	sadd.s32 $0x1400, s30;
	[sflag:s24] =	ssyncadd.s32 $0xFFFFC180  }
0x9b: {  	[tilespmem:s16], [sflag:$0x1] =	stream.indirect.gather [hbm4b:s1+s20], $0x80, s31, s20, $0xb8;
	[tilespmem:$0x1E080] =	vst v63  }
0x9c: {  	_ =	swait.ge [sflag:s17], $0x3E80  }
0x9d: {  	[sflag:s17] =	ssyncset.done $0x0  }
.Ltmp2:
0x9e: {  	s31 =	sadd.s32 $0x2800, s30;
	[sflag:s17] =	ssyncadd.s32 $0xFFFFC180;
	(pc) =	sbr.rel @p0 .LBB2_6-.Ltmp2, $4  }
0x9f: {  	[spmem:s2] =	stream.indirect.scatter.add.f32 [tilespmem:s16], [sflag:$0x3], $0x80, s31, s20, $0xb8;
	[tilespmem:$0x1E080] =	vst v63  }
0xa0: {  	_ =	swait.ge [sflag:s25], $0x3E80  }
0xa1: {  	[sflag:s25] =	ssyncset.done $0x0  }
0xa2: {  	s30 =	sadd.s32 $0x1480, s30;
	[sflag:s25] =	ssyncadd.s32 $0xFFFFC180  }
0xa3: {  	[tilespmem:s22], [sflag:$0x2] =	stream.indirect.gather [hbm4b:s1+s20], $0x80, s30, s20, $0xb8;
	[tilespmem:$0x1E080] =	vst v63  }
0xa4: {  	_ =	swait.ge [sflag:s23], $0x3E80  }
0xa5: {  	[sflag:s23] =	ssyncset.done $0x0  }
0xa6: {  	[sflag:s23] =	ssyncadd.s32 $0xFFFFC180  }
0xa7: {  	[spmem:s2] =	stream.indirect.scatter.add.f32 [tilespmem:s22], [sflag:$0x4], $0x80, s26, s20, $0xb8;
	[tilespmem:$0x1E080] =	vst v63  }
0xa8: {  	_ =	swait.ge [sflag:s24], $0x3E80  }
0xa9: {  	[sflag:s24] =	ssyncset.done $0x0  }
0xaa: {  	[sflag:s24] =	ssyncadd.s32 $0xFFFFC180  }
0xab: {  	_ =	swait.ge [sflag:s25], $0x3E80  }
0xac: {  	s29 =	sshll.u32 s3, $0x6;
	s28 =	sadd.s32 $0x1, s28;
	[sflag:s25] =	ssyncset.done $0x0  }
0xad: {  	s31 =	sshrl.u32 s5, $0x3;
	p0 =	sne.s32 s28, s15;
	[sflag:s25] =	ssyncadd.s32 $0xFFFFC180  }
.Ltmp3:
0xae: {  	s29 =	sor.u32 $0x1C01, s29;
	[bflag:$0x0] =	sbarrier.arrive $0xFFFF;
	(pc) =	sbr.rel @p0 .LBB2_1-.Ltmp3, $4  }
0xaf: {  	[hbm:s14], [sflag:s29] =	dma.local [spmem:s31], $0x2710  }
0xb0: {  	_ =	swait.ge [sflag:s17], $0x2710  }
0xb1: {  	[sflag:s17] =	ssyncset.done $0x0  }
0xb2: {  	[sflag:s17] =	ssyncadd.s32 $0xFFFFD8F0  }
0xb3: {  	_ =	sfence.sel $0x180000  }
0xb4: {  	[bflag:$0x0] =	sbarrier.arrive $0xFFFF  }
0xb5: {  	p0 =	sne.s32 s3, $0x0;
	_ =	strace $0x9000004D  }
0xb6: {  	s0 =	sadd.s32 @!p0 $0x100000, s0;
	[bflag:$0x2] =	sbarrier.arrive $0xFFFF  }
0xb7: {  	[sflag:s0] =	ssyncadd.tile.s32 @!p0 $0x1;
	_ =	shalt  }
.Lfunc_end2:
_tile_overlayer_lowered:
.L_overlay_start_2:
0xb8: {  	(tag) =	ssettag $0x2  }
0xb9: {  	s0 =	rddreg [dreg:$0x0];
	s2 =	stileid.u32  }
0xba: {  	s1 =	rddreg [dreg:$0x1];
	p0 =	sne.s32 s2, $0x0  }
0xbb: {  	s3 =	rddreg [dreg:$0x2];
	[bflag:$0x3] =	sbarrier.arrive $0xFFFF;
	s2 =	simm.s32 @!p0 $0x1C01  }
0xbc: {  	[timem:s3], [sflag:s2] =	dma.local @!p0 [hbm:s0], s1  }
0xbd: {  	s0 =	simm.s32 @!p0 $0x1  }
0xbe: {  	_ =	swait.ge @!p0 [sflag:s0], s1  }
0xbf: {  	s1 =	ssub.s32 @!p0 $0x0, s1;
	[sflag:s0] =	ssyncset.done @!p0 $0x0  }
0xc0: {  	[sflag:s0] =	ssyncadd.s32 @!p0 s1  }
0xc1: {  	[bflag:$0x3] =	sbarrier.arrive $0xFFFF  }
0xc2: {  	_ =	shalt  }

// kernel: kernel.8.cloned.1.call-start
scs
__scs_entry_jumppad:
0x0: {  	(pc) =	sbr.rel $0x88, $3  }
0x1: {  	(tag) =	ssettag $0x0;
	lr =	simm.s32 $0x1  }
0x2: {  	[smem:$0x3F97] =	sst lr;
	_ =	strace $0xD0000000  }
0x3: {  	_ = 	snop  }
0x4: {  	_ = 	snop  }
0x5: {  	_ = 	snop  }
0x6: {  	_ = 	snop  }
0x7: {  	_ = 	snop  }
__scs_overlays_trampoline_lowered:
0x8: {  	[smem:$0x3FA6] =	sst s0  }
0x9: {  	[smem:$0x3FA7] =	sst s1  }
0xa: {  	[smem:$0x3FA8] =	sst s2  }
0xb: {  	[smem:$0x3FA9] =	sst s3  }
0xc: {  	[smem:$0x3FAA] =	sst s4  }
0xd: {  	[smem:$0x3FAB] =	sst s5  }
0xe: {  	[smem:$0x3FAC] =	sst s6  }
0xf: {  	[smem:$0x3FAD] =	sst s7  }
0x10: {  	[smem:$0x3FAE] =	sst s8  }
0x11: {  	[smem:$0x3FAF] =	sst s9;
	s0 =	simm.s32 @!p0 $0x0  }
0x12: {  	s1 =	sld [smem:$0x3F95];
	s0 =	simm.s32 @p0 $0x1  }
0x13: {  	[smem:$0x3FB0] =	sst s0;
	s0 =	simm.s32 @!p1 $0x0  }
0x14: {  	s2 =	sld [smem:$0x3F94];
	s0 =	simm.s32 @p1 $0x1  }
0x15: {  	[smem:$0x3FB1] =	sst s0;
	s0 =	simm.s32 @!p2 $0x0  }
0x16: {  	s3 =	sld [smem:$0x3FDB];
	s0 =	simm.s32 @p2 $0x1  }
0x17: {  	s4 =	simm.s32 $0x1BF5;
	[smem:$0x3FB3] =	sst s0  }
0x18: {  	s0 =	sld [smem:$0x3F96];
	_ =	swait.ge [sflag:s4], $0x0  }
0x19: {  	s7 =	sld [smem:$0x3F97]  }
0x1a: {  	s8 =	sadd.s32 $0xFFFFE003, lr  }
0x1b: {  	s9 =	sadd.s32 $0xFFFFFEF7, lr;
	s5 =	simm.s32 $0xFFFFFFFF;
	p2 =	slt.u32 s8, $0xFFFFF086  }
0x1c: {  	p1 =	slt.u32 s9, $0xF7A;
	s5 =	simm.s32 @!p2 $0x0  }
0x1d: {  	s5 =	simm.s32 @p1 $0x1;
	p0 =	seq.s32 s7, s2  }
0x1e: {  	s7 =	smul.u32 @!p0 $0xF7A, s2;
	p2 =	seq.s32 @!p0 s5, $0x0  }
0x1f: {  	s9 =	smul.u32 $0xF7A, s1;
	s8 =	simm.s32 @!p0 $0x1BF5;
	p2 =	por !p2, p0  }
0x20: {  	[sflag:s8] =	ssyncset.s32 @!p0 $0xFFFFF086;
	s6 =	sadd.s32 @!p0 s3, s7;
	s7 =	simm.s32 @!p0 $0x108  }
0x21: {  	s3 =	sadd.s32 s3, s9;
	s6 =	sadd.s32 @!p0 $0x88, s6;
	s7 =	simm.s32 @p2 $0x1082  }
0x22: {  	[simem:s7], [sflag:s8] =	dma.local @!p0 [hbm:s6], $0xF7A  }
0x23: {  	s9 =	sor.u32 $0xD0000000, s2;
	s6 =	simm.s32 $0x108;
	_ =	swait.ge @!p0 [sflag:s8], $0x0  }
0x24: {  	s3 =	sadd.s32 $0x88, s3;
	s6 =	simm.s32 @!p1 $0x1082;
	[sflag:s4] =	ssyncset.s32 $0xFFFFF086  }
0x25: {  	[simem:s6], [sflag:s4] =	dma.local [hbm:s3], $0xF7A  }
0x26: {  	[smem:$0x3F97] =	sst s1;
	(tag) =	ssettag s2;
	_ =	strace s9  }
0x27: {  	s1 =	sld [smem:$0x3FA7]  }
0x28: {  	s2 =	sld [smem:$0x3FA8]  }
0x29: {  	s4 =	sld [smem:$0x3FAA]  }
0x2a: {  	p0 =	seq.s32 s5, $0x0;
	s5 =	sld [smem:$0x3FAB]  }
0x2b: {  	s6 =	sld [smem:$0x3FAC]  }
0x2c: {  	s7 =	sld [smem:$0x3FAD]  }
0x2d: {  	s3 =	simm.s32 $0x108;
	s8 =	sld [smem:$0x3FAE]  }
0x2e: {  	s3 =	simm.s32 @!p0 $0x1082;
	s9 =	sld [smem:$0x3FAF]  }
0x2f: {  	lr =	sadd.s32 s0, s3;
	s0 =	sld [smem:$0x3FA6]  }
0x30: {  	s3 =	sld [smem:$0x3FA9]  }
0x31: {  	[smem:$0x3FB2] =	sst s10  }
0x32: {  	s10 =	sld [smem:$0x3FB0];
	_ =	sdelay $0x3  }
0x33: {  	p0 =	seq.s32 s10, $0x1;
	s10 =	sld [smem:$0x3FB2];
	_ =	sdelay $0x3  }
0x34: {  	[smem:$0x3FB2] =	sst s10  }
0x35: {  	s10 =	sld [smem:$0x3FB1];
	_ =	sdelay $0x3  }
0x36: {  	p1 =	seq.s32 s10, $0x1;
	s10 =	sld [smem:$0x3FB2];
	_ =	sdelay $0x3  }
0x37: {  	[smem:$0x3FB2] =	sst s10  }
0x38: {  	s10 =	sld [smem:$0x3FB3]  }
0x39: {  	_ = 	snop;
	(pc) =	sbr.ind lr, $3  }
0x3a: {  	_ = 	snop  }
0x3b: {  	_ = 	snop  }
0x3c: {  	p2 =	seq.s32 s10, $0x1;
	s10 =	sld [smem:$0x3FB2]  }
0x3d: {  	_ =	shalt  }
0x3e: {  	_ =	shalt  }
0x3f: {  	_ =	shalt  }
0x40: {  	_ =	shalt  }
0x41: {  	_ =	shalt  }
0x42: {  	_ =	shalt  }
0x43: {  	_ =	shalt  }
0x44: {  	_ =	shalt  }
0x45: {  	_ =	shalt  }
0x46: {  	_ =	shalt  }
0x47: {  	_ =	shalt  }
0x48: {  	_ =	shalt  }
0x49: {  	_ =	shalt  }
0x4a: {  	_ =	shalt  }
0x4b: {  	_ =	shalt  }
0x4c: {  	_ =	shalt  }
0x4d: {  	_ =	shalt  }
0x4e: {  	_ =	shalt  }
0x4f: {  	_ =	shalt  }
0x50: {  	_ =	shalt  }
0x51: {  	_ =	shalt  }
0x52: {  	_ =	shalt  }
0x53: {  	_ =	shalt  }
0x54: {  	_ =	shalt  }
0x55: {  	_ =	shalt  }
0x56: {  	_ =	shalt  }
0x57: {  	_ =	shalt  }
0x58: {  	_ =	shalt  }
0x59: {  	_ =	shalt  }
0x5a: {  	_ =	shalt  }
0x5b: {  	_ =	shalt  }
0x5c: {  	_ =	shalt  }
0x5d: {  	_ =	shalt  }
0x5e: {  	_ =	shalt  }
0x5f: {  	_ =	shalt  }
0x60: {  	_ =	shalt  }
0x61: {  	_ =	shalt  }
0x62: {  	_ =	shalt  }
0x63: {  	_ =	shalt  }
0x64: {  	_ =	shalt  }
0x65: {  	_ =	shalt  }
0x66: {  	_ =	shalt  }
0x67: {  	_ =	shalt  }
0x68: {  	_ =	shalt  }
0x69: {  	_ =	shalt  }
0x6a: {  	_ =	shalt  }
0x6b: {  	_ =	shalt  }
0x6c: {  	_ =	shalt  }
0x6d: {  	_ =	shalt  }
0x6e: {  	_ =	shalt  }
0x6f: {  	_ =	shalt  }
0x70: {  	_ =	shalt  }
0x71: {  	_ =	shalt  }
0x72: {  	_ =	shalt  }
0x73: {  	_ =	shalt  }
0x74: {  	_ =	shalt  }
0x75: {  	_ =	shalt  }
0x76: {  	_ =	shalt  }
0x77: {  	_ =	shalt  }
0x78: {  	_ =	shalt  }
0x79: {  	_ =	shalt  }
0x7a: {  	_ =	shalt  }
0x7b: {  	_ =	shalt  }
0x7c: {  	_ =	shalt  }
0x7d: {  	_ =	shalt  }
0x7e: {  	_ =	shalt  }
0x7f: {  	_ =	shalt  }
0x80: {  	_ =	shalt  }
0x81: {  	_ =	shalt  }
0x82: {  	_ =	shalt  }
0x83: {  	_ =	shalt  }
0x84: {  	_ =	shalt  }
0x85: {  	_ =	shalt  }
0x86: {  	_ =	shalt  }
0x87: {  	_ =	shalt  }
.Lfunc_end0:
.L_simem_size_0:
called_computation_lowered:
.L_overlay_start_0:
0x88: {  	s2 =	sld [smem:$0x3FD9]  }
0x89: {  	s3 =	sld [smem:$0x3FFE];
	_ =	sdelay $0x1  }
0x8a: {  	s1 =	srdreg.scid  }
0x8b: {  	s0 =	sand.u32 $0x1, s1  }
0x8c: {  	s17 =	sshll.u32 s0, $0xA;
	s2 =	sadd.s32 s3, s2  }
0x8d: {  	s2 =	sadd.s32 s2, s17  }
0x8e: {  	[smem:$0x3FBE] =	sst s2  }
0x8f: {  	_ = 	snop  }
0x90: {  	s2 =	sld [smem:$0x3FD0];
	(tm) =	ssettm $0x1  }
0x91: {  	s18 =	sld [smem:$0x3FFB];
	_ =	sdelay $0x3  }
0x92: {  	_ =	strace s18  }
0x93: {  	s3 =	sld [smem:$0x3FFC];
	_ =	sdelay $0x3  }
0x94: {  	_ =	strace s3  }
0x95: {  	s3 =	sld [smem:$0x3FFD];
	_ =	sdelay $0x3  }
0x96: {  	_ =	strace s3  }
0x97: {  	_ =	strace $0x8FFFFFFF  }
0x98: {  	s19 =	sld [smem:$0x3FDB];
	_ =	sdelay $0x1  }
0x99: {  	s4 =	simm.s32 $_scs_section_size  }
0x9a: {  	s5 =	simm.s32 $_size__tile_overlayer_lowered;
	s6 =	simm.s32 $_tile_overlayer_lowered  }
0x9b: {  	s22 =	simm.s32 $0x1BFF;
	s21 =	sshll.u32 s6, $0x1;
	s3 =	sadd.s32 s4, s19  }
0x9c: {  	s7 =	simm.s32 $0x0;
	s20 =	sshll.u32 s5, $0x1;
	s5 =	sadd.s32 s21, s3  }
0x9d: {  	[timem:s7], [sflag:s22] =	dma.local [hbm:s5], s20  }
0x9e: {  	_ =	swait.ge [sflag:s22], s20  }
0x9f: {  	s4 =	ssub.s32 $0x0, s20;
	[sflag:s22] =	ssyncset.done $0x0  }
0xa0: {  	[sflag:s22] =	ssyncadd.s32 s4;
	_ =	sdelay $0x1  }
0xa1: {  	s23 =	simm.s32 $0x1B8B  }
0xa2: {  	_ =	swait.ge [sflag:s23], $0x1  }
0xa3: {  	[sflag:s23] =	ssyncset.done $0x0  }
0xa4: {  	s25 =	simm.s32 $0x1B8E;
	s24 =	sld [smem:$0x3FFE];
	[sflag:s23] =	ssyncadd.s32 $0xFFFFFFFF  }
0xa5: {  	s26 =	simm.s32 $execute0_lowered;
	[smem:$0x3FD2] =	sst s25  }
0xa6: {  	s5 =	sshll.u32 s26, $0x1;
	_ =	strace $0x80000046;
	[dreg:$0x1] =	wrdreg $0xFFFFFFFF  }
0xa7: {  	s28 =	simm.s32 $_size_execute0_lowered;
	s3 =	sadd.s32 s3, s5;
	[dreg:$0x0] =	wrdreg $0x0  }
0xa8: {  	s5 =	sshll.u32 s28, $0x1;
	[dreg:$0x2] =	wrdreg s3  }
0xa9: {  	[dreg:$0x3] =	wrdreg s5  }
0xaa: {  	[dreg:$0x4] =	wrdreg $0xC0  }
0xab: {  	_ =	task [dreg:s7], $0x5FFFF  }
0xac: {  	[dreg:$0x1] =	wrdreg $0xFFFFFFFF  }
0xad: {  	[dreg:$0x0] =	wrdreg $0x60  }
0xae: {  	[dreg:$0x2] =	wrdreg s24  }
0xaf: {  	[dreg:$0x3] =	wrdreg s2  }
0xb0: {  	[dreg:$0x4] =	wrdreg $0xA8000  }
0xb1: {  	[dreg:$0x5] =	wrdreg $0x9  }
0xb2: {  	_ =	task.clear_ibuf [dreg:s7], $0x6FFFF;
	_ =	strace $0x90000046  }
0xb3: {  	s29 =	simm.s32 $0x9;
	_ =	strace $0x80000048  }
0xb4: {  	_ =	swait.ge [sflag:s29], $0x1  }
0xb5: {  	[sflag:s29] =	ssyncadd.s32 $0xFFFFFFFF  }
0xb6: {  	_ =	strace $0x90000048  }
0xb7: {  	_ =	sfence  }
0xb8: {  	s30 =	sld [smem:$0x0];
	_ =	sdelay $0x2  }
0xb9: {  	s31 =	sshll.u32 s1, $0xD;
	s1 =	sshrl.u32 s1, $0x2  }
0xba: {  	s3 =	sand.u32 $0x4000, s31;
	s1 =	sadd.s32 s1, s30  }
0xbb: {  	s0 =	sor.u32 s3, s0;
	s1 =	sshll.u32 s1, $0x11  }
0xbc: {  	s0 =	sor.u32 s1, s0  }
0xbd: {  	s0 =	sadd.s32 $0x8F2B, s0  }
0xbe: {  	[sflag:s0] =	ssyncadd.remote.s32 $0x1  }
0xbf: {  	_ =	sfence.sel $0xFFFF  }
0xc0: {  	[dreg:$0x0] =	wrdreg $0xFFFFFFFF;
	(pc) =	sbr.abs _section_cstart, $3  }
0xc1: {  	[dreg:$0x1] =	wrdreg $0xFFFFFFFF  }
0xc2: {  	_ =	task.clear_ibuf [dreg:s7], $0x2FFFF;
	_ =	strace $0x9FFFFFFF  }
0xc3: {  	(tm) =	ssettm $0x7FFFFFFF  }
tec
execute0_lowered:
.L_overlay_start_1:
0x0: {  	(tag) =	ssettag $0x1  }
0x1: {  	s5 =	rddreg [dreg:$0x0]  }
0x2: {  	s2 =	rddreg [dreg:$0x1];
	s0 =	srdreg.scid  }
0x3: {  	s3 =	rddreg [dreg:$0x2];
	s1 =	stileid.u32  }
0x4: {  	s4 =	simm.s32 $0x0;
	s14 =	simm.s32 $0x1;
	s15 =	simm.s32 $0x2800  }
0x5: {  	s16 =	simm.s32 $0x6800;
	s17 =	simm.s32 $0x7D;
	s18 =	simm.s32 $0x80  }
0x6: {  	s19 =	simm.s32 $0x100;
	s20 =	simm.s32 $0x180;
	s23 =	simm.s32 $0x0  }
0x7: {  	s6 =	sand.u32 $0x1, s0;
	s0 =	rddreg [dreg:$0x3];
	s9 =	smul.u32 $0x13C00, s1  }
0x8: {  	s7 =	sshll.u32 s1, $0x1;
	[smem:$0x7FF] =	sst s4;
	s29 =	smul.u32 $0x4E200, s1  }
0x9: {  	s21 =	sshll.u32 s1, $0x6;
	s8 =	smul.u32 $0x13C000, s6;
	s7 =	sor.u32 s6, s7  }
0xa: {  	_ =	strace $0x80000047;
	s6 =	ssub.s32 $0x2, s6;
	s21 =	sor.u32 $0x1C01, s21  }
0xb: {  	s7 =	smul.u32 $0x500, s7;
	s30 =	sshrl.u32 s6, $0x1;
	s31 =	sshrl.u32 s29, $0x2  }
0xc: {  	s8 =	sadd.s32 s9, s8;
	s13 =	ssub.s32 s6, s30;
	s6 =	sadd.s32 s31, s3  }
0xd: {  	s7 =	sadd.s32 s7, s5;
	s8 =	sshrl.u32 s8, $0x3;
	s9 =	sadd.s32 $0x7D00, s6  }
0xe: {  	s10 =	sadd.s32 $0xBB80, s6;
	s11 =	sadd.s32 $0xFA00, s6;
	s13 =	smax.u32 s13, $0x1  }
0xf: {  	s22 =	sshrl.u32 s6, $0x3;
	s12 =	sadd.s32 s8, s5;
	s5 =	sadd.s32 $0x3400, s7  }
0x10: {  	s7 =	sadd.s32 $0x800, s2;
	s8 =	sadd.s32 $0x3E80, s6;
	s12 =	sadd.s32 $0xD400, s12  }
.LBB2_1:
0x11: {  	[tilespmem:s4], [sflag:$0x1] =	stream.linear.gather [hbm4b:s5+s4], $0x2800, $0x38;
	[tilespmem:$0x1E080] =	vst v63  }
0x12: {  	_ =	swait.ge [sflag:s14], $0x2800  }
0x13: {  	[sflag:s14] =	ssyncset.done $0x0  }
0x14: {  	[sflag:s14] =	ssyncadd.s32 $0xFFFFD800  }
0x15: {  	[tilespmem:s15], [sflag:$0x1] =	stream.linear.gather [hbm4b:s2+s4], $0x3E80, $0x38;
	[tilespmem:$0x1E080] =	vst v63  }
0x16: {  	_ =	swait.ge [sflag:s14], $0x3E80  }
0x17: {  	[sflag:s14] =	ssyncset.done $0x0  }
0x18: {  	[sflag:s14] =	ssyncadd.s32 $0xFFFFC180  }
0x19: {  	[tilespmem:s16], [sflag:$0x1] =	stream.linear.gather [hbm4b:s7+s4], $0x3E80, $0x38;
	[tilespmem:$0x1E080] =	vst v63  }
0x1a: {  	_ =	swait.ge [sflag:s14], $0x3E80  }
0x1b: {  	[sflag:s14] =	ssyncset.done $0x0  }
0x1c: {  	[sflag:s14] =	ssyncadd.s32 $0xFFFFC180  }
0x1d: {  	[spmem:s6] =	stream.linear.scatter [tilespmem:s15], [sflag:$0x1], $0x3E80, $0x38;
	[tilespmem:$0x1E080] =	vst v63  }
0x1e: {  	_ =	swait.ge [sflag:s14], $0x3E80  }
0x1f: {  	[sflag:s14] =	ssyncset.done $0x0  }
0x20: {  	[sflag:s14] =	ssyncadd.s32 $0xFFFFC180  }
0x21: {  	[spmem:s8] =	stream.linear.scatter [tilespmem:s15], [sflag:$0x1], $0x3E80, $0x38;
	[tilespmem:$0x1E080] =	vst v63  }
0x22: {  	_ =	swait.ge [sflag:s14], $0x3E80  }
0x23: {  	[sflag:s14] =	ssyncset.done $0x0  }
0x24: {  	[sflag:s14] =	ssyncadd.s32 $0xFFFFC180  }
0x25: {  	[spmem:s9] =	stream.linear.scatter [tilespmem:s15], [sflag:$0x1], $0x3E80, $0x38;
	[tilespmem:$0x1E080] =	vst v63  }
0x26: {  	_ =	swait.ge [sflag:s14], $0x3E80  }
0x27: {  	[sflag:s14] =	ssyncset.done $0x0  }
0x28: {  	[sflag:s14] =	ssyncadd.s32 $0xFFFFC180  }
0x29: {  	[spmem:s10] =	stream.linear.scatter [tilespmem:s15], [sflag:$0x1], $0x3E80, $0x38;
	[tilespmem:$0x1E080] =	vst v63  }
0x2a: {  	_ =	swait.ge [sflag:s14], $0x3E80  }
0x2b: {  	[sflag:s14] =	ssyncset.done $0x0  }
0x2c: {  	[sflag:s14] =	ssyncadd.s32 $0xFFFFC180  }
0x2d: {  	[spmem:s11] =	stream.linear.scatter [tilespmem:s15], [sflag:$0x1], $0x3E80, $0x38;
	[tilespmem:$0x1E080] =	vst v63  }
0x2e: {  	_ =	swait.ge [sflag:s14], $0x3E80  }
0x2f: {  	[sflag:s14] =	ssyncset.done $0x0  }
0x30: {  	[sflag:s14] =	ssyncadd.s32 $0xFFFFC180  }
0x31: {  	[bflag:$0x0] =	sbarrier.arrive $0xFFFF  }
0x32: {  	[spmem:s3] =	stream.indirect.scatter.add.f32 [tilespmem:s16], [sflag:$0x1], $0x80, s4, s17, $0xb8;
	[tilespmem:$0x1E080] =	vst v63  }
0x33: {  	_ = 	snop  }
0x34: {  	[spmem:s3] =	stream.indirect.scatter.add.f32 [tilespmem:s16], [sflag:$0x1], $0x80, s18, s17, $0xb8;
	[tilespmem:$0x1E080] =	vst v63  }
0x35: {  	_ = 	snop  }
0x36: {  	[spmem:s3] =	stream.indirect.scatter.add.f32 [tilespmem:s16], [sflag:$0x1], $0x80, s19, s17, $0xb8;
	[tilespmem:$0x1E080] =	vst v63  }
0x37: {  	_ = 	snop  }
0x38: {  	[spmem:s3] =	stream.indirect.scatter.add.f32 [tilespmem:s16], [sflag:$0x1], $0x80, s20, s17, $0xb8;
	[tilespmem:$0x1E080] =	vst v63  }
0x39: {  	_ =	swait.ge [sflag:s14], $0x3E80  }
0x3a: {  	[sflag:s14] =	ssyncset.done $0x0  }
0x3b: {  	s24 =	simm.s32 $0xA00;
	s25 =	simm.s32 $0x200;
	[sflag:s14] =	ssyncadd.s32 $0xFFFFC180  }
.LBB2_2:
0x3c: {  	[spmem:s3] =	stream.indirect.scatter.add.f32 [tilespmem:s16], [sflag:$0x1], $0x80, s25, s17, $0xb8;
	[tilespmem:$0x1E080] =	vst v63  }
0x3d: {  	s25 =	smov.u32 s24;
	p0 =	sne.s32 s24, $0x9E00  }
.Ltmp0:
0x3e: {  	s24 =	sadd.s32 $0x200, s24;
	(pc) =	sbr.rel @p0 .LBB2_2-.Ltmp0, $4  }
0x3f: {  	_ = 	snop  }
0x40: {  	_ =	swait.ge [sflag:s14], $0x3E80  }
0x41: {  	[sflag:s14] =	ssyncset.done $0x0  }
0x42: {  	s25 =	sshra.s32 s25, $0x2;
	[sflag:s14] =	ssyncadd.s32 $0xFFFFC180  }
0x43: {  	[spmem:s3] =	stream.indirect.scatter.add.f32 [tilespmem:s16], [sflag:$0x1], $0x80, s25, s17, $0xb8;
	[tilespmem:$0x1E080] =	vst v63  }
0x44: {  	_ =	swait.ge [sflag:s14], $0x3E80  }
0x45: {  	[sflag:s14] =	ssyncset.done $0x0  }
0x46: {  	[sflag:s14] =	ssyncadd.s32 $0xFFFFC180  }
0x47: {  	_ =	swait.ge [sflag:s14], $0x3E80  }
0x48: {  	[sflag:s14] =	ssyncset.done $0x0  }
0x49: {  	[sflag:s14] =	ssyncadd.s32 $0xFFFFC180  }
0x4a: {  	_ =	swait.ge [sflag:s14], $0x3E80  }
0x4b: {  	[sflag:s14] =	ssyncset.done $0x0  }
0x4c: {  	[sflag:s14] =	ssyncadd.s32 $0xFFFFC180  }
0x4d: {  	_ =	swait.ge [sflag:s14], $0x3E80  }
0x4e: {  	s23 =	sadd.s32 $0x1, s23;
	[sflag:s14] =	ssyncset.done $0x0  }
0x4f: {  	p0 =	sne.s32 s23, s13;
	[sflag:s14] =	ssyncadd.s32 $0xFFFFC180  }
.Ltmp1:
0x50: {  	[bflag:$0x0] =	sbarrier.arrive $0xFFFF;
	(pc) =	sbr.rel @p0 .LBB2_1-.Ltmp1, $4  }
0x51: {  	[hbm:s12], [sflag:s21] =	dma.local [spmem:s22], $0x2710  }
0x52: {  	_ =	swait.ge [sflag:s14], $0x2710  }
0x53: {  	[sflag:s14] =	ssyncset.done $0x0  }
0x54: {  	[sflag:s14] =	ssyncadd.s32 $0xFFFFD8F0  }
0x55: {  	_ =	sfence.sel $0x180000  }
0x56: {  	[bflag:$0x0] =	sbarrier.arrive $0xFFFF  }
0x57: {  	p0 =	sne.s32 s1, $0x0;
	_ =	strace $0x90000047  }
0x58: {  	s0 =	sadd.s32 @!p0 $0x100000, s0;
	[bflag:$0x2] =	sbarrier.arrive $0xFFFF  }
0x59: {  	[sflag:s0] =	ssyncadd.tile.s32 @!p0 $0x1;
	_ =	shalt  }
.Lfunc_end2:
_tile_overlayer_lowered:
.L_overlay_start_2:
0x5a: {  	(tag) =	ssettag $0x2  }
0x5b: {  	s0 =	rddreg [dreg:$0x0];
	s2 =	stileid.u32  }
0x5c: {  	s1 =	rddreg [dreg:$0x1];
	p0 =	sne.s32 s2, $0x0  }
0x5d: {  	s3 =	rddreg [dreg:$0x2];
	[bflag:$0x3] =	sbarrier.arrive $0xFFFF;
	s2 =	simm.s32 @!p0 $0x1C01  }
0x5e: {  	[timem:s3], [sflag:s2] =	dma.local @!p0 [hbm:s0], s1  }
0x5f: {  	s0 =	simm.s32 @!p0 $0x1  }
0x60: {  	_ =	swait.ge @!p0 [sflag:s0], s1  }
0x61: {  	s1 =	ssub.s32 @!p0 $0x0, s1;
	[sflag:s0] =	ssyncset.done @!p0 $0x0  }
0x62: {  	[sflag:s0] =	ssyncadd.s32 @!p0 s1  }
0x63: {  	[bflag:$0x3] =	sbarrier.arrive $0xFFFF  }
0x64: {  	_ =	shalt  }

</sc_bundles>
